<compile_context>
chip_gen: v7x
topology: tpu7x:2x2x1
jax: 0.10.2.dev20260603
libtpu: 0.0.44.dev20260713+nightly
codegen_flags: <defaults>
</compile_context>

<pallas_src>
import functools
import math

import jax
import jax.numpy as jnp
from jax import lax
from jax.experimental import pallas as pl
from jax.experimental.pallas import tpu as pltpu
from jax.experimental.pallas import tpu_sc as plsc

HIDDEN = 128
NUM_GAUSSIANS = 50
CUTOFF = 10.0
N_NODES = 10000
N_EDGES = 320000
LOG2 = math.log(2.0)

NW = 32
EDGE_BLK = 80
E_PAD = 327680
HALF_E = E_PAD // 2
PER_W = E_PAD // NW
BLKS_PER_W = PER_W // EDGE_BLK
FILT_BLK = 2560
FILT_BLKS = HALF_E // FILT_BLK
ACC_ROWS = 10240
ROWS_PER_SUBCORE = ACC_ROWS // 16


def _ssp(v):
    return jnp.maximum(v, 0.0) + jnp.log(1.0 + jnp.exp(-jnp.abs(v))) - LOG2


def _filter_body(ea_ref, m0t_ref, b0_ref, m2t_ref, b2_ref, out_ref):
    a = ea_ref[...]
    h = jnp.dot(a, m0t_ref[...], preferred_element_type=jnp.float32)
    h = _ssp(h + b0_ref[...])
    w = jnp.dot(h.astype(jnp.bfloat16), m2t_ref[...],
                preferred_element_type=jnp.float32)
    out_ref[...] = w + b2_ref[...]


def _filter_w(ea, off, m0t, b0, m2t, b2):
    last = N_EDGES // FILT_BLK - 1
    return pl.pallas_call(
        _filter_body,
        grid=(FILT_BLKS,),
        in_specs=[
            pl.BlockSpec((FILT_BLK, NUM_GAUSSIANS),
                         lambda b: (jnp.minimum(b + off, last), 0)),
            pl.BlockSpec((NUM_GAUSSIANS, HIDDEN), lambda b: (0, 0)),
            pl.BlockSpec((1, HIDDEN), lambda b: (0, 0)),
            pl.BlockSpec((HIDDEN, HIDDEN), lambda b: (0, 0)),
            pl.BlockSpec((1, HIDDEN), lambda b: (0, 0)),
        ],
        out_specs=pl.BlockSpec((FILT_BLK, HIDDEN), lambda b: (b, 0)),
        out_shape=jax.ShapeDtypeStruct((HALF_E, HIDDEN), jnp.float32),
    )(ea, m0t, b0, m2t, b2)


def _xh_body(x_ref, wt_ref, out_ref):
    out_ref[...] = jnp.dot(x_ref[...], wt_ref[...],
                           preferred_element_type=jnp.float32)


def _xh(x, lin1_wt):
    blk = 2000
    return pl.pallas_call(
        _xh_body,
        grid=(N_NODES // blk,),
        in_specs=[
            pl.BlockSpec((blk, HIDDEN), lambda b: (b, 0)),
            pl.BlockSpec((HIDDEN, HIDDEN), lambda b: (0, 0)),
        ],
        out_specs=pl.BlockSpec((blk, HIDDEN), lambda b: (b, 0)),
        out_shape=jax.ShapeDtypeStruct((N_NODES, HIDDEN), jnp.float32),
    )(x, lin1_wt)


def _sc_body(xh, wc0, wc1, cenv, src_h, dst_h, zero, out,
             srcb0, srcb1, srcb2, srcb3, dstb0, dstb1, dstb2, dstb3,
             rows0, rows1, w0, w1, cb0, cb1, acc,
             isem0, isem1, isem2, isem3, dsem0, dsem1):
    c = lax.axis_index("c")
    s = lax.axis_index("s")
    r0 = s * ROWS_PER_SUBCORE
    pltpu.sync_copy(zero.at[pl.ds(r0, ROWS_PER_SUBCORE)],
                    acc.at[pl.ds(r0, ROWS_PER_SUBCORE)])
    plsc.subcore_barrier()

    wid = c * 16 + s
    srcb = (srcb0, srcb1, srcb2, srcb3)
    dstb = (dstb0, dstb1, dstb2, dstb3)
    rows = (rows0, rows1)
    wbuf = (w0, w1)
    cbuf = (cb0, cb1)
    isems = (isem0, isem1, isem2, isem3)
    dsems = (dsem0, dsem1)

    def wbase(i):
        return s * PER_W + i * EDGE_BLK

    def ebase(i):
        return wid * PER_W + i * EDGE_BLK

    def issue_idx(i, q):
        pltpu.async_copy(src_h.at[pl.ds(ebase(i), EDGE_BLK)], srcb[q], isems[q])
        pltpu.async_copy(dst_h.at[pl.ds(ebase(i), EDGE_BLK)], dstb[q], isems[q])

    def drain_idx(q):
        pltpu.make_async_copy(src_h.at[pl.ds(0, EDGE_BLK)],
                              srcb[q], isems[q]).wait()
        pltpu.make_async_copy(src_h.at[pl.ds(0, EDGE_BLK)],
                              dstb[q], isems[q]).wait()

    def issue_data(i, d, q):
        pltpu.async_copy(xh.at[srcb[q]], rows[d], dsems[d])

        @pl.when(c == 0)
        def _():
            pltpu.async_copy(wc0.at[pl.ds(wbase(i), EDGE_BLK)],
                             wbuf[d], dsems[d])

        @pl.when(c == 1)
        def _():
            pltpu.async_copy(wc1.at[pl.ds(wbase(i), EDGE_BLK)],
                             wbuf[d], dsems[d])

        pltpu.async_copy(cenv.at[pl.ds(ebase(i), EDGE_BLK)], cbuf[d], dsems[d])

    def drain_data(d):
        pltpu.make_async_copy(xh.at[pl.ds(0, EDGE_BLK)],
                              rows[d], dsems[d]).wait()
        pltpu.make_async_copy(xh.at[pl.ds(0, EDGE_BLK)],
                              wbuf[d], dsems[d]).wait()
        pltpu.make_async_copy(cenv.at[pl.ds(0, EDGE_BLK)],
                              cbuf[d], dsems[d]).wait()

    for q in range(4):
        issue_idx(q, q)
    drain_idx(0)
    issue_data(0, 0, 0)
    drain_idx(1)
    issue_data(1, 1, 1)

    def blk4(k, carry):
        for m in range(4):
            i = 4 * k + m
            d = m % 2
            q = m
            drain_data(d)

            @plsc.parallel_loop(0, EDGE_BLK, unroll=2)
            def mul(e):
                ce = plsc.load_gather(cbuf[d],
                                      [jnp.full((16,), e, jnp.int32)])
                for j in range(HIDDEN // 16):
                    sl = pl.ds(j * 16, 16)
                    rows[d][e, sl] = rows[d][e, sl] * wbuf[d][e, sl] * ce
            pltpu.sync_copy(rows[d], acc.at[dstb[q]], add=True)

            @pl.when(i + 4 < BLKS_PER_W)
            def _():
                issue_idx(i + 4, q)

            @pl.when(i + 2 < BLKS_PER_W)
            def _():
                drain_idx((m + 2) % 4)
                issue_data(i + 2, d, (m + 2) % 4)
        return carry

    lax.fori_loop(0, BLKS_PER_W // 4, blk4, 0)
    plsc.subcore_barrier()
    pltpu.sync_copy(acc.at[pl.ds(r0, ROWS_PER_SUBCORE)],
                    out.at[c, pl.ds(r0, ROWS_PER_SUBCORE)])


def _sc_scatter(xh, wc0, wc1, cenv, src_h, dst_h, zero):
    mesh = plsc.VectorSubcoreMesh(core_axis_name="c", subcore_axis_name="s")
    kfn = functools.partial(
        pl.kernel,
        mesh=mesh,
        compiler_params=pltpu.CompilerParams(needs_layout_passes=False),
        out_type=jax.ShapeDtypeStruct((2, ACC_ROWS, HIDDEN), jnp.float32),
        scratch_types=[
            pltpu.VMEM((EDGE_BLK,), jnp.int32),
            pltpu.VMEM((EDGE_BLK,), jnp.int32),
            pltpu.VMEM((EDGE_BLK,), jnp.int32),
            pltpu.VMEM((EDGE_BLK,), jnp.int32),
            pltpu.VMEM((EDGE_BLK,), jnp.int32),
            pltpu.VMEM((EDGE_BLK,), jnp.int32),
            pltpu.VMEM((EDGE_BLK,), jnp.int32),
            pltpu.VMEM((EDGE_BLK,), jnp.int32),
            pltpu.VMEM((EDGE_BLK, HIDDEN), jnp.float32),
            pltpu.VMEM((EDGE_BLK, HIDDEN), jnp.float32),
            pltpu.VMEM((EDGE_BLK, HIDDEN), jnp.float32),
            pltpu.VMEM((EDGE_BLK, HIDDEN), jnp.float32),
            pltpu.VMEM((EDGE_BLK,), jnp.float32),
            pltpu.VMEM((EDGE_BLK,), jnp.float32),
            pltpu.VMEM_SHARED((ACC_ROWS, HIDDEN), jnp.float32),
            pltpu.SemaphoreType.DMA,
            pltpu.SemaphoreType.DMA,
            pltpu.SemaphoreType.DMA,
            pltpu.SemaphoreType.DMA,
            pltpu.SemaphoreType.DMA,
            pltpu.SemaphoreType.DMA,
        ],
    )(_sc_body)
    return kfn(xh, wc0, wc1, cenv, src_h, dst_h, zero)


def _tail_body(p0_ref, l2t_ref, b2_ref, lwt_ref, lb_ref, out_ref):
    s = p0_ref[0] + p0_ref[1]
    t = _ssp(jnp.dot(s, l2t_ref[...], preferred_element_type=jnp.float32)
             + b2_ref[...])
    out_ref[...] = jnp.dot(t, lwt_ref[...],
                           preferred_element_type=jnp.float32) + lb_ref[...]


def _tail(parts0, lin2_wt, lin2_b, lin_wt, lin_b):
    blk = 2000
    return pl.pallas_call(
        _tail_body,
        grid=(N_NODES // blk,),
        in_specs=[
            pl.BlockSpec((2, blk, HIDDEN), lambda b: (0, b, 0)),
            pl.BlockSpec((HIDDEN, HIDDEN), lambda b: (0, 0)),
            pl.BlockSpec((1, HIDDEN), lambda b: (0, 0)),
            pl.BlockSpec((HIDDEN, HIDDEN), lambda b: (0, 0)),
            pl.BlockSpec((1, HIDDEN), lambda b: (0, 0)),
        ],
        out_specs=pl.BlockSpec((blk, HIDDEN), lambda b: (b, 0)),
        out_shape=jax.ShapeDtypeStruct((N_NODES, HIDDEN), jnp.float32),
    )(parts0, lin2_wt, lin2_b, lin_wt, lin_b)


def kernel(x, edge_index, edge_weight, edge_attr,
           mlp0_w, mlp0_b, mlp2_w, mlp2_b,
           lin1_w, lin2_w, lin2_b, lin_w, lin_b):
    pad = E_PAD - N_EDGES
    src = jnp.concatenate([edge_index[0].astype(jnp.int32),
                           jnp.zeros((pad,), jnp.int32)])
    dst = jnp.concatenate([edge_index[1].astype(jnp.int32),
                           jnp.zeros((pad,), jnp.int32)])
    cenv = jnp.concatenate(
        [0.5 * (jnp.cos(edge_weight.astype(jnp.float32) * (math.pi / CUTOFF))
                + 1.0),
         jnp.zeros((pad,), jnp.float32)])
    m0t = mlp0_w.T.astype(jnp.bfloat16)
    m2t = mlp2_w.T.astype(jnp.bfloat16)
    b0 = mlp0_b.reshape(1, HIDDEN)
    b2 = mlp2_b.reshape(1, HIDDEN)
    xh = _xh(x, lin1_w.T)
    zero = jnp.zeros((ACC_ROWS, HIDDEN), jnp.float32)
    ea = edge_attr.astype(jnp.bfloat16)
    wc0 = _filter_w(ea, 0, m0t, b0, m2t, b2)
    wc1 = _filter_w(ea, FILT_BLKS, m0t, b0, m2t, b2)
    parts = _sc_scatter(xh, wc0, wc1, cenv, src, dst, zero)
    return _tail(parts, lin2_w.T, lin2_b.reshape(1, HIDDEN),
                 lin_w.T, lin_b.reshape(1, HIDDEN))

# --- scband reference (transcript-rebuilt; emitter-appended) ---
"""Pipeline reference for scband-interaction-block-1271310320359 (READ-ONLY COPY).

The authoritative reference and input builder live on the scoring server;
editing this copy changes nothing except your own understanding.
"""

import jax, jax.numpy as jnp
import numpy as np
import math

HIDDEN = 128
NUM_GAUSSIANS = 50
NUM_FILTERS = 128
CUTOFF = 10.0
N_NODES = 10000
N_EDGES = 320000

def _xavier(key, shape):
    fan_in, fan_out = shape[1], shape[0]
    limit = math.sqrt(6.0 / (fan_in + fan_out))
    return jax.random.uniform(key, shape, dtype=jnp.float32, minval=-limit, maxval=limit)

def setup_inputs(seed: int = 0) -> dict:
    key = jax.random.key(seed)
    ks = jax.random.split(key, 10)
    x = jax.random.normal(ks[0], (N_NODES, HIDDEN), dtype=jnp.float32)
    edge_index = jax.random.randint(ks[1], (2, N_EDGES), 0, N_NODES, dtype=jnp.int64 if jax.config.jax_enable_x64 else jnp.int32)
    edge_weight = jax.random.uniform(ks[2], (N_EDGES,), dtype=jnp.float32)
    edge_attr = jax.random.uniform(ks[3], (N_EDGES, NUM_GAUSSIANS), dtype=jnp.float32)
    # parameters
    mlp0_w = _xavier(ks[4], (NUM_FILTERS, NUM_GAUSSIANS))
    mlp0_b = jnp.zeros((NUM_FILTERS,), dtype=jnp.float32)
    mlp2_w = _xavier(ks[5], (NUM_FILTERS, NUM_FILTERS))
    mlp2_b = jnp.zeros((NUM_FILTERS,), dtype=jnp.float32)
    lin1_w = _xavier(ks[6], (NUM_FILTERS, HIDDEN))  # no bias
    lin2_w = _xavier(ks[7], (HIDDEN, NUM_FILTERS))
    lin2_b = jnp.zeros((HIDDEN,), dtype=jnp.float32)
    lin_w = _xavier(ks[8], (HIDDEN, HIDDEN))
    lin_b = jnp.zeros((HIDDEN,), dtype=jnp.float32)
    return {
        'x': x, 'edge_index': edge_index, 'edge_weight': edge_weight, 'edge_attr': edge_attr,
        'mlp0_w': mlp0_w, 'mlp0_b': mlp0_b, 'mlp2_w': mlp2_w, 'mlp2_b': mlp2_b,
        'lin1_w': lin1_w, 'lin2_w': lin2_w, 'lin2_b': lin2_b, 'lin_w': lin_w, 'lin_b': lin_b,
    }

def _ssp(x):
    # ShiftedSoftplus: softplus(x) - log(2)
    return jnp.logaddexp(x, 0.0) - jnp.log(2.0)

def reference(x, edge_index, edge_weight, edge_attr, mlp0_w, mlp0_b, mlp2_w, mlp2_b, lin1_w, lin2_w, lin2_b, lin_w, lin_b):
    src = edge_index[0]
    dst = edge_index[1]
    # cosine cutoff envelope
    C = 0.5 * (jnp.cos(edge_weight * jnp.pi / CUTOFF) + 1.0)
    # filter-generating MLP on edge_attr
    h = edge_attr @ mlp0_w.T + mlp0_b
    h = _ssp(h)
    W = (h @ mlp2_w.T + mlp2_b) * C[:, None]
    # CFConv
    xh = x @ lin1_w.T
    msg = jnp.take(xh, src, axis=0) * W
    agg = jax.ops.segment_sum(msg, dst, num_segments=x.shape[0])
    out = agg @ lin2_w.T + lin2_b
    # InteractionBlock tail
    out = _ssp(out)
    out = out @ lin_w.T + lin_b
    return out

if __name__ == "__main__":
    import jax
    _d = setup_inputs()
    print(jax.jit(kernel)(*tuple(_d.values())))

</pallas_src>

<mosaic_0001>
#map = affine_map<(d0, d1) -> (0, 0)>
#map1 = affine_map<(d0, d1) -> (0)>
#map2 = affine_map<(d0, d1) -> (0, 0, 0)>
module attributes {stable_mosaic.version = 14 : i64} {
  func.func @_sc_body(%arg0: i32, %arg1: i32, %arg2: memref<10000x128xf32, #tpu.memory_space<hbm>>, %arg3: memref<163840x128xf32, #tpu.memory_space<hbm>>, %arg4: memref<163840x128xf32, #tpu.memory_space<hbm>>, %arg5: memref<327680xf32, #tpu.memory_space<hbm>>, %arg6: memref<327680xi32, #tpu.memory_space<hbm>>, %arg7: memref<327680xi32, #tpu.memory_space<hbm>>, %arg8: memref<10240x128xf32, #tpu.memory_space<hbm>>, %arg9: memref<2x10240x128xf32, #tpu.memory_space<hbm>>, %arg10: memref<80xi32, #tpu.memory_space<vmem>>, %arg11: memref<80xi32, #tpu.memory_space<vmem>>, %arg12: memref<80xi32, #tpu.memory_space<vmem>>, %arg13: memref<80xi32, #tpu.memory_space<vmem>>, %arg14: memref<80xi32, #tpu.memory_space<vmem>>, %arg15: memref<80xi32, #tpu.memory_space<vmem>>, %arg16: memref<80xi32, #tpu.memory_space<vmem>>, %arg17: memref<80xi32, #tpu.memory_space<vmem>>, %arg18: memref<80x128xf32, #tpu.memory_space<vmem>>, %arg19: memref<80x128xf32, #tpu.memory_space<vmem>>, %arg20: memref<80x128xf32, #tpu.memory_space<vmem>>, %arg21: memref<80x128xf32, #tpu.memory_space<vmem>>, %arg22: memref<80xf32, #tpu.memory_space<vmem>>, %arg23: memref<80xf32, #tpu.memory_space<vmem>>, %arg24: memref<10240x128xf32, #tpu.memory_space<vmem_shared>>, %arg25: memref<!tpu.dma_semaphore, #tpu.memory_space<semaphore_mem>>, %arg26: memref<!tpu.dma_semaphore, #tpu.memory_space<semaphore_mem>>, %arg27: memref<!tpu.dma_semaphore, #tpu.memory_space<semaphore_mem>>, %arg28: memref<!tpu.dma_semaphore, #tpu.memory_space<semaphore_mem>>, %arg29: memref<!tpu.dma_semaphore, #tpu.memory_space<semaphore_mem>>, %arg30: memref<!tpu.dma_semaphore, #tpu.memory_space<semaphore_mem>>) attributes {dimension_semantics = [#tpu.dimension_semantics<core_parallel>, #tpu.dimension_semantics<subcore_parallel>], iteration_bounds = array<i64: 2, 16>, scalar_prefetch = 0 : i64, scratch_operands = 21 : i64, tpu.core_type = #tpu.core_type<sc_vector_subcore>, window_params = [{transform_indices = #map}, {transform_indices = #map}, {transform_indices = #map}, {transform_indices = #map1}, {transform_indices = #map1}, {transform_indices = #map1}, {transform_indices = #map}, {transform_indices = #map2}]} {
    %mul3A = arith.constant 640 : i32
    %mul3A_0 = arith.muli %arg1, %mul3A : i32
    "tpu.region"() ({
      %run_scoped3A = tpu.sem_alloc : memref<!tpu.dma_semaphore, #tpu.memory_space<semaphore_mem>>
      %dma_start3A_106 = arith.constant 0 : i32
      %dma_start3A_107 = tpu.memref_slice %arg24[%mul3A_0, %dma_start3A_106] : memref<10240x128xf32, #tpu.memory_space<vmem_shared>> -> memref<640x128xf32, #tpu.memory_space<vmem_shared>>
      %dma_start3A_108 = arith.constant 0 : i32
      %dma_start3A_109 = tpu.memref_slice %arg8[%mul3A_0, %dma_start3A_108] : memref<10240x128xf32, #tpu.memory_space<hbm>> -> memref<640x128xf32, #tpu.memory_space<hbm>>
      tpu.enqueue_dma source(%dma_start3A_109 : memref<640x128xf32, #tpu.memory_space<hbm>>) target(%dma_start3A_107 : memref<640x128xf32, #tpu.memory_space<vmem_shared>>) target_semaphore(%run_scoped3A : memref<!tpu.dma_semaphore, #tpu.memory_space<semaphore_mem>>)
      %dma_wait3A_110 = arith.constant 0 : i32
      %dma_wait3A_111 = tpu.memref_slice %arg24[%mul3A_0, %dma_wait3A_110] : memref<10240x128xf32, #tpu.memory_space<vmem_shared>> -> memref<640x128xf32, #tpu.memory_space<vmem_shared>>
      %dma_wait3A_112 = arith.constant 0 : i32
      %dma_wait3A_113 = tpu.memref_slice %arg8[%mul3A_0, %dma_wait3A_112] : memref<10240x128xf32, #tpu.memory_space<hbm>> -> memref<640x128xf32, #tpu.memory_space<hbm>>
      tpu.wait_dma2 semaphore(%run_scoped3A : memref<!tpu.dma_semaphore, #tpu.memory_space<semaphore_mem>>) src(%dma_wait3A_113 : memref<640x128xf32, #tpu.memory_space<hbm>>) dst(%dma_wait3A_111 : memref<640x128xf32, #tpu.memory_space<vmem_shared>>)
      tpu.yield
    }) : () -> ()
    %barrier3A = arith.constant 0 : index
    tpu.barrier barrier_id(%barrier3A)
    %mul3A_1 = arith.constant 16 : i32
    %mul3A_2 = arith.muli %arg0, %mul3A_1 : i32
    %add3A = arith.addi %mul3A_2, %arg1 : i32
    %mul3A_3 = arith.constant 10240 : i32
    %mul3A_4 = arith.muli %add3A, %mul3A_3 : i32
    %add3A_5 = arith.constant 0 : i32
    %add3A_6 = arith.addi %mul3A_4, %add3A_5 : i32
    %dma_start3A = tpu.memref_slice %arg6[%add3A_6] : memref<327680xi32, #tpu.memory_space<hbm>> -> memref<80xi32, #tpu.memory_space<hbm>>
    %dma_start3A_7 = tpu.memref_slice %arg6[%add3A_6] : memref<327680xi32, #tpu.memory_space<hbm>> -> memref<80xi32, #tpu.memory_space<hbm>>
    tpu.enqueue_dma source(%dma_start3A_7 : memref<80xi32, #tpu.memory_space<hbm>>) target(%arg10 : memref<80xi32, #tpu.memory_space<vmem>>) target_semaphore(%arg25 : memref<!tpu.dma_semaphore, #tpu.memory_space<semaphore_mem>>)
    %mul3A_8 = arith.constant 10240 : i32
    %mul3A_9 = arith.muli %add3A, %mul3A_8 : i32
    %add3A_10 = arith.constant 0 : i32
    %add3A_11 = arith.addi %mul3A_9, %add3A_10 : i32
    %dma_start3A_12 = tpu.memref_slice %arg7[%add3A_11] : memref<327680xi32, #tpu.memory_space<hbm>> -> memref<80xi32, #tpu.memory_space<hbm>>
    %dma_start3A_13 = tpu.memref_slice %arg7[%add3A_11] : memref<327680xi32, #tpu.memory_space<hbm>> -> memref<80xi32, #tpu.memory_space<hbm>>
    tpu.enqueue_dma source(%dma_start3A_13 : memref<80xi32, #tpu.memory_space<hbm>>) target(%arg14 : memref<80xi32, #tpu.memory_space<vmem>>) target_semaphore(%arg25 : memref<!tpu.dma_semaphore, #tpu.memory_space<semaphore_mem>>)
    %mul3A_14 = arith.constant 10240 : i32
    %mul3A_15 = arith.muli %add3A, %mul3A_14 : i32
    %add3A_16 = arith.constant 80 : i32
    %add3A_17 = arith.addi %mul3A_15, %add3A_16 : i32
    %dma_start3A_18 = tpu.memref_slice %arg6[%add3A_17] : memref<327680xi32, #tpu.memory_space<hbm>> -> memref<80xi32, #tpu.memory_space<hbm>>
    %dma_start3A_19 = tpu.memref_slice %arg6[%add3A_17] : memref<327680xi32, #tpu.memory_space<hbm>> -> memref<80xi32, #tpu.memory_space<hbm>>
    tpu.enqueue_dma source(%dma_start3A_19 : memref<80xi32, #tpu.memory_space<hbm>>) target(%arg11 : memref<80xi32, #tpu.memory_space<vmem>>) target_semaphore(%arg26 : memref<!tpu.dma_semaphore, #tpu.memory_space<semaphore_mem>>)
    %mul3A_20 = arith.constant 10240 : i32
    %mul3A_21 = arith.muli %add3A, %mul3A_20 : i32
    %add3A_22 = arith.constant 80 : i32
    %add3A_23 = arith.addi %mul3A_21, %add3A_22 : i32
    %dma_start3A_24 = tpu.memref_slice %arg7[%add3A_23] : memref<327680xi32, #tpu.memory_space<hbm>> -> memref<80xi32, #tpu.memory_space<hbm>>
    %dma_start3A_25 = tpu.memref_slice %arg7[%add3A_23] : memref<327680xi32, #tpu.memory_space<hbm>> -> memref<80xi32, #tpu.memory_space<hbm>>
    tpu.enqueue_dma source(%dma_start3A_25 : memref<80xi32, #tpu.memory_space<hbm>>) target(%arg15 : memref<80xi32, #tpu.memory_space<vmem>>) target_semaphore(%arg26 : memref<!tpu.dma_semaphore, #tpu.memory_space<semaphore_mem>>)
    %mul3A_26 = arith.constant 10240 : i32
    %mul3A_27 = arith.muli %add3A, %mul3A_26 : i32
    %add3A_28 = arith.constant 160 : i32
    %add3A_29 = arith.addi %mul3A_27, %add3A_28 : i32
    %dma_start3A_30 = tpu.memref_slice %arg6[%add3A_29] : memref<327680xi32, #tpu.memory_space<hbm>> -> memref<80xi32, #tpu.memory_space<hbm>>
    %dma_start3A_31 = tpu.memref_slice %arg6[%add3A_29] : memref<327680xi32, #tpu.memory_space<hbm>> -> memref<80xi32, #tpu.memory_space<hbm>>
    tpu.enqueue_dma source(%dma_start3A_31 : memref<80xi32, #tpu.memory_space<hbm>>) target(%arg12 : memref<80xi32, #tpu.memory_space<vmem>>) target_semaphore(%arg27 : memref<!tpu.dma_semaphore, #tpu.memory_space<semaphore_mem>>)
    %mul3A_32 = arith.constant 10240 : i32
    %mul3A_33 = arith.muli %add3A, %mul3A_32 : i32
    %add3A_34 = arith.constant 160 : i32
    %add3A_35 = arith.addi %mul3A_33, %add3A_34 : i32
    %dma_start3A_36 = tpu.memref_slice %arg7[%add3A_35] : memref<327680xi32, #tpu.memory_space<hbm>> -> memref<80xi32, #tpu.memory_space<hbm>>
    %dma_start3A_37 = tpu.memref_slice %arg7[%add3A_35] : memref<327680xi32, #tpu.memory_space<hbm>> -> memref<80xi32, #tpu.memory_space<hbm>>
    tpu.enqueue_dma source(%dma_start3A_37 : memref<80xi32, #tpu.memory_space<hbm>>) target(%arg16 : memref<80xi32, #tpu.memory_space<vmem>>) target_semaphore(%arg27 : memref<!tpu.dma_semaphore, #tpu.memory_space<semaphore_mem>>)
    %mul3A_38 = arith.constant 10240 : i32
    %mul3A_39 = arith.muli %add3A, %mul3A_38 : i32
    %add3A_40 = arith.constant 240 : i32
    %add3A_41 = arith.addi %mul3A_39, %add3A_40 : i32
    %dma_start3A_42 = tpu.memref_slice %arg6[%add3A_41] : memref<327680xi32, #tpu.memory_space<hbm>> -> memref<80xi32, #tpu.memory_space<hbm>>
    %dma_start3A_43 = tpu.memref_slice %arg6[%add3A_41] : memref<327680xi32, #tpu.memory_space<hbm>> -> memref<80xi32, #tpu.memory_space<hbm>>
    tpu.enqueue_dma source(%dma_start3A_43 : memref<80xi32, #tpu.memory_space<hbm>>) target(%arg13 : memref<80xi32, #tpu.memory_space<vmem>>) target_semaphore(%arg28 : memref<!tpu.dma_semaphore, #tpu.memory_space<semaphore_mem>>)
    %mul3A_44 = arith.constant 10240 : i32
    %mul3A_45 = arith.muli %add3A, %mul3A_44 : i32
    %add3A_46 = arith.constant 240 : i32
    %add3A_47 = arith.addi %mul3A_45, %add3A_46 : i32
    %dma_start3A_48 = tpu.memref_slice %arg7[%add3A_47] : memref<327680xi32, #tpu.memory_space<hbm>> -> memref<80xi32, #tpu.memory_space<hbm>>
    %dma_start3A_49 = tpu.memref_slice %arg7[%add3A_47] : memref<327680xi32, #tpu.memory_space<hbm>> -> memref<80xi32, #tpu.memory_space<hbm>>
    tpu.enqueue_dma source(%dma_start3A_49 : memref<80xi32, #tpu.memory_space<hbm>>) target(%arg17 : memref<80xi32, #tpu.memory_space<vmem>>) target_semaphore(%arg28 : memref<!tpu.dma_semaphore, #tpu.memory_space<semaphore_mem>>)
    %dma_wait3A = arith.constant 0 : i32
    %dma_wait3A_50 = tpu.memref_slice %arg6[%dma_wait3A] : memref<327680xi32, #tpu.memory_space<hbm>> -> memref<80xi32, #tpu.memory_space<hbm>>
    %dma_wait3A_51 = arith.constant 0 : i32
    %dma_wait3A_52 = tpu.memref_slice %arg6[%dma_wait3A_51] : memref<327680xi32, #tpu.memory_space<hbm>> -> memref<80xi32, #tpu.memory_space<hbm>>
    tpu.wait_dma2 semaphore(%arg25 : memref<!tpu.dma_semaphore, #tpu.memory_space<semaphore_mem>>) src(%dma_wait3A_52 : memref<80xi32, #tpu.memory_space<hbm>>) dst(%arg10 : memref<80xi32, #tpu.memory_space<vmem>>)
    %dma_wait3A_53 = arith.constant 0 : i32
    %dma_wait3A_54 = tpu.memref_slice %arg6[%dma_wait3A_53] : memref<327680xi32, #tpu.memory_space<hbm>> -> memref<80xi32, #tpu.memory_space<hbm>>
    %dma_wait3A_55 = arith.constant 0 : i32
    %dma_wait3A_56 = tpu.memref_slice %arg6[%dma_wait3A_55] : memref<327680xi32, #tpu.memory_space<hbm>> -> memref<80xi32, #tpu.memory_space<hbm>>
    tpu.wait_dma2 semaphore(%arg25 : memref<!tpu.dma_semaphore, #tpu.memory_space<semaphore_mem>>) src(%dma_wait3A_56 : memref<80xi32, #tpu.memory_space<hbm>>) dst(%arg14 : memref<80xi32, #tpu.memory_space<vmem>>)
    %dma_start3A_57 = arith.constant 0 : i32
    %dma_start3A_58 = arith.constant 0 : i32
    %dma_start3A_59 = tpu.memref_slice %arg2[%dma_start3A_57, %dma_start3A_58] : memref<10000x128xf32, #tpu.memory_space<hbm>> -> memref<10000x128xf32, #tpu.memory_space<hbm>>
    tpu.enqueue_indirect_dma source(%dma_start3A_59 : memref<10000x128xf32, #tpu.memory_space<hbm>>) target(%arg18 : memref<80x128xf32, #tpu.memory_space<vmem>>) offsets(%arg10 : memref<80xi32, #tpu.memory_space<vmem>>) semaphore(%arg29 : memref<!tpu.dma_semaphore, #tpu.memory_space<semaphore_mem>>)
    %eq3A = arith.constant 0 : i32
    %eq3A_60 = arith.cmpi eq, %arg0, %eq3A : i32
    %convert_element_type3A = arith.extui %eq3A_60 : i1 to i32
    %cond3A = arith.constant 0 : i32
    %cond3A_61 = arith.cmpi ne, %convert_element_type3A, %cond3A : i32
    scf.if %cond3A_61 {
      %mul3A_106 = arith.constant 10240 : i32
      %mul3A_107 = arith.muli %arg1, %mul3A_106 : i32
      %add3A_108 = arith.constant 0 : i32
      %add3A_109 = arith.addi %mul3A_107, %add3A_108 : i32
      %dma_start3A_110 = arith.constant 0 : i32
      %dma_start3A_111 = tpu.memref_slice %arg3[%add3A_109, %dma_start3A_110] : memref<163840x128xf32, #tpu.memory_space<hbm>> -> memref<80x128xf32, #tpu.memory_space<hbm>>
      %dma_start3A_112 = arith.constant 0 : i32
      %dma_start3A_113 = tpu.memref_slice %arg3[%add3A_109, %dma_start3A_112] : memref<163840x128xf32, #tpu.memory_space<hbm>> -> memref<80x128xf32, #tpu.memory_space<hbm>>
      tpu.enqueue_dma source(%dma_start3A_113 : memref<80x128xf32, #tpu.memory_space<hbm>>) target(%arg20 : memref<80x128xf32, #tpu.memory_space<vmem>>) target_semaphore(%arg29 : memref<!tpu.dma_semaphore, #tpu.memory_space<semaphore_mem>>)
    } else {
    }
    %eq3A_62 = arith.constant 1 : i32
    %eq3A_63 = arith.cmpi eq, %arg0, %eq3A_62 : i32
    %convert_element_type3A_64 = arith.extui %eq3A_63 : i1 to i32
    %cond3A_65 = arith.constant 0 : i32
    %cond3A_66 = arith.cmpi ne, %convert_element_type3A_64, %cond3A_65 : i32
    scf.if %cond3A_66 {
      %mul3A_106 = arith.constant 10240 : i32
      %mul3A_107 = arith.muli %arg1, %mul3A_106 : i32
      %add3A_108 = arith.constant 0 : i32
      %add3A_109 = arith.addi %mul3A_107, %add3A_108 : i32
      %dma_start3A_110 = arith.constant 0 : i32
      %dma_start3A_111 = tpu.memref_slice %arg4[%add3A_109, %dma_start3A_110] : memref<163840x128xf32, #tpu.memory_space<hbm>> -> memref<80x128xf32, #tpu.memory_space<hbm>>
      %dma_start3A_112 = arith.constant 0 : i32
      %dma_start3A_113 = tpu.memref_slice %arg4[%add3A_109, %dma_start3A_112] : memref<163840x128xf32, #tpu.memory_space<hbm>> -> memref<80x128xf32, #tpu.memory_space<hbm>>
      tpu.enqueue_dma source(%dma_start3A_113 : memref<80x128xf32, #tpu.memory_space<hbm>>) target(%arg20 : memref<80x128xf32, #tpu.memory_space<vmem>>) target_semaphore(%arg29 : memref<!tpu.dma_semaphore, #tpu.memory_space<semaphore_mem>>)
    } else {
    }
    %mul3A_67 = arith.constant 10240 : i32
    %mul3A_68 = arith.muli %add3A, %mul3A_67 : i32
    %add3A_69 = arith.constant 0 : i32
    %add3A_70 = arith.addi %mul3A_68, %add3A_69 : i32
    %dma_start3A_71 = tpu.memref_slice %arg5[%add3A_70] : memref<327680xf32, #tpu.memory_space<hbm>> -> memref<80xf32, #tpu.memory_space<hbm>>
    %dma_start3A_72 = tpu.memref_slice %arg5[%add3A_70] : memref<327680xf32, #tpu.memory_space<hbm>> -> memref<80xf32, #tpu.memory_space<hbm>>
    tpu.enqueue_dma source(%dma_start3A_72 : memref<80xf32, #tpu.memory_space<hbm>>) target(%arg22 : memref<80xf32, #tpu.memory_space<vmem>>) target_semaphore(%arg29 : memref<!tpu.dma_semaphore, #tpu.memory_space<semaphore_mem>>)
    %dma_wait3A_73 = arith.constant 0 : i32
    %dma_wait3A_74 = tpu.memref_slice %arg6[%dma_wait3A_73] : memref<327680xi32, #tpu.memory_space<hbm>> -> memref<80xi32, #tpu.memory_space<hbm>>
    %dma_wait3A_75 = arith.constant 0 : i32
    %dma_wait3A_76 = tpu.memref_slice %arg6[%dma_wait3A_75] : memref<327680xi32, #tpu.memory_space<hbm>> -> memref<80xi32, #tpu.memory_space<hbm>>
    tpu.wait_dma2 semaphore(%arg26 : memref<!tpu.dma_semaphore, #tpu.memory_space<semaphore_mem>>) src(%dma_wait3A_76 : memref<80xi32, #tpu.memory_space<hbm>>) dst(%arg11 : memref<80xi32, #tpu.memory_space<vmem>>)
    %dma_wait3A_77 = arith.constant 0 : i32
    %dma_wait3A_78 = tpu.memref_slice %arg6[%dma_wait3A_77] : memref<327680xi32, #tpu.memory_space<hbm>> -> memref<80xi32, #tpu.memory_space<hbm>>
    %dma_wait3A_79 = arith.constant 0 : i32
    %dma_wait3A_80 = tpu.memref_slice %arg6[%dma_wait3A_79] : memref<327680xi32, #tpu.memory_space<hbm>> -> memref<80xi32, #tpu.memory_space<hbm>>
    tpu.wait_dma2 semaphore(%arg26 : memref<!tpu.dma_semaphore, #tpu.memory_space<semaphore_mem>>) src(%dma_wait3A_80 : memref<80xi32, #tpu.memory_space<hbm>>) dst(%arg15 : memref<80xi32, #tpu.memory_space<vmem>>)
    %dma_start3A_81 = arith.constant 0 : i32
    %dma_start3A_82 = arith.constant 0 : i32
    %dma_start3A_83 = tpu.memref_slice %arg2[%dma_start3A_81, %dma_start3A_82] : memref<10000x128xf32, #tpu.memory_space<hbm>> -> memref<10000x128xf32, #tpu.memory_space<hbm>>
    tpu.enqueue_indirect_dma source(%dma_start3A_83 : memref<10000x128xf32, #tpu.memory_space<hbm>>) target(%arg19 : memref<80x128xf32, #tpu.memory_space<vmem>>) offsets(%arg11 : memref<80xi32, #tpu.memory_space<vmem>>) semaphore(%arg30 : memref<!tpu.dma_semaphore, #tpu.memory_space<semaphore_mem>>)
    %eq3A_84 = arith.constant 0 : i32
    %eq3A_85 = arith.cmpi eq, %arg0, %eq3A_84 : i32
    %convert_element_type3A_86 = arith.extui %eq3A_85 : i1 to i32
    %cond3A_87 = arith.constant 0 : i32
    %cond3A_88 = arith.cmpi ne, %convert_element_type3A_86, %cond3A_87 : i32
    scf.if %cond3A_88 {
      %mul3A_106 = arith.constant 10240 : i32
      %mul3A_107 = arith.muli %arg1, %mul3A_106 : i32
      %add3A_108 = arith.constant 80 : i32
      %add3A_109 = arith.addi %mul3A_107, %add3A_108 : i32
      %dma_start3A_110 = arith.constant 0 : i32
      %dma_start3A_111 = tpu.memref_slice %arg3[%add3A_109, %dma_start3A_110] : memref<163840x128xf32, #tpu.memory_space<hbm>> -> memref<80x128xf32, #tpu.memory_space<hbm>>
      %dma_start3A_112 = arith.constant 0 : i32
      %dma_start3A_113 = tpu.memref_slice %arg3[%add3A_109, %dma_start3A_112] : memref<163840x128xf32, #tpu.memory_space<hbm>> -> memref<80x128xf32, #tpu.memory_space<hbm>>
      tpu.enqueue_dma source(%dma_start3A_113 : memref<80x128xf32, #tpu.memory_space<hbm>>) target(%arg21 : memref<80x128xf32, #tpu.memory_space<vmem>>) target_semaphore(%arg30 : memref<!tpu.dma_semaphore, #tpu.memory_space<semaphore_mem>>)
    } else {
    }
    %eq3A_89 = arith.constant 1 : i32
    %eq3A_90 = arith.cmpi eq, %arg0, %eq3A_89 : i32
    %convert_element_type3A_91 = arith.extui %eq3A_90 : i1 to i32
    %cond3A_92 = arith.constant 0 : i32
    %cond3A_93 = arith.cmpi ne, %convert_element_type3A_91, %cond3A_92 : i32
    scf.if %cond3A_93 {
      %mul3A_106 = arith.constant 10240 : i32
      %mul3A_107 = arith.muli %arg1, %mul3A_106 : i32
      %add3A_108 = arith.constant 80 : i32
      %add3A_109 = arith.addi %mul3A_107, %add3A_108 : i32
      %dma_start3A_110 = arith.constant 0 : i32
      %dma_start3A_111 = tpu.memref_slice %arg4[%add3A_109, %dma_start3A_110] : memref<163840x128xf32, #tpu.memory_space<hbm>> -> memref<80x128xf32, #tpu.memory_space<hbm>>
      %dma_start3A_112 = arith.constant 0 : i32
      %dma_start3A_113 = tpu.memref_slice %arg4[%add3A_109, %dma_start3A_112] : memref<163840x128xf32, #tpu.memory_space<hbm>> -> memref<80x128xf32, #tpu.memory_space<hbm>>
      tpu.enqueue_dma source(%dma_start3A_113 : memref<80x128xf32, #tpu.memory_space<hbm>>) target(%arg21 : memref<80x128xf32, #tpu.memory_space<vmem>>) target_semaphore(%arg30 : memref<!tpu.dma_semaphore, #tpu.memory_space<semaphore_mem>>)
    } else {
    }
    %mul3A_94 = arith.constant 10240 : i32
    %mul3A_95 = arith.muli %add3A, %mul3A_94 : i32
    %add3A_96 = arith.constant 80 : i32
    %add3A_97 = arith.addi %mul3A_95, %add3A_96 : i32
    %dma_start3A_98 = tpu.memref_slice %arg5[%add3A_97] : memref<327680xf32, #tpu.memory_space<hbm>> -> memref<80xf32, #tpu.memory_space<hbm>>
    %dma_start3A_99 = tpu.memref_slice %arg5[%add3A_97] : memref<327680xf32, #tpu.memory_space<hbm>> -> memref<80xf32, #tpu.memory_space<hbm>>
    tpu.enqueue_dma source(%dma_start3A_99 : memref<80xf32, #tpu.memory_space<hbm>>) target(%arg23 : memref<80xf32, #tpu.memory_space<vmem>>) target_semaphore(%arg30 : memref<!tpu.dma_semaphore, #tpu.memory_space<semaphore_mem>>)
    %scan3A = arith.constant 0 : i32
    %scan3A_100 = arith.constant 0 : i32
    %scan3A_101 = arith.constant 32 : i32
    %scan3A_102 = arith.addi %scan3A_100, %scan3A_101 : i32
    %scan3A_103 = arith.constant 1 : i32
    scf.for %scan3A_106 = %scan3A_100 to %scan3A_102 step %scan3A_103  : i32 {
      %mul3A_107 = arith.constant 4 : i32
      %mul3A_108 = arith.muli %mul3A_107, %scan3A_106 : i32
      %add3A_109 = arith.constant 0 : i32
      %add3A_110 = arith.addi %mul3A_108, %add3A_109 : i32
      %dma_wait3A_111 = arith.constant 0 : i32
      %dma_wait3A_112 = arith.constant 0 : i32
      %dma_wait3A_113 = tpu.memref_slice %arg2[%dma_wait3A_111, %dma_wait3A_112] : memref<10000x128xf32, #tpu.memory_space<hbm>> -> memref<80x128xf32, #tpu.memory_space<hbm>>
      %dma_wait3A_114 = arith.constant 0 : i32
      %dma_wait3A_115 = arith.constant 0 : i32
      %dma_wait3A_116 = tpu.memref_slice %arg2[%dma_wait3A_114, %dma_wait3A_115] : memref<10000x128xf32, #tpu.memory_space<hbm>> -> memref<80x128xf32, #tpu.memory_space<hbm>>
      tpu.wait_dma2 semaphore(%arg29 : memref<!tpu.dma_semaphore, #tpu.memory_space<semaphore_mem>>) src(%dma_wait3A_116 : memref<80x128xf32, #tpu.memory_space<hbm>>) dst(%arg18 : memref<80x128xf32, #tpu.memory_space<vmem>>)
      %dma_wait3A_117 = arith.constant 0 : i32
      %dma_wait3A_118 = arith.constant 0 : i32
      %dma_wait3A_119 = tpu.memref_slice %arg2[%dma_wait3A_117, %dma_wait3A_118] : memref<10000x128xf32, #tpu.memory_space<hbm>> -> memref<80x128xf32, #tpu.memory_space<hbm>>
      %dma_wait3A_120 = arith.constant 0 : i32
      %dma_wait3A_121 = arith.constant 0 : i32
      %dma_wait3A_122 = tpu.memref_slice %arg2[%dma_wait3A_120, %dma_wait3A_121] : memref<10000x128xf32, #tpu.memory_space<hbm>> -> memref<80x128xf32, #tpu.memory_space<hbm>>
      tpu.wait_dma2 semaphore(%arg29 : memref<!tpu.dma_semaphore, #tpu.memory_space<semaphore_mem>>) src(%dma_wait3A_122 : memref<80x128xf32, #tpu.memory_space<hbm>>) dst(%arg20 : memref<80x128xf32, #tpu.memory_space<vmem>>)
      %dma_wait3A_123 = arith.constant 0 : i32
      %dma_wait3A_124 = tpu.memref_slice %arg5[%dma_wait3A_123] : memref<327680xf32, #tpu.memory_space<hbm>> -> memref<80xf32, #tpu.memory_space<hbm>>
      %dma_wait3A_125 = arith.constant 0 : i32
      %dma_wait3A_126 = tpu.memref_slice %arg5[%dma_wait3A_125] : memref<327680xf32, #tpu.memory_space<hbm>> -> memref<80xf32, #tpu.memory_space<hbm>>
      tpu.wait_dma2 semaphore(%arg29 : memref<!tpu.dma_semaphore, #tpu.memory_space<semaphore_mem>>) src(%dma_wait3A_126 : memref<80xf32, #tpu.memory_space<hbm>>) dst(%arg22 : memref<80xf32, #tpu.memory_space<vmem>>)
      %parallel_loop3A = arith.constant 0 : i32
      %parallel_loop3A_127 = arith.constant 80 : i32
      %parallel_loop3A_128 = arith.constant 1 : i32
      scf.for %parallel_loop3A_253 = %parallel_loop3A to %parallel_loop3A_127 step %parallel_loop3A_128  : i32 {
        %parallel_loop3A_254 = vector.broadcast %parallel_loop3A_253 : i32 to vector<16xi32>
        %parallel_loop3A_255 = tpu.vector_load_idx %arg22[%parallel_loop3A_254] : memref<80xf32, #tpu.memory_space<vmem>>[vector<16xi32>], vector<16xf32>,
        %parallel_loop3A_256 = arith.index_cast %parallel_loop3A_253 : i32 to index
        %parallel_loop3A_257 = arith.constant 0 : index
        %parallel_loop3A_258 = tpu.vector_load %arg18[%parallel_loop3A_256, %parallel_loop3A_257] {strides = array<i32>} : memref<80x128xf32, #tpu.memory_space<vmem>>, vector<16xf32>,
        %parallel_loop3A_259 = arith.index_cast %parallel_loop3A_253 : i32 to index
        %parallel_loop3A_260 = arith.constant 0 : index
        %parallel_loop3A_261 = tpu.vector_load %arg20[%parallel_loop3A_259, %parallel_loop3A_260] {strides = array<i32>} : memref<80x128xf32, #tpu.memory_space<vmem>>, vector<16xf32>,
        %parallel_loop3A_262 = arith.mulf %parallel_loop3A_258, %parallel_loop3A_261 : vector<16xf32>
        %parallel_loop3A_263 = arith.mulf %parallel_loop3A_262, %parallel_loop3A_255 : vector<16xf32>
        %parallel_loop3A_264 = arith.index_cast %parallel_loop3A_253 : i32 to index
        %parallel_loop3A_265 = arith.constant 0 : index
        %parallel_loop3A_266 = tpu.vector_load %arg18[%parallel_loop3A_264, %parallel_loop3A_265] {strides = array<i32>} : memref<80x128xf32, #tpu.memory_space<vmem>>, vector<16xf32>,
        tpu.vector_store %arg18[%parallel_loop3A_264, %parallel_loop3A_265], %parallel_loop3A_263 {strides = array<i32>} : memref<80x128xf32, #tpu.memory_space<vmem>>, vector<16xf32>,
        %parallel_loop3A_267 = arith.index_cast %parallel_loop3A_253 : i32 to index
        %parallel_loop3A_268 = arith.constant 16 : index
        %parallel_loop3A_269 = tpu.vector_load %arg18[%parallel_loop3A_267, %parallel_loop3A_268] {strides = array<i32>} : memref<80x128xf32, #tpu.memory_space<vmem>>, vector<16xf32>,
        %parallel_loop3A_270 = arith.index_cast %parallel_loop3A_253 : i32 to index
        %parallel_loop3A_271 = arith.constant 16 : index
        %parallel_loop3A_272 = tpu.vector_load %arg20[%parallel_loop3A_270, %parallel_loop3A_271] {strides = array<i32>} : memref<80x128xf32, #tpu.memory_space<vmem>>, vector<16xf32>,
        %parallel_loop3A_273 = arith.mulf %parallel_loop3A_269, %parallel_loop3A_272 : vector<16xf32>
        %parallel_loop3A_274 = arith.mulf %parallel_loop3A_273, %parallel_loop3A_255 : vector<16xf32>
        %parallel_loop3A_275 = arith.index_cast %parallel_loop3A_253 : i32 to index
        %parallel_loop3A_276 = arith.constant 16 : index
        %parallel_loop3A_277 = tpu.vector_load %arg18[%parallel_loop3A_275, %parallel_loop3A_276] {strides = array<i32>} : memref<80x128xf32, #tpu.memory_space<vmem>>, vector<16xf32>,
        tpu.vector_store %arg18[%parallel_loop3A_275, %parallel_loop3A_276], %parallel_loop3A_274 {strides = array<i32>} : memref<80x128xf32, #tpu.memory_space<vmem>>, vector<16xf32>,
        %parallel_loop3A_278 = arith.index_cast %parallel_loop3A_253 : i32 to index
        %parallel_loop3A_279 = arith.constant 32 : index
        %parallel_loop3A_280 = tpu.vector_load %arg18[%parallel_loop3A_278, %parallel_loop3A_279] {strides = array<i32>} : memref<80x128xf32, #tpu.memory_space<vmem>>, vector<16xf32>,
        %parallel_loop3A_281 = arith.index_cast %parallel_loop3A_253 : i32 to index
        %parallel_loop3A_282 = arith.constant 32 : index
        %parallel_loop3A_283 = tpu.vector_load %arg20[%parallel_loop3A_281, %parallel_loop3A_282] {strides = array<i32>} : memref<80x128xf32, #tpu.memory_space<vmem>>, vector<16xf32>,
        %parallel_loop3A_284 = arith.mulf %parallel_loop3A_280, %parallel_loop3A_283 : vector<16xf32>
        %parallel_loop3A_285 = arith.mulf %parallel_loop3A_284, %parallel_loop3A_255 : vector<16xf32>
        %parallel_loop3A_286 = arith.index_cast %parallel_loop3A_253 : i32 to index
        %parallel_loop3A_287 = arith.constant 32 : index
        %parallel_loop3A_288 = tpu.vector_load %arg18[%parallel_loop3A_286, %parallel_loop3A_287] {strides = array<i32>} : memref<80x128xf32, #tpu.memory_space<vmem>>, vector<16xf32>,
        tpu.vector_store %arg18[%parallel_loop3A_286, %parallel_loop3A_287], %parallel_loop3A_285 {strides = array<i32>} : memref<80x128xf32, #tpu.memory_space<vmem>>, vector<16xf32>,
        %parallel_loop3A_289 = arith.index_cast %parallel_loop3A_253 : i32 to index
        %parallel_loop3A_290 = arith.constant 48 : index
        %parallel_loop3A_291 = tpu.vector_load %arg18[%parallel_loop3A_289, %parallel_loop3A_290] {strides = array<i32>} : memref<80x128xf32, #tpu.memory_space<vmem>>, vector<16xf32>,
        %parallel_loop3A_292 = arith.index_cast %parallel_loop3A_253 : i32 to index
        %parallel_loop3A_293 = arith.constant 48 : index
        %parallel_loop3A_294 = tpu.vector_load %arg20[%parallel_loop3A_292, %parallel_loop3A_293] {strides = array<i32>} : memref<80x128xf32, #tpu.memory_space<vmem>>, vector<16xf32>,
        %parallel_loop3A_295 = arith.mulf %parallel_loop3A_291, %parallel_loop3A_294 : vector<16xf32>
        %parallel_loop3A_296 = arith.mulf %parallel_loop3A_295, %parallel_loop3A_255 : vector<16xf32>
        %parallel_loop3A_297 = arith.index_cast %parallel_loop3A_253 : i32 to index
        %parallel_loop3A_298 = arith.constant 48 : index
        %parallel_loop3A_299 = tpu.vector_load %arg18[%parallel_loop3A_297, %parallel_loop3A_298] {strides = array<i32>} : memref<80x128xf32, #tpu.memory_space<vmem>>, vector<16xf32>,
        tpu.vector_store %arg18[%parallel_loop3A_297, %parallel_loop3A_298], %parallel_loop3A_296 {strides = array<i32>} : memref<80x128xf32, #tpu.memory_space<vmem>>, vector<16xf32>,
        %parallel_loop3A_300 = arith.index_cast %parallel_loop3A_253 : i32 to index
        %parallel_loop3A_301 = arith.constant 64 : index
        %parallel_loop3A_302 = tpu.vector_load %arg18[%parallel_loop3A_300, %parallel_loop3A_301] {strides = array<i32>} : memref<80x128xf32, #tpu.memory_space<vmem>>, vector<16xf32>,
        %parallel_loop3A_303 = arith.index_cast %parallel_loop3A_253 : i32 to index
        %parallel_loop3A_304 = arith.constant 64 : index
        %parallel_loop3A_305 = tpu.vector_load %arg20[%parallel_loop3A_303, %parallel_loop3A_304] {strides = array<i32>} : memref<80x128xf32, #tpu.memory_space<vmem>>, vector<16xf32>,
        %parallel_loop3A_306 = arith.mulf %parallel_loop3A_302, %parallel_loop3A_305 : vector<16xf32>
        %parallel_loop3A_307 = arith.mulf %parallel_loop3A_306, %parallel_loop3A_255 : vector<16xf32>
        %parallel_loop3A_308 = arith.index_cast %parallel_loop3A_253 : i32 to index
        %parallel_loop3A_309 = arith.constant 64 : index
        %parallel_loop3A_310 = tpu.vector_load %arg18[%parallel_loop3A_308, %parallel_loop3A_309] {strides = array<i32>} : memref<80x128xf32, #tpu.memory_space<vmem>>, vector<16xf32>,
        tpu.vector_store %arg18[%parallel_loop3A_308, %parallel_loop3A_309], %parallel_loop3A_307 {strides = array<i32>} : memref<80x128xf32, #tpu.memory_space<vmem>>, vector<16xf32>,
        %parallel_loop3A_311 = arith.index_cast %parallel_loop3A_253 : i32 to index
        %parallel_loop3A_312 = arith.constant 80 : index
        %parallel_loop3A_313 = tpu.vector_load %arg18[%parallel_loop3A_311, %parallel_loop3A_312] {strides = array<i32>} : memref<80x128xf32, #tpu.memory_space<vmem>>, vector<16xf32>,
        %parallel_loop3A_314 = arith.index_cast %parallel_loop3A_253 : i32 to index
        %parallel_loop3A_315 = arith.constant 80 : index
        %parallel_loop3A_316 = tpu.vector_load %arg20[%parallel_loop3A_314, %parallel_loop3A_315] {strides = array<i32>} : memref<80x128xf32, #tpu.memory_space<vmem>>, vector<16xf32>,
        %parallel_loop3A_317 = arith.mulf %parallel_loop3A_313, %parallel_loop3A_316 : vector<16xf32>
        %parallel_loop3A_318 = arith.mulf %parallel_loop3A_317, %parallel_loop3A_255 : vector<16xf32>
        %parallel_loop3A_319 = arith.index_cast %parallel_loop3A_253 : i32 to index
        %parallel_loop3A_320 = arith.constant 80 : index
        %parallel_loop3A_321 = tpu.vector_load %arg18[%parallel_loop3A_319, %parallel_loop3A_320] {strides = array<i32>} : memref<80x128xf32, #tpu.memory_space<vmem>>, vector<16xf32>,
        tpu.vector_store %arg18[%parallel_loop3A_319, %parallel_loop3A_320], %parallel_loop3A_318 {strides = array<i32>} : memref<80x128xf32, #tpu.memory_space<vmem>>, vector<16xf32>,
        %parallel_loop3A_322 = arith.index_cast %parallel_loop3A_253 : i32 to index
        %parallel_loop3A_323 = arith.constant 96 : index
        %parallel_loop3A_324 = tpu.vector_load %arg18[%parallel_loop3A_322, %parallel_loop3A_323] {strides = array<i32>} : memref<80x128xf32, #tpu.memory_space<vmem>>, vector<16xf32>,
        %parallel_loop3A_325 = arith.index_cast %parallel_loop3A_253 : i32 to index
        %parallel_loop3A_326 = arith.constant 96 : index
        %parallel_loop3A_327 = tpu.vector_load %arg20[%parallel_loop3A_325, %parallel_loop3A_326] {strides = array<i32>} : memref<80x128xf32, #tpu.memory_space<vmem>>, vector<16xf32>,
        %parallel_loop3A_328 = arith.mulf %parallel_loop3A_324, %parallel_loop3A_327 : vector<16xf32>
        %parallel_loop3A_329 = arith.mulf %parallel_loop3A_328, %parallel_loop3A_255 : vector<16xf32>
        %parallel_loop3A_330 = arith.index_cast %parallel_loop3A_253 : i32 to index
        %parallel_loop3A_331 = arith.constant 96 : index
        %parallel_loop3A_332 = tpu.vector_load %arg18[%parallel_loop3A_330, %parallel_loop3A_331] {strides = array<i32>} : memref<80x128xf32, #tpu.memory_space<vmem>>, vector<16xf32>,
        tpu.vector_store %arg18[%parallel_loop3A_330, %parallel_loop3A_331], %parallel_loop3A_329 {strides = array<i32>} : memref<80x128xf32, #tpu.memory_space<vmem>>, vector<16xf32>,
        %parallel_loop3A_333 = arith.index_cast %parallel_loop3A_253 : i32 to index
        %parallel_loop3A_334 = arith.constant 112 : index
        %parallel_loop3A_335 = tpu.vector_load %arg18[%parallel_loop3A_333, %parallel_loop3A_334] {strides = array<i32>} : memref<80x128xf32, #tpu.memory_space<vmem>>, vector<16xf32>,
        %parallel_loop3A_336 = arith.index_cast %parallel_loop3A_253 : i32 to index
        %parallel_loop3A_337 = arith.constant 112 : index
        %parallel_loop3A_338 = tpu.vector_load %arg20[%parallel_loop3A_336, %parallel_loop3A_337] {strides = array<i32>} : memref<80x128xf32, #tpu.memory_space<vmem>>, vector<16xf32>,
        %parallel_loop3A_339 = arith.mulf %parallel_loop3A_335, %parallel_loop3A_338 : vector<16xf32>
        %parallel_loop3A_340 = arith.mulf %parallel_loop3A_339, %parallel_loop3A_255 : vector<16xf32>
        %parallel_loop3A_341 = arith.index_cast %parallel_loop3A_253 : i32 to index
        %parallel_loop3A_342 = arith.constant 112 : index
        %parallel_loop3A_343 = tpu.vector_load %arg18[%parallel_loop3A_341, %parallel_loop3A_342] {strides = array<i32>} : memref<80x128xf32, #tpu.memory_space<vmem>>, vector<16xf32>,
        tpu.vector_store %arg18[%parallel_loop3A_341, %parallel_loop3A_342], %parallel_loop3A_340 {strides = array<i32>} : memref<80x128xf32, #tpu.memory_space<vmem>>, vector<16xf32>,
      } {sc.loop_unroll_factor = 2 : i64, sc.parallel_access}
      "tpu.region"() ({
        %run_scoped3A = tpu.sem_alloc : memref<!tpu.dma_semaphore, #tpu.memory_space<semaphore_mem>>
        %dma_start3A_253 = arith.constant 0 : i32
        %dma_start3A_254 = arith.constant 0 : i32
        %dma_start3A_255 = tpu.memref_slice %arg24[%dma_start3A_253, %dma_start3A_254] : memref<10240x128xf32, #tpu.memory_space<vmem_shared>> -> memref<10240x128xf32, #tpu.memory_space<vmem_shared>>
        tpu.enqueue_indirect_dma source(%arg18 : memref<80x128xf32, #tpu.memory_space<vmem>>) target(%dma_start3A_255 : memref<10240x128xf32, #tpu.memory_space<vmem_shared>>) offsets(%arg14 : memref<80xi32, #tpu.memory_space<vmem>>) semaphore(%run_scoped3A : memref<!tpu.dma_semaphore, #tpu.memory_space<semaphore_mem>>) {add = true}
        %dma_wait3A_256 = arith.constant 0 : i32
        %dma_wait3A_257 = arith.constant 0 : i32
        %dma_wait3A_258 = tpu.memref_slice %arg24[%dma_wait3A_256, %dma_wait3A_257] : memref<10240x128xf32, #tpu.memory_space<vmem_shared>> -> memref<10240x128xf32, #tpu.memory_space<vmem_shared>>
        tpu.wait_indirect_dma semaphore(%run_scoped3A : memref<!tpu.dma_semaphore, #tpu.memory_space<semaphore_mem>>) src(%arg18 : memref<80x128xf32, #tpu.memory_space<vmem>>) dst(%dma_wait3A_258 : memref<10240x128xf32, #tpu.memory_space<vmem_shared>>)
        tpu.yield
      }) : () -> ()
      %add3A_129 = arith.constant 4 : i32
      %add3A_130 = arith.addi %add3A_110, %add3A_129 : i32
      %lt3A = arith.constant 128 : i32
      %lt3A_131 = arith.cmpi slt, %add3A_130, %lt3A : i32
      %convert_element_type3A_132 = arith.extui %lt3A_131 : i1 to i32
      %cond3A_133 = arith.constant 0 : i32
      %cond3A_134 = arith.cmpi ne, %convert_element_type3A_132, %cond3A_133 : i32
      scf.if %cond3A_134 {
        %add3A_253 = arith.constant 4 : i32
        %add3A_254 = arith.addi %add3A_110, %add3A_253 : i32
        %mul3A_255 = arith.constant 10240 : i32
        %mul3A_256 = arith.muli %add3A, %mul3A_255 : i32
        %mul3A_257 = arith.constant 80 : i32
        %mul3A_258 = arith.muli %add3A_254, %mul3A_257 : i32
        %add3A_259 = arith.addi %mul3A_256, %mul3A_258 : i32
        %dma_start3A_260 = tpu.memref_slice %arg6[%add3A_259] : memref<327680xi32, #tpu.memory_space<hbm>> -> memref<80xi32, #tpu.memory_space<hbm>>
        %dma_start3A_261 = tpu.memref_slice %arg6[%add3A_259] : memref<327680xi32, #tpu.memory_space<hbm>> -> memref<80xi32, #tpu.memory_space<hbm>>
        tpu.enqueue_dma source(%dma_start3A_261 : memref<80xi32, #tpu.memory_space<hbm>>) target(%arg10 : memref<80xi32, #tpu.memory_space<vmem>>) target_semaphore(%arg25 : memref<!tpu.dma_semaphore, #tpu.memory_space<semaphore_mem>>)
        %mul3A_262 = arith.constant 10240 : i32
        %mul3A_263 = arith.muli %add3A, %mul3A_262 : i32
        %mul3A_264 = arith.constant 80 : i32
        %mul3A_265 = arith.muli %add3A_254, %mul3A_264 : i32
        %add3A_266 = arith.addi %mul3A_263, %mul3A_265 : i32
        %dma_start3A_267 = tpu.memref_slice %arg7[%add3A_266] : memref<327680xi32, #tpu.memory_space<hbm>> -> memref<80xi32, #tpu.memory_space<hbm>>
        %dma_start3A_268 = tpu.memref_slice %arg7[%add3A_266] : memref<327680xi32, #tpu.memory_space<hbm>> -> memref<80xi32, #tpu.memory_space<hbm>>
        tpu.enqueue_dma source(%dma_start3A_268 : memref<80xi32, #tpu.memory_space<hbm>>) target(%arg14 : memref<80xi32, #tpu.memory_space<vmem>>) target_semaphore(%arg25 : memref<!tpu.dma_semaphore, #tpu.memory_space<semaphore_mem>>)
      } else {
      }
      %add3A_135 = arith.constant 2 : i32
      %add3A_136 = arith.addi %add3A_110, %add3A_135 : i32
      %lt3A_137 = arith.constant 128 : i32
      %lt3A_138 = arith.cmpi slt, %add3A_136, %lt3A_137 : i32
      %convert_element_type3A_139 = arith.extui %lt3A_138 : i1 to i32
      %cond3A_140 = arith.constant 0 : i32
      %cond3A_141 = arith.cmpi ne, %convert_element_type3A_139, %cond3A_140 : i32
      scf.if %cond3A_141 {
        %dma_wait3A_253 = arith.constant 0 : i32
        %dma_wait3A_254 = tpu.memref_slice %arg6[%dma_wait3A_253] : memref<327680xi32, #tpu.memory_space<hbm>> -> memref<80xi32, #tpu.memory_space<hbm>>
        %dma_wait3A_255 = arith.constant 0 : i32
        %dma_wait3A_256 = tpu.memref_slice %arg6[%dma_wait3A_255] : memref<327680xi32, #tpu.memory_space<hbm>> -> memref<80xi32, #tpu.memory_space<hbm>>
        tpu.wait_dma2 semaphore(%arg27 : memref<!tpu.dma_semaphore, #tpu.memory_space<semaphore_mem>>) src(%dma_wait3A_256 : memref<80xi32, #tpu.memory_space<hbm>>) dst(%arg12 : memref<80xi32, #tpu.memory_space<vmem>>)
        %dma_wait3A_257 = arith.constant 0 : i32
        %dma_wait3A_258 = tpu.memref_slice %arg6[%dma_wait3A_257] : memref<327680xi32, #tpu.memory_space<hbm>> -> memref<80xi32, #tpu.memory_space<hbm>>
        %dma_wait3A_259 = arith.constant 0 : i32
        %dma_wait3A_260 = tpu.memref_slice %arg6[%dma_wait3A_259] : memref<327680xi32, #tpu.memory_space<hbm>> -> memref<80xi32, #tpu.memory_space<hbm>>
        tpu.wait_dma2 semaphore(%arg27 : memref<!tpu.dma_semaphore, #tpu.memory_space<semaphore_mem>>) src(%dma_wait3A_260 : memref<80xi32, #tpu.memory_space<hbm>>) dst(%arg16 : memref<80xi32, #tpu.memory_space<vmem>>)
        %add3A_261 = arith.constant 2 : i32
        %add3A_262 = arith.addi %add3A_110, %add3A_261 : i32
        %dma_start3A_263 = arith.constant 0 : i32
        %dma_start3A_264 = arith.constant 0 : i32
        %dma_start3A_265 = tpu.memref_slice %arg2[%dma_start3A_263, %dma_start3A_264] : memref<10000x128xf32, #tpu.memory_space<hbm>> -> memref<10000x128xf32, #tpu.memory_space<hbm>>
        tpu.enqueue_indirect_dma source(%dma_start3A_265 : memref<10000x128xf32, #tpu.memory_space<hbm>>) target(%arg18 : memref<80x128xf32, #tpu.memory_space<vmem>>) offsets(%arg12 : memref<80xi32, #tpu.memory_space<vmem>>) semaphore(%arg29 : memref<!tpu.dma_semaphore, #tpu.memory_space<semaphore_mem>>)
        %eq3A_266 = arith.constant 0 : i32
        %eq3A_267 = arith.cmpi eq, %arg0, %eq3A_266 : i32
        %convert_element_type3A_268 = arith.extui %eq3A_267 : i1 to i32
        %cond3A_269 = arith.constant 0 : i32
        %cond3A_270 = arith.cmpi ne, %convert_element_type3A_268, %cond3A_269 : i32
        scf.if %cond3A_270 {
          %mul3A_283 = arith.constant 10240 : i32
          %mul3A_284 = arith.muli %arg1, %mul3A_283 : i32
          %mul3A_285 = arith.constant 80 : i32
          %mul3A_286 = arith.muli %add3A_262, %mul3A_285 : i32
          %add3A_287 = arith.addi %mul3A_284, %mul3A_286 : i32
          %dma_start3A_288 = arith.constant 0 : i32
          %dma_start3A_289 = tpu.memref_slice %arg3[%add3A_287, %dma_start3A_288] : memref<163840x128xf32, #tpu.memory_space<hbm>> -> memref<80x128xf32, #tpu.memory_space<hbm>>
          %dma_start3A_290 = arith.constant 0 : i32
          %dma_start3A_291 = tpu.memref_slice %arg3[%add3A_287, %dma_start3A_290] : memref<163840x128xf32, #tpu.memory_space<hbm>> -> memref<80x128xf32, #tpu.memory_space<hbm>>
          tpu.enqueue_dma source(%dma_start3A_291 : memref<80x128xf32, #tpu.memory_space<hbm>>) target(%arg20 : memref<80x128xf32, #tpu.memory_space<vmem>>) target_semaphore(%arg29 : memref<!tpu.dma_semaphore, #tpu.memory_space<semaphore_mem>>)
        } else {
        }
        %eq3A_271 = arith.constant 1 : i32
        %eq3A_272 = arith.cmpi eq, %arg0, %eq3A_271 : i32
        %convert_element_type3A_273 = arith.extui %eq3A_272 : i1 to i32
        %cond3A_274 = arith.constant 0 : i32
        %cond3A_275 = arith.cmpi ne, %convert_element_type3A_273, %cond3A_274 : i32
        scf.if %cond3A_275 {
          %mul3A_283 = arith.constant 10240 : i32
          %mul3A_284 = arith.muli %arg1, %mul3A_283 : i32
          %mul3A_285 = arith.constant 80 : i32
          %mul3A_286 = arith.muli %add3A_262, %mul3A_285 : i32
          %add3A_287 = arith.addi %mul3A_284, %mul3A_286 : i32
          %dma_start3A_288 = arith.constant 0 : i32
          %dma_start3A_289 = tpu.memref_slice %arg4[%add3A_287, %dma_start3A_288] : memref<163840x128xf32, #tpu.memory_space<hbm>> -> memref<80x128xf32, #tpu.memory_space<hbm>>
          %dma_start3A_290 = arith.constant 0 : i32
          %dma_start3A_291 = tpu.memref_slice %arg4[%add3A_287, %dma_start3A_290] : memref<163840x128xf32, #tpu.memory_space<hbm>> -> memref<80x128xf32, #tpu.memory_space<hbm>>
          tpu.enqueue_dma source(%dma_start3A_291 : memref<80x128xf32, #tpu.memory_space<hbm>>) target(%arg20 : memref<80x128xf32, #tpu.memory_space<vmem>>) target_semaphore(%arg29 : memref<!tpu.dma_semaphore, #tpu.memory_space<semaphore_mem>>)
        } else {
        }
        %mul3A_276 = arith.constant 10240 : i32
        %mul3A_277 = arith.muli %add3A, %mul3A_276 : i32
        %mul3A_278 = arith.constant 80 : i32
        %mul3A_279 = arith.muli %add3A_262, %mul3A_278 : i32
        %add3A_280 = arith.addi %mul3A_277, %mul3A_279 : i32
        %dma_start3A_281 = tpu.memref_slice %arg5[%add3A_280] : memref<327680xf32, #tpu.memory_space<hbm>> -> memref<80xf32, #tpu.memory_space<hbm>>
        %dma_start3A_282 = tpu.memref_slice %arg5[%add3A_280] : memref<327680xf32, #tpu.memory_space<hbm>> -> memref<80xf32, #tpu.memory_space<hbm>>
        tpu.enqueue_dma source(%dma_start3A_282 : memref<80xf32, #tpu.memory_space<hbm>>) target(%arg22 : memref<80xf32, #tpu.memory_space<vmem>>) target_semaphore(%arg29 : memref<!tpu.dma_semaphore, #tpu.memory_space<semaphore_mem>>)
      } else {
      }
      %mul3A_142 = arith.constant 4 : i32
      %mul3A_143 = arith.muli %mul3A_142, %scan3A_106 : i32
      %add3A_144 = arith.constant 1 : i32
      %add3A_145 = arith.addi %mul3A_143, %add3A_144 : i32
      %dma_wait3A_146 = arith.constant 0 : i32
      %dma_wait3A_147 = arith.constant 0 : i32
      %dma_wait3A_148 = tpu.memref_slice %arg2[%dma_wait3A_146, %dma_wait3A_147] : memref<10000x128xf32, #tpu.memory_space<hbm>> -> memref<80x128xf32, #tpu.memory_space<hbm>>
      %dma_wait3A_149 = arith.constant 0 : i32
      %dma_wait3A_150 = arith.constant 0 : i32
      %dma_wait3A_151 = tpu.memref_slice %arg2[%dma_wait3A_149, %dma_wait3A_150] : memref<10000x128xf32, #tpu.memory_space<hbm>> -> memref<80x128xf32, #tpu.memory_space<hbm>>
      tpu.wait_dma2 semaphore(%arg30 : memref<!tpu.dma_semaphore, #tpu.memory_space<semaphore_mem>>) src(%dma_wait3A_151 : memref<80x128xf32, #tpu.memory_space<hbm>>) dst(%arg19 : memref<80x128xf32, #tpu.memory_space<vmem>>)
      %dma_wait3A_152 = arith.constant 0 : i32
      %dma_wait3A_153 = arith.constant 0 : i32
      %dma_wait3A_154 = tpu.memref_slice %arg2[%dma_wait3A_152, %dma_wait3A_153] : memref<10000x128xf32, #tpu.memory_space<hbm>> -> memref<80x128xf32, #tpu.memory_space<hbm>>
      %dma_wait3A_155 = arith.constant 0 : i32
      %dma_wait3A_156 = arith.constant 0 : i32
      %dma_wait3A_157 = tpu.memref_slice %arg2[%dma_wait3A_155, %dma_wait3A_156] : memref<10000x128xf32, #tpu.memory_space<hbm>> -> memref<80x128xf32, #tpu.memory_space<hbm>>
      tpu.wait_dma2 semaphore(%arg30 : memref<!tpu.dma_semaphore, #tpu.memory_space<semaphore_mem>>) src(%dma_wait3A_157 : memref<80x128xf32, #tpu.memory_space<hbm>>) dst(%arg21 : memref<80x128xf32, #tpu.memory_space<vmem>>)
      %dma_wait3A_158 = arith.constant 0 : i32
      %dma_wait3A_159 = tpu.memref_slice %arg5[%dma_wait3A_158] : memref<327680xf32, #tpu.memory_space<hbm>> -> memref<80xf32, #tpu.memory_space<hbm>>
      %dma_wait3A_160 = arith.constant 0 : i32
      %dma_wait3A_161 = tpu.memref_slice %arg5[%dma_wait3A_160] : memref<327680xf32, #tpu.memory_space<hbm>> -> memref<80xf32, #tpu.memory_space<hbm>>
      tpu.wait_dma2 semaphore(%arg30 : memref<!tpu.dma_semaphore, #tpu.memory_space<semaphore_mem>>) src(%dma_wait3A_161 : memref<80xf32, #tpu.memory_space<hbm>>) dst(%arg23 : memref<80xf32, #tpu.memory_space<vmem>>)
      %parallel_loop3A_162 = arith.constant 0 : i32
      %parallel_loop3A_163 = arith.constant 80 : i32
      %parallel_loop3A_164 = arith.constant 1 : i32
      scf.for %parallel_loop3A_253 = %parallel_loop3A_162 to %parallel_loop3A_163 step %parallel_loop3A_164  : i32 {
        %parallel_loop3A_254 = vector.broadcast %parallel_loop3A_253 : i32 to vector<16xi32>
        %parallel_loop3A_255 = tpu.vector_load_idx %arg23[%parallel_loop3A_254] : memref<80xf32, #tpu.memory_space<vmem>>[vector<16xi32>], vector<16xf32>,
        %parallel_loop3A_256 = arith.index_cast %parallel_loop3A_253 : i32 to index
        %parallel_loop3A_257 = arith.constant 0 : index
        %parallel_loop3A_258 = tpu.vector_load %arg19[%parallel_loop3A_256, %parallel_loop3A_257] {strides = array<i32>} : memref<80x128xf32, #tpu.memory_space<vmem>>, vector<16xf32>,
        %parallel_loop3A_259 = arith.index_cast %parallel_loop3A_253 : i32 to index
        %parallel_loop3A_260 = arith.constant 0 : index
        %parallel_loop3A_261 = tpu.vector_load %arg21[%parallel_loop3A_259, %parallel_loop3A_260] {strides = array<i32>} : memref<80x128xf32, #tpu.memory_space<vmem>>, vector<16xf32>,
        %parallel_loop3A_262 = arith.mulf %parallel_loop3A_258, %parallel_loop3A_261 : vector<16xf32>
        %parallel_loop3A_263 = arith.mulf %parallel_loop3A_262, %parallel_loop3A_255 : vector<16xf32>
        %parallel_loop3A_264 = arith.index_cast %parallel_loop3A_253 : i32 to index
        %parallel_loop3A_265 = arith.constant 0 : index
        %parallel_loop3A_266 = tpu.vector_load %arg19[%parallel_loop3A_264, %parallel_loop3A_265] {strides = array<i32>} : memref<80x128xf32, #tpu.memory_space<vmem>>, vector<16xf32>,
        tpu.vector_store %arg19[%parallel_loop3A_264, %parallel_loop3A_265], %parallel_loop3A_263 {strides = array<i32>} : memref<80x128xf32, #tpu.memory_space<vmem>>, vector<16xf32>,
        %parallel_loop3A_267 = arith.index_cast %parallel_loop3A_253 : i32 to index
        %parallel_loop3A_268 = arith.constant 16 : index
        %parallel_loop3A_269 = tpu.vector_load %arg19[%parallel_loop3A_267, %parallel_loop3A_268] {strides = array<i32>} : memref<80x128xf32, #tpu.memory_space<vmem>>, vector<16xf32>,
        %parallel_loop3A_270 = arith.index_cast %parallel_loop3A_253 : i32 to index
        %parallel_loop3A_271 = arith.constant 16 : index
        %parallel_loop3A_272 = tpu.vector_load %arg21[%parallel_loop3A_270, %parallel_loop3A_271] {strides = array<i32>} : memref<80x128xf32, #tpu.memory_space<vmem>>, vector<16xf32>,
        %parallel_loop3A_273 = arith.mulf %parallel_loop3A_269, %parallel_loop3A_272 : vector<16xf32>
        %parallel_loop3A_274 = arith.mulf %parallel_loop3A_273, %parallel_loop3A_255 : vector<16xf32>
        %parallel_loop3A_275 = arith.index_cast %parallel_loop3A_253 : i32 to index
        %parallel_loop3A_276 = arith.constant 16 : index
        %parallel_loop3A_277 = tpu.vector_load %arg19[%parallel_loop3A_275, %parallel_loop3A_276] {strides = array<i32>} : memref<80x128xf32, #tpu.memory_space<vmem>>, vector<16xf32>,
        tpu.vector_store %arg19[%parallel_loop3A_275, %parallel_loop3A_276], %parallel_loop3A_274 {strides = array<i32>} : memref<80x128xf32, #tpu.memory_space<vmem>>, vector<16xf32>,
        %parallel_loop3A_278 = arith.index_cast %parallel_loop3A_253 : i32 to index
        %parallel_loop3A_279 = arith.constant 32 : index
        %parallel_loop3A_280 = tpu.vector_load %arg19[%parallel_loop3A_278, %parallel_loop3A_279] {strides = array<i32>} : memref<80x128xf32, #tpu.memory_space<vmem>>, vector<16xf32>,
        %parallel_loop3A_281 = arith.index_cast %parallel_loop3A_253 : i32 to index
        %parallel_loop3A_282 = arith.constant 32 : index
        %parallel_loop3A_283 = tpu.vector_load %arg21[%parallel_loop3A_281, %parallel_loop3A_282] {strides = array<i32>} : memref<80x128xf32, #tpu.memory_space<vmem>>, vector<16xf32>,
        %parallel_loop3A_284 = arith.mulf %parallel_loop3A_280, %parallel_loop3A_283 : vector<16xf32>
        %parallel_loop3A_285 = arith.mulf %parallel_loop3A_284, %parallel_loop3A_255 : vector<16xf32>
        %parallel_loop3A_286 = arith.index_cast %parallel_loop3A_253 : i32 to index
        %parallel_loop3A_287 = arith.constant 32 : index
        %parallel_loop3A_288 = tpu.vector_load %arg19[%parallel_loop3A_286, %parallel_loop3A_287] {strides = array<i32>} : memref<80x128xf32, #tpu.memory_space<vmem>>, vector<16xf32>,
        tpu.vector_store %arg19[%parallel_loop3A_286, %parallel_loop3A_287], %parallel_loop3A_285 {strides = array<i32>} : memref<80x128xf32, #tpu.memory_space<vmem>>, vector<16xf32>,
        %parallel_loop3A_289 = arith.index_cast %parallel_loop3A_253 : i32 to index
        %parallel_loop3A_290 = arith.constant 48 : index
        %parallel_loop3A_291 = tpu.vector_load %arg19[%parallel_loop3A_289, %parallel_loop3A_290] {strides = array<i32>} : memref<80x128xf32, #tpu.memory_space<vmem>>, vector<16xf32>,
        %parallel_loop3A_292 = arith.index_cast %parallel_loop3A_253 : i32 to index
        %parallel_loop3A_293 = arith.constant 48 : index
        %parallel_loop3A_294 = tpu.vector_load %arg21[%parallel_loop3A_292, %parallel_loop3A_293] {strides = array<i32>} : memref<80x128xf32, #tpu.memory_space<vmem>>, vector<16xf32>,
        %parallel_loop3A_295 = arith.mulf %parallel_loop3A_291, %parallel_loop3A_294 : vector<16xf32>
        %parallel_loop3A_296 = arith.mulf %parallel_loop3A_295, %parallel_loop3A_255 : vector<16xf32>
        %parallel_loop3A_297 = arith.index_cast %parallel_loop3A_253 : i32 to index
        %parallel_loop3A_298 = arith.constant 48 : index
        %parallel_loop3A_299 = tpu.vector_load %arg19[%parallel_loop3A_297, %parallel_loop3A_298] {strides = array<i32>} : memref<80x128xf32, #tpu.memory_space<vmem>>, vector<16xf32>,
        tpu.vector_store %arg19[%parallel_loop3A_297, %parallel_loop3A_298], %parallel_loop3A_296 {strides = array<i32>} : memref<80x128xf32, #tpu.memory_space<vmem>>, vector<16xf32>,
        %parallel_loop3A_300 = arith.index_cast %parallel_loop3A_253 : i32 to index
        %parallel_loop3A_301 = arith.constant 64 : index
        %parallel_loop3A_302 = tpu.vector_load %arg19[%parallel_loop3A_300, %parallel_loop3A_301] {strides = array<i32>} : memref<80x128xf32, #tpu.memory_space<vmem>>, vector<16xf32>,
        %parallel_loop3A_303 = arith.index_cast %parallel_loop3A_253 : i32 to index
        %parallel_loop3A_304 = arith.constant 64 : index
        %parallel_loop3A_305 = tpu.vector_load %arg21[%parallel_loop3A_303, %parallel_loop3A_304] {strides = array<i32>} : memref<80x128xf32, #tpu.memory_space<vmem>>, vector<16xf32>,
        %parallel_loop3A_306 = arith.mulf %parallel_loop3A_302, %parallel_loop3A_305 : vector<16xf32>
        %parallel_loop3A_307 = arith.mulf %parallel_loop3A_306, %parallel_loop3A_255 : vector<16xf32>
        %parallel_loop3A_308 = arith.index_cast %parallel_loop3A_253 : i32 to index
        %parallel_loop3A_309 = arith.constant 64 : index
        %parallel_loop3A_310 = tpu.vector_load %arg19[%parallel_loop3A_308, %parallel_loop3A_309] {strides = array<i32>} : memref<80x128xf32, #tpu.memory_space<vmem>>, vector<16xf32>,
        tpu.vector_store %arg19[%parallel_loop3A_308, %parallel_loop3A_309], %parallel_loop3A_307 {strides = array<i32>} : memref<80x128xf32, #tpu.memory_space<vmem>>, vector<16xf32>,
        %parallel_loop3A_311 = arith.index_cast %parallel_loop3A_253 : i32 to index
        %parallel_loop3A_312 = arith.constant 80 : index
        %parallel_loop3A_313 = tpu.vector_load %arg19[%parallel_loop3A_311, %parallel_loop3A_312] {strides = array<i32>} : memref<80x128xf32, #tpu.memory_space<vmem>>, vector<16xf32>,
        %parallel_loop3A_314 = arith.index_cast %parallel_loop3A_253 : i32 to index
        %parallel_loop3A_315 = arith.constant 80 : index
        %parallel_loop3A_316 = tpu.vector_load %arg21[%parallel_loop3A_314, %parallel_loop3A_315] {strides = array<i32>} : memref<80x128xf32, #tpu.memory_space<vmem>>, vector<16xf32>,
        %parallel_loop3A_317 = arith.mulf %parallel_loop3A_313, %parallel_loop3A_316 : vector<16xf32>
        %parallel_loop3A_318 = arith.mulf %parallel_loop3A_317, %parallel_loop3A_255 : vector<16xf32>
        %parallel_loop3A_319 = arith.index_cast %parallel_loop3A_253 : i32 to index
        %parallel_loop3A_320 = arith.constant 80 : index
        %parallel_loop3A_321 = tpu.vector_load %arg19[%parallel_loop3A_319, %parallel_loop3A_320] {strides = array<i32>} : memref<80x128xf32, #tpu.memory_space<vmem>>, vector<16xf32>,
        tpu.vector_store %arg19[%parallel_loop3A_319, %parallel_loop3A_320], %parallel_loop3A_318 {strides = array<i32>} : memref<80x128xf32, #tpu.memory_space<vmem>>, vector<16xf32>,
        %parallel_loop3A_322 = arith.index_cast %parallel_loop3A_253 : i32 to index
        %parallel_loop3A_323 = arith.constant 96 : index
        %parallel_loop3A_324 = tpu.vector_load %arg19[%parallel_loop3A_322, %parallel_loop3A_323] {strides = array<i32>} : memref<80x128xf32, #tpu.memory_space<vmem>>, vector<16xf32>,
        %parallel_loop3A_325 = arith.index_cast %parallel_loop3A_253 : i32 to index
        %parallel_loop3A_326 = arith.constant 96 : index
        %parallel_loop3A_327 = tpu.vector_load %arg21[%parallel_loop3A_325, %parallel_loop3A_326] {strides = array<i32>} : memref<80x128xf32, #tpu.memory_space<vmem>>, vector<16xf32>,
        %parallel_loop3A_328 = arith.mulf %parallel_loop3A_324, %parallel_loop3A_327 : vector<16xf32>
        %parallel_loop3A_329 = arith.mulf %parallel_loop3A_328, %parallel_loop3A_255 : vector<16xf32>
        %parallel_loop3A_330 = arith.index_cast %parallel_loop3A_253 : i32 to index
        %parallel_loop3A_331 = arith.constant 96 : index
        %parallel_loop3A_332 = tpu.vector_load %arg19[%parallel_loop3A_330, %parallel_loop3A_331] {strides = array<i32>} : memref<80x128xf32, #tpu.memory_space<vmem>>, vector<16xf32>,
        tpu.vector_store %arg19[%parallel_loop3A_330, %parallel_loop3A_331], %parallel_loop3A_329 {strides = array<i32>} : memref<80x128xf32, #tpu.memory_space<vmem>>, vector<16xf32>,
        %parallel_loop3A_333 = arith.index_cast %parallel_loop3A_253 : i32 to index
        %parallel_loop3A_334 = arith.constant 112 : index
        %parallel_loop3A_335 = tpu.vector_load %arg19[%parallel_loop3A_333, %parallel_loop3A_334] {strides = array<i32>} : memref<80x128xf32, #tpu.memory_space<vmem>>, vector<16xf32>,
        %parallel_loop3A_336 = arith.index_cast %parallel_loop3A_253 : i32 to index
        %parallel_loop3A_337 = arith.constant 112 : index
        %parallel_loop3A_338 = tpu.vector_load %arg21[%parallel_loop3A_336, %parallel_loop3A_337] {strides = array<i32>} : memref<80x128xf32, #tpu.memory_space<vmem>>, vector<16xf32>,
        %parallel_loop3A_339 = arith.mulf %parallel_loop3A_335, %parallel_loop3A_338 : vector<16xf32>
        %parallel_loop3A_340 = arith.mulf %parallel_loop3A_339, %parallel_loop3A_255 : vector<16xf32>
        %parallel_loop3A_341 = arith.index_cast %parallel_loop3A_253 : i32 to index
        %parallel_loop3A_342 = arith.constant 112 : index
        %parallel_loop3A_343 = tpu.vector_load %arg19[%parallel_loop3A_341, %parallel_loop3A_342] {strides = array<i32>} : memref<80x128xf32, #tpu.memory_space<vmem>>, vector<16xf32>,
        tpu.vector_store %arg19[%parallel_loop3A_341, %parallel_loop3A_342], %parallel_loop3A_340 {strides = array<i32>} : memref<80x128xf32, #tpu.memory_space<vmem>>, vector<16xf32>,
      } {sc.loop_unroll_factor = 2 : i64, sc.parallel_access}
      "tpu.region"() ({
        %run_scoped3A = tpu.sem_alloc : memref<!tpu.dma_semaphore, #tpu.memory_space<semaphore_mem>>
        %dma_start3A_253 = arith.constant 0 : i32
        %dma_start3A_254 = arith.constant 0 : i32
        %dma_start3A_255 = tpu.memref_slice %arg24[%dma_start3A_253, %dma_start3A_254] : memref<10240x128xf32, #tpu.memory_space<vmem_shared>> -> memref<10240x128xf32, #tpu.memory_space<vmem_shared>>
        tpu.enqueue_indirect_dma source(%arg19 : memref<80x128xf32, #tpu.memory_space<vmem>>) target(%dma_start3A_255 : memref<10240x128xf32, #tpu.memory_space<vmem_shared>>) offsets(%arg15 : memref<80xi32, #tpu.memory_space<vmem>>) semaphore(%run_scoped3A : memref<!tpu.dma_semaphore, #tpu.memory_space<semaphore_mem>>) {add = true}
        %dma_wait3A_256 = arith.constant 0 : i32
        %dma_wait3A_257 = arith.constant 0 : i32
        %dma_wait3A_258 = tpu.memref_slice %arg24[%dma_wait3A_256, %dma_wait3A_257] : memref<10240x128xf32, #tpu.memory_space<vmem_shared>> -> memref<10240x128xf32, #tpu.memory_space<vmem_shared>>
        tpu.wait_indirect_dma semaphore(%run_scoped3A : memref<!tpu.dma_semaphore, #tpu.memory_space<semaphore_mem>>) src(%arg19 : memref<80x128xf32, #tpu.memory_space<vmem>>) dst(%dma_wait3A_258 : memref<10240x128xf32, #tpu.memory_space<vmem_shared>>)
        tpu.yield
      }) : () -> ()
      %add3A_165 = arith.constant 4 : i32
      %add3A_166 = arith.addi %add3A_145, %add3A_165 : i32
      %lt3A_167 = arith.constant 128 : i32
      %lt3A_168 = arith.cmpi slt, %add3A_166, %lt3A_167 : i32
      %convert_element_type3A_169 = arith.extui %lt3A_168 : i1 to i32
      %cond3A_170 = arith.constant 0 : i32
      %cond3A_171 = arith.cmpi ne, %convert_element_type3A_169, %cond3A_170 : i32
      scf.if %cond3A_171 {
        %add3A_253 = arith.constant 4 : i32
        %add3A_254 = arith.addi %add3A_145, %add3A_253 : i32
        %mul3A_255 = arith.constant 10240 : i32
        %mul3A_256 = arith.muli %add3A, %mul3A_255 : i32
        %mul3A_257 = arith.constant 80 : i32
        %mul3A_258 = arith.muli %add3A_254, %mul3A_257 : i32
        %add3A_259 = arith.addi %mul3A_256, %mul3A_258 : i32
        %dma_start3A_260 = tpu.memref_slice %arg6[%add3A_259] : memref<327680xi32, #tpu.memory_space<hbm>> -> memref<80xi32, #tpu.memory_space<hbm>>
        %dma_start3A_261 = tpu.memref_slice %arg6[%add3A_259] : memref<327680xi32, #tpu.memory_space<hbm>> -> memref<80xi32, #tpu.memory_space<hbm>>
        tpu.enqueue_dma source(%dma_start3A_261 : memref<80xi32, #tpu.memory_space<hbm>>) target(%arg11 : memref<80xi32, #tpu.memory_space<vmem>>) target_semaphore(%arg26 : memref<!tpu.dma_semaphore, #tpu.memory_space<semaphore_mem>>)
        %mul3A_262 = arith.constant 10240 : i32
        %mul3A_263 = arith.muli %add3A, %mul3A_262 : i32
        %mul3A_264 = arith.constant 80 : i32
        %mul3A_265 = arith.muli %add3A_254, %mul3A_264 : i32
        %add3A_266 = arith.addi %mul3A_263, %mul3A_265 : i32
        %dma_start3A_267 = tpu.memref_slice %arg7[%add3A_266] : memref<327680xi32, #tpu.memory_space<hbm>> -> memref<80xi32, #tpu.memory_space<hbm>>
        %dma_start3A_268 = tpu.memref_slice %arg7[%add3A_266] : memref<327680xi32, #tpu.memory_space<hbm>> -> memref<80xi32, #tpu.memory_space<hbm>>
        tpu.enqueue_dma source(%dma_start3A_268 : memref<80xi32, #tpu.memory_space<hbm>>) target(%arg15 : memref<80xi32, #tpu.memory_space<vmem>>) target_semaphore(%arg26 : memref<!tpu.dma_semaphore, #tpu.memory_space<semaphore_mem>>)
      } else {
      }
      %add3A_172 = arith.constant 2 : i32
      %add3A_173 = arith.addi %add3A_145, %add3A_172 : i32
      %lt3A_174 = arith.constant 128 : i32
      %lt3A_175 = arith.cmpi slt, %add3A_173, %lt3A_174 : i32
      %convert_element_type3A_176 = arith.extui %lt3A_175 : i1 to i32
      %cond3A_177 = arith.constant 0 : i32
      %cond3A_178 = arith.cmpi ne, %convert_element_type3A_176, %cond3A_177 : i32
      scf.if %cond3A_178 {
        %dma_wait3A_253 = arith.constant 0 : i32
        %dma_wait3A_254 = tpu.memref_slice %arg6[%dma_wait3A_253] : memref<327680xi32, #tpu.memory_space<hbm>> -> memref<80xi32, #tpu.memory_space<hbm>>
        %dma_wait3A_255 = arith.constant 0 : i32
        %dma_wait3A_256 = tpu.memref_slice %arg6[%dma_wait3A_255] : memref<327680xi32, #tpu.memory_space<hbm>> -> memref<80xi32, #tpu.memory_space<hbm>>
        tpu.wait_dma2 semaphore(%arg28 : memref<!tpu.dma_semaphore, #tpu.memory_space<semaphore_mem>>) src(%dma_wait3A_256 : memref<80xi32, #tpu.memory_space<hbm>>) dst(%arg13 : memref<80xi32, #tpu.memory_space<vmem>>)
        %dma_wait3A_257 = arith.constant 0 : i32
        %dma_wait3A_258 = tpu.memref_slice %arg6[%dma_wait3A_257] : memref<327680xi32, #tpu.memory_space<hbm>> -> memref<80xi32, #tpu.memory_space<hbm>>
        %dma_wait3A_259 = arith.constant 0 : i32
        %dma_wait3A_260 = tpu.memref_slice %arg6[%dma_wait3A_259] : memref<327680xi32, #tpu.memory_space<hbm>> -> memref<80xi32, #tpu.memory_space<hbm>>
        tpu.wait_dma2 semaphore(%arg28 : memref<!tpu.dma_semaphore, #tpu.memory_space<semaphore_mem>>) src(%dma_wait3A_260 : memref<80xi32, #tpu.memory_space<hbm>>) dst(%arg17 : memref<80xi32, #tpu.memory_space<vmem>>)
        %add3A_261 = arith.constant 2 : i32
        %add3A_262 = arith.addi %add3A_145, %add3A_261 : i32
        %dma_start3A_263 = arith.constant 0 : i32
        %dma_start3A_264 = arith.constant 0 : i32
        %dma_start3A_265 = tpu.memref_slice %arg2[%dma_start3A_263, %dma_start3A_264] : memref<10000x128xf32, #tpu.memory_space<hbm>> -> memref<10000x128xf32, #tpu.memory_space<hbm>>
        tpu.enqueue_indirect_dma source(%dma_start3A_265 : memref<10000x128xf32, #tpu.memory_space<hbm>>) target(%arg19 : memref<80x128xf32, #tpu.memory_space<vmem>>) offsets(%arg13 : memref<80xi32, #tpu.memory_space<vmem>>) semaphore(%arg30 : memref<!tpu.dma_semaphore, #tpu.memory_space<semaphore_mem>>)
        %eq3A_266 = arith.constant 0 : i32
        %eq3A_267 = arith.cmpi eq, %arg0, %eq3A_266 : i32
        %convert_element_type3A_268 = arith.extui %eq3A_267 : i1 to i32
        %cond3A_269 = arith.constant 0 : i32
        %cond3A_270 = arith.cmpi ne, %convert_element_type3A_268, %cond3A_269 : i32
        scf.if %cond3A_270 {
          %mul3A_283 = arith.constant 10240 : i32
          %mul3A_284 = arith.muli %arg1, %mul3A_283 : i32
          %mul3A_285 = arith.constant 80 : i32
          %mul3A_286 = arith.muli %add3A_262, %mul3A_285 : i32
          %add3A_287 = arith.addi %mul3A_284, %mul3A_286 : i32
          %dma_start3A_288 = arith.constant 0 : i32
          %dma_start3A_289 = tpu.memref_slice %arg3[%add3A_287, %dma_start3A_288] : memref<163840x128xf32, #tpu.memory_space<hbm>> -> memref<80x128xf32, #tpu.memory_space<hbm>>
          %dma_start3A_290 = arith.constant 0 : i32
          %dma_start3A_291 = tpu.memref_slice %arg3[%add3A_287, %dma_start3A_290] : memref<163840x128xf32, #tpu.memory_space<hbm>> -> memref<80x128xf32, #tpu.memory_space<hbm>>
          tpu.enqueue_dma source(%dma_start3A_291 : memref<80x128xf32, #tpu.memory_space<hbm>>) target(%arg21 : memref<80x128xf32, #tpu.memory_space<vmem>>) target_semaphore(%arg30 : memref<!tpu.dma_semaphore, #tpu.memory_space<semaphore_mem>>)
        } else {
        }
        %eq3A_271 = arith.constant 1 : i32
        %eq3A_272 = arith.cmpi eq, %arg0, %eq3A_271 : i32
        %convert_element_type3A_273 = arith.extui %eq3A_272 : i1 to i32
        %cond3A_274 = arith.constant 0 : i32
        %cond3A_275 = arith.cmpi ne, %convert_element_type3A_273, %cond3A_274 : i32
        scf.if %cond3A_275 {
          %mul3A_283 = arith.constant 10240 : i32
          %mul3A_284 = arith.muli %arg1, %mul3A_283 : i32
          %mul3A_285 = arith.constant 80 : i32
          %mul3A_286 = arith.muli %add3A_262, %mul3A_285 : i32
          %add3A_287 = arith.addi %mul3A_284, %mul3A_286 : i32
          %dma_start3A_288 = arith.constant 0 : i32
          %dma_start3A_289 = tpu.memref_slice %arg4[%add3A_287, %dma_start3A_288] : memref<163840x128xf32, #tpu.memory_space<hbm>> -> memref<80x128xf32, #tpu.memory_space<hbm>>
          %dma_start3A_290 = arith.constant 0 : i32
          %dma_start3A_291 = tpu.memref_slice %arg4[%add3A_287, %dma_start3A_290] : memref<163840x128xf32, #tpu.memory_space<hbm>> -> memref<80x128xf32, #tpu.memory_space<hbm>>
          tpu.enqueue_dma source(%dma_start3A_291 : memref<80x128xf32, #tpu.memory_space<hbm>>) target(%arg21 : memref<80x128xf32, #tpu.memory_space<vmem>>) target_semaphore(%arg30 : memref<!tpu.dma_semaphore, #tpu.memory_space<semaphore_mem>>)
        } else {
        }
        %mul3A_276 = arith.constant 10240 : i32
        %mul3A_277 = arith.muli %add3A, %mul3A_276 : i32
        %mul3A_278 = arith.constant 80 : i32
        %mul3A_279 = arith.muli %add3A_262, %mul3A_278 : i32
        %add3A_280 = arith.addi %mul3A_277, %mul3A_279 : i32
        %dma_start3A_281 = tpu.memref_slice %arg5[%add3A_280] : memref<327680xf32, #tpu.memory_space<hbm>> -> memref<80xf32, #tpu.memory_space<hbm>>
        %dma_start3A_282 = tpu.memref_slice %arg5[%add3A_280] : memref<327680xf32, #tpu.memory_space<hbm>> -> memref<80xf32, #tpu.memory_space<hbm>>
        tpu.enqueue_dma source(%dma_start3A_282 : memref<80xf32, #tpu.memory_space<hbm>>) target(%arg23 : memref<80xf32, #tpu.memory_space<vmem>>) target_semaphore(%arg30 : memref<!tpu.dma_semaphore, #tpu.memory_space<semaphore_mem>>)
      } else {
      }
      %mul3A_179 = arith.constant 4 : i32
      %mul3A_180 = arith.muli %mul3A_179, %scan3A_106 : i32
      %add3A_181 = arith.constant 2 : i32
      %add3A_182 = arith.addi %mul3A_180, %add3A_181 : i32
      %dma_wait3A_183 = arith.constant 0 : i32
      %dma_wait3A_184 = arith.constant 0 : i32
      %dma_wait3A_185 = tpu.memref_slice %arg2[%dma_wait3A_183, %dma_wait3A_184] : memref<10000x128xf32, #tpu.memory_space<hbm>> -> memref<80x128xf32, #tpu.memory_space<hbm>>
      %dma_wait3A_186 = arith.constant 0 : i32
      %dma_wait3A_187 = arith.constant 0 : i32
      %dma_wait3A_188 = tpu.memref_slice %arg2[%dma_wait3A_186, %dma_wait3A_187] : memref<10000x128xf32, #tpu.memory_space<hbm>> -> memref<80x128xf32, #tpu.memory_space<hbm>>
      tpu.wait_dma2 semaphore(%arg29 : memref<!tpu.dma_semaphore, #tpu.memory_space<semaphore_mem>>) src(%dma_wait3A_188 : memref<80x128xf32, #tpu.memory_space<hbm>>) dst(%arg18 : memref<80x128xf32, #tpu.memory_space<vmem>>)
      %dma_wait3A_189 = arith.constant 0 : i32
      %dma_wait3A_190 = arith.constant 0 : i32
      %dma_wait3A_191 = tpu.memref_slice %arg2[%dma_wait3A_189, %dma_wait3A_190] : memref<10000x128xf32, #tpu.memory_space<hbm>> -> memref<80x128xf32, #tpu.memory_space<hbm>>
      %dma_wait3A_192 = arith.constant 0 : i32
      %dma_wait3A_193 = arith.constant 0 : i32
      %dma_wait3A_194 = tpu.memref_slice %arg2[%dma_wait3A_192, %dma_wait3A_193] : memref<10000x128xf32, #tpu.memory_space<hbm>> -> memref<80x128xf32, #tpu.memory_space<hbm>>
      tpu.wait_dma2 semaphore(%arg29 : memref<!tpu.dma_semaphore, #tpu.memory_space<semaphore_mem>>) src(%dma_wait3A_194 : memref<80x128xf32, #tpu.memory_space<hbm>>) dst(%arg20 : memref<80x128xf32, #tpu.memory_space<vmem>>)
      %dma_wait3A_195 = arith.constant 0 : i32
      %dma_wait3A_196 = tpu.memref_slice %arg5[%dma_wait3A_195] : memref<327680xf32, #tpu.memory_space<hbm>> -> memref<80xf32, #tpu.memory_space<hbm>>
      %dma_wait3A_197 = arith.constant 0 : i32
      %dma_wait3A_198 = tpu.memref_slice %arg5[%dma_wait3A_197] : memref<327680xf32, #tpu.memory_space<hbm>> -> memref<80xf32, #tpu.memory_space<hbm>>
      tpu.wait_dma2 semaphore(%arg29 : memref<!tpu.dma_semaphore, #tpu.memory_space<semaphore_mem>>) src(%dma_wait3A_198 : memref<80xf32, #tpu.memory_space<hbm>>) dst(%arg22 : memref<80xf32, #tpu.memory_space<vmem>>)
      %parallel_loop3A_199 = arith.constant 0 : i32
      %parallel_loop3A_200 = arith.constant 80 : i32
      %parallel_loop3A_201 = arith.constant 1 : i32
      scf.for %parallel_loop3A_253 = %parallel_loop3A_199 to %parallel_loop3A_200 step %parallel_loop3A_201  : i32 {
        %parallel_loop3A_254 = vector.broadcast %parallel_loop3A_253 : i32 to vector<16xi32>
        %parallel_loop3A_255 = tpu.vector_load_idx %arg22[%parallel_loop3A_254] : memref<80xf32, #tpu.memory_space<vmem>>[vector<16xi32>], vector<16xf32>,
        %parallel_loop3A_256 = arith.index_cast %parallel_loop3A_253 : i32 to index
        %parallel_loop3A_257 = arith.constant 0 : index
        %parallel_loop3A_258 = tpu.vector_load %arg18[%parallel_loop3A_256, %parallel_loop3A_257] {strides = array<i32>} : memref<80x128xf32, #tpu.memory_space<vmem>>, vector<16xf32>,
        %parallel_loop3A_259 = arith.index_cast %parallel_loop3A_253 : i32 to index
        %parallel_loop3A_260 = arith.constant 0 : index
        %parallel_loop3A_261 = tpu.vector_load %arg20[%parallel_loop3A_259, %parallel_loop3A_260] {strides = array<i32>} : memref<80x128xf32, #tpu.memory_space<vmem>>, vector<16xf32>,
        %parallel_loop3A_262 = arith.mulf %parallel_loop3A_258, %parallel_loop3A_261 : vector<16xf32>
        %parallel_loop3A_263 = arith.mulf %parallel_loop3A_262, %parallel_loop3A_255 : vector<16xf32>
        %parallel_loop3A_264 = arith.index_cast %parallel_loop3A_253 : i32 to index
        %parallel_loop3A_265 = arith.constant 0 : index
        %parallel_loop3A_266 = tpu.vector_load %arg18[%parallel_loop3A_264, %parallel_loop3A_265] {strides = array<i32>} : memref<80x128xf32, #tpu.memory_space<vmem>>, vector<16xf32>,
        tpu.vector_store %arg18[%parallel_loop3A_264, %parallel_loop3A_265], %parallel_loop3A_263 {strides = array<i32>} : memref<80x128xf32, #tpu.memory_space<vmem>>, vector<16xf32>,
        %parallel_loop3A_267 = arith.index_cast %parallel_loop3A_253 : i32 to index
        %parallel_loop3A_268 = arith.constant 16 : index
        %parallel_loop3A_269 = tpu.vector_load %arg18[%parallel_loop3A_267, %parallel_loop3A_268] {strides = array<i32>} : memref<80x128xf32, #tpu.memory_space<vmem>>, vector<16xf32>,
        %parallel_loop3A_270 = arith.index_cast %parallel_loop3A_253 : i32 to index
        %parallel_loop3A_271 = arith.constant 16 : index
        %parallel_loop3A_272 = tpu.vector_load %arg20[%parallel_loop3A_270, %parallel_loop3A_271] {strides = array<i32>} : memref<80x128xf32, #tpu.memory_space<vmem>>, vector<16xf32>,
        %parallel_loop3A_273 = arith.mulf %parallel_loop3A_269, %parallel_loop3A_272 : vector<16xf32>
        %parallel_loop3A_274 = arith.mulf %parallel_loop3A_273, %parallel_loop3A_255 : vector<16xf32>
        %parallel_loop3A_275 = arith.index_cast %parallel_loop3A_253 : i32 to index
        %parallel_loop3A_276 = arith.constant 16 : index
        %parallel_loop3A_277 = tpu.vector_load %arg18[%parallel_loop3A_275, %parallel_loop3A_276] {strides = array<i32>} : memref<80x128xf32, #tpu.memory_space<vmem>>, vector<16xf32>,
        tpu.vector_store %arg18[%parallel_loop3A_275, %parallel_loop3A_276], %parallel_loop3A_274 {strides = array<i32>} : memref<80x128xf32, #tpu.memory_space<vmem>>, vector<16xf32>,
        %parallel_loop3A_278 = arith.index_cast %parallel_loop3A_253 : i32 to index
        %parallel_loop3A_279 = arith.constant 32 : index
        %parallel_loop3A_280 = tpu.vector_load %arg18[%parallel_loop3A_278, %parallel_loop3A_279] {strides = array<i32>} : memref<80x128xf32, #tpu.memory_space<vmem>>, vector<16xf32>,
        %parallel_loop3A_281 = arith.index_cast %parallel_loop3A_253 : i32 to index
        %parallel_loop3A_282 = arith.constant 32 : index
        %parallel_loop3A_283 = tpu.vector_load %arg20[%parallel_loop3A_281, %parallel_loop3A_282] {strides = array<i32>} : memref<80x128xf32, #tpu.memory_space<vmem>>, vector<16xf32>,
        %parallel_loop3A_284 = arith.mulf %parallel_loop3A_280, %parallel_loop3A_283 : vector<16xf32>
        %parallel_loop3A_285 = arith.mulf %parallel_loop3A_284, %parallel_loop3A_255 : vector<16xf32>
        %parallel_loop3A_286 = arith.index_cast %parallel_loop3A_253 : i32 to index
        %parallel_loop3A_287 = arith.constant 32 : index
        %parallel_loop3A_288 = tpu.vector_load %arg18[%parallel_loop3A_286, %parallel_loop3A_287] {strides = array<i32>} : memref<80x128xf32, #tpu.memory_space<vmem>>, vector<16xf32>,
        tpu.vector_store %arg18[%parallel_loop3A_286, %parallel_loop3A_287], %parallel_loop3A_285 {strides = array<i32>} : memref<80x128xf32, #tpu.memory_space<vmem>>, vector<16xf32>,
        %parallel_loop3A_289 = arith.index_cast %parallel_loop3A_253 : i32 to index
        %parallel_loop3A_290 = arith.constant 48 : index
        %parallel_loop3A_291 = tpu.vector_load %arg18[%parallel_loop3A_289, %parallel_loop3A_290] {strides = array<i32>} : memref<80x128xf32, #tpu.memory_space<vmem>>, vector<16xf32>,
        %parallel_loop3A_292 = arith.index_cast %parallel_loop3A_253 : i32 to index
        %parallel_loop3A_293 = arith.constant 48 : index
        %parallel_loop3A_294 = tpu.vector_load %arg20[%parallel_loop3A_292, %parallel_loop3A_293] {strides = array<i32>} : memref<80x128xf32, #tpu.memory_space<vmem>>, vector<16xf32>,
        %parallel_loop3A_295 = arith.mulf %parallel_loop3A_291, %parallel_loop3A_294 : vector<16xf32>
        %parallel_loop3A_296 = arith.mulf %parallel_loop3A_295, %parallel_loop3A_255 : vector<16xf32>
        %parallel_loop3A_297 = arith.index_cast %parallel_loop3A_253 : i32 to index
        %parallel_loop3A_298 = arith.constant 48 : index
        %parallel_loop3A_299 = tpu.vector_load %arg18[%parallel_loop3A_297, %parallel_loop3A_298] {strides = array<i32>} : memref<80x128xf32, #tpu.memory_space<vmem>>, vector<16xf32>,
        tpu.vector_store %arg18[%parallel_loop3A_297, %parallel_loop3A_298], %parallel_loop3A_296 {strides = array<i32>} : memref<80x128xf32, #tpu.memory_space<vmem>>, vector<16xf32>,
        %parallel_loop3A_300 = arith.index_cast %parallel_loop3A_253 : i32 to index
        %parallel_loop3A_301 = arith.constant 64 : index
        %parallel_loop3A_302 = tpu.vector_load %arg18[%parallel_loop3A_300, %parallel_loop3A_301] {strides = array<i32>} : memref<80x128xf32, #tpu.memory_space<vmem>>, vector<16xf32>,
        %parallel_loop3A_303 = arith.index_cast %parallel_loop3A_253 : i32 to index
        %parallel_loop3A_304 = arith.constant 64 : index
        %parallel_loop3A_305 = tpu.vector_load %arg20[%parallel_loop3A_303, %parallel_loop3A_304] {strides = array<i32>} : memref<80x128xf32, #tpu.memory_space<vmem>>, vector<16xf32>,
        %parallel_loop3A_306 = arith.mulf %parallel_loop3A_302, %parallel_loop3A_305 : vector<16xf32>
        %parallel_loop3A_307 = arith.mulf %parallel_loop3A_306, %parallel_loop3A_255 : vector<16xf32>
        %parallel_loop3A_308 = arith.index_cast %parallel_loop3A_253 : i32 to index
        %parallel_loop3A_309 = arith.constant 64 : index
        %parallel_loop3A_310 = tpu.vector_load %arg18[%parallel_loop3A_308, %parallel_loop3A_309] {strides = array<i32>} : memref<80x128xf32, #tpu.memory_space<vmem>>, vector<16xf32>,
        tpu.vector_store %arg18[%parallel_loop3A_308, %parallel_loop3A_309], %parallel_loop3A_307 {strides = array<i32>} : memref<80x128xf32, #tpu.memory_space<vmem>>, vector<16xf32>,
        %parallel_loop3A_311 = arith.index_cast %parallel_loop3A_253 : i32 to index
        %parallel_loop3A_312 = arith.constant 80 : index
        %parallel_loop3A_313 = tpu.vector_load %arg18[%parallel_loop3A_311, %parallel_loop3A_312] {strides = array<i32>} : memref<80x128xf32, #tpu.memory_space<vmem>>, vector<16xf32>,
        %parallel_loop3A_314 = arith.index_cast %parallel_loop3A_253 : i32 to index
        %parallel_loop3A_315 = arith.constant 80 : index
        %parallel_loop3A_316 = tpu.vector_load %arg20[%parallel_loop3A_314, %parallel_loop3A_315] {strides = array<i32>} : memref<80x128xf32, #tpu.memory_space<vmem>>, vector<16xf32>,
        %parallel_loop3A_317 = arith.mulf %parallel_loop3A_313, %parallel_loop3A_316 : vector<16xf32>
        %parallel_loop3A_318 = arith.mulf %parallel_loop3A_317, %parallel_loop3A_255 : vector<16xf32>
        %parallel_loop3A_319 = arith.index_cast %parallel_loop3A_253 : i32 to index
        %parallel_loop3A_320 = arith.constant 80 : index
        %parallel_loop3A_321 = tpu.vector_load %arg18[%parallel_loop3A_319, %parallel_loop3A_320] {strides = array<i32>} : memref<80x128xf32, #tpu.memory_space<vmem>>, vector<16xf32>,
        tpu.vector_store %arg18[%parallel_loop3A_319, %parallel_loop3A_320], %parallel_loop3A_318 {strides = array<i32>} : memref<80x128xf32, #tpu.memory_space<vmem>>, vector<16xf32>,
        %parallel_loop3A_322 = arith.index_cast %parallel_loop3A_253 : i32 to index
        %parallel_loop3A_323 = arith.constant 96 : index
        %parallel_loop3A_324 = tpu.vector_load %arg18[%parallel_loop3A_322, %parallel_loop3A_323] {strides = array<i32>} : memref<80x128xf32, #tpu.memory_space<vmem>>, vector<16xf32>,
        %parallel_loop3A_325 = arith.index_cast %parallel_loop3A_253 : i32 to index
        %parallel_loop3A_326 = arith.constant 96 : index
        %parallel_loop3A_327 = tpu.vector_load %arg20[%parallel_loop3A_325, %parallel_loop3A_326] {strides = array<i32>} : memref<80x128xf32, #tpu.memory_space<vmem>>, vector<16xf32>,
        %parallel_loop3A_328 = arith.mulf %parallel_loop3A_324, %parallel_loop3A_327 : vector<16xf32>
        %parallel_loop3A_329 = arith.mulf %parallel_loop3A_328, %parallel_loop3A_255 : vector<16xf32>
        %parallel_loop3A_330 = arith.index_cast %parallel_loop3A_253 : i32 to index
        %parallel_loop3A_331 = arith.constant 96 : index
        %parallel_loop3A_332 = tpu.vector_load %arg18[%parallel_loop3A_330, %parallel_loop3A_331] {strides = array<i32>} : memref<80x128xf32, #tpu.memory_space<vmem>>, vector<16xf32>,
        tpu.vector_store %arg18[%parallel_loop3A_330, %parallel_loop3A_331], %parallel_loop3A_329 {strides = array<i32>} : memref<80x128xf32, #tpu.memory_space<vmem>>, vector<16xf32>,
        %parallel_loop3A_333 = arith.index_cast %parallel_loop3A_253 : i32 to index
        %parallel_loop3A_334 = arith.constant 112 : index
        %parallel_loop3A_335 = tpu.vector_load %arg18[%parallel_loop3A_333, %parallel_loop3A_334] {strides = array<i32>} : memref<80x128xf32, #tpu.memory_space<vmem>>, vector<16xf32>,
        %parallel_loop3A_336 = arith.index_cast %parallel_loop3A_253 : i32 to index
        %parallel_loop3A_337 = arith.constant 112 : index
        %parallel_loop3A_338 = tpu.vector_load %arg20[%parallel_loop3A_336, %parallel_loop3A_337] {strides = array<i32>} : memref<80x128xf32, #tpu.memory_space<vmem>>, vector<16xf32>,
        %parallel_loop3A_339 = arith.mulf %parallel_loop3A_335, %parallel_loop3A_338 : vector<16xf32>
        %parallel_loop3A_340 = arith.mulf %parallel_loop3A_339, %parallel_loop3A_255 : vector<16xf32>
        %parallel_loop3A_341 = arith.index_cast %parallel_loop3A_253 : i32 to index
        %parallel_loop3A_342 = arith.constant 112 : index
        %parallel_loop3A_343 = tpu.vector_load %arg18[%parallel_loop3A_341, %parallel_loop3A_342] {strides = array<i32>} : memref<80x128xf32, #tpu.memory_space<vmem>>, vector<16xf32>,
        tpu.vector_store %arg18[%parallel_loop3A_341, %parallel_loop3A_342], %parallel_loop3A_340 {strides = array<i32>} : memref<80x128xf32, #tpu.memory_space<vmem>>, vector<16xf32>,
      } {sc.loop_unroll_factor = 2 : i64, sc.parallel_access}
      "tpu.region"() ({
        %run_scoped3A = tpu.sem_alloc : memref<!tpu.dma_semaphore, #tpu.memory_space<semaphore_mem>>
        %dma_start3A_253 = arith.constant 0 : i32
        %dma_start3A_254 = arith.constant 0 : i32
        %dma_start3A_255 = tpu.memref_slice %arg24[%dma_start3A_253, %dma_start3A_254] : memref<10240x128xf32, #tpu.memory_space<vmem_shared>> -> memref<10240x128xf32, #tpu.memory_space<vmem_shared>>
        tpu.enqueue_indirect_dma source(%arg18 : memref<80x128xf32, #tpu.memory_space<vmem>>) target(%dma_start3A_255 : memref<10240x128xf32, #tpu.memory_space<vmem_shared>>) offsets(%arg16 : memref<80xi32, #tpu.memory_space<vmem>>) semaphore(%run_scoped3A : memref<!tpu.dma_semaphore, #tpu.memory_space<semaphore_mem>>) {add = true}
        %dma_wait3A_256 = arith.constant 0 : i32
        %dma_wait3A_257 = arith.constant 0 : i32
        %dma_wait3A_258 = tpu.memref_slice %arg24[%dma_wait3A_256, %dma_wait3A_257] : memref<10240x128xf32, #tpu.memory_space<vmem_shared>> -> memref<10240x128xf32, #tpu.memory_space<vmem_shared>>
        tpu.wait_indirect_dma semaphore(%run_scoped3A : memref<!tpu.dma_semaphore, #tpu.memory_space<semaphore_mem>>) src(%arg18 : memref<80x128xf32, #tpu.memory_space<vmem>>) dst(%dma_wait3A_258 : memref<10240x128xf32, #tpu.memory_space<vmem_shared>>)
        tpu.yield
      }) : () -> ()
      %add3A_202 = arith.constant 4 : i32
      %add3A_203 = arith.addi %add3A_182, %add3A_202 : i32
      %lt3A_204 = arith.constant 128 : i32
      %lt3A_205 = arith.cmpi slt, %add3A_203, %lt3A_204 : i32
      %convert_element_type3A_206 = arith.extui %lt3A_205 : i1 to i32
      %cond3A_207 = arith.constant 0 : i32
      %cond3A_208 = arith.cmpi ne, %convert_element_type3A_206, %cond3A_207 : i32
      scf.if %cond3A_208 {
        %add3A_253 = arith.constant 4 : i32
        %add3A_254 = arith.addi %add3A_182, %add3A_253 : i32
        %mul3A_255 = arith.constant 10240 : i32
        %mul3A_256 = arith.muli %add3A, %mul3A_255 : i32
        %mul3A_257 = arith.constant 80 : i32
        %mul3A_258 = arith.muli %add3A_254, %mul3A_257 : i32
        %add3A_259 = arith.addi %mul3A_256, %mul3A_258 : i32
        %dma_start3A_260 = tpu.memref_slice %arg6[%add3A_259] : memref<327680xi32, #tpu.memory_space<hbm>> -> memref<80xi32, #tpu.memory_space<hbm>>
        %dma_start3A_261 = tpu.memref_slice %arg6[%add3A_259] : memref<327680xi32, #tpu.memory_space<hbm>> -> memref<80xi32, #tpu.memory_space<hbm>>
        tpu.enqueue_dma source(%dma_start3A_261 : memref<80xi32, #tpu.memory_space<hbm>>) target(%arg12 : memref<80xi32, #tpu.memory_space<vmem>>) target_semaphore(%arg27 : memref<!tpu.dma_semaphore, #tpu.memory_space<semaphore_mem>>)
        %mul3A_262 = arith.constant 10240 : i32
        %mul3A_263 = arith.muli %add3A, %mul3A_262 : i32
        %mul3A_264 = arith.constant 80 : i32
        %mul3A_265 = arith.muli %add3A_254, %mul3A_264 : i32
        %add3A_266 = arith.addi %mul3A_263, %mul3A_265 : i32
        %dma_start3A_267 = tpu.memref_slice %arg7[%add3A_266] : memref<327680xi32, #tpu.memory_space<hbm>> -> memref<80xi32, #tpu.memory_space<hbm>>
        %dma_start3A_268 = tpu.memref_slice %arg7[%add3A_266] : memref<327680xi32, #tpu.memory_space<hbm>> -> memref<80xi32, #tpu.memory_space<hbm>>
        tpu.enqueue_dma source(%dma_start3A_268 : memref<80xi32, #tpu.memory_space<hbm>>) target(%arg16 : memref<80xi32, #tpu.memory_space<vmem>>) target_semaphore(%arg27 : memref<!tpu.dma_semaphore, #tpu.memory_space<semaphore_mem>>)
      } else {
      }
      %add3A_209 = arith.constant 2 : i32
      %add3A_210 = arith.addi %add3A_182, %add3A_209 : i32
      %lt3A_211 = arith.constant 128 : i32
      %lt3A_212 = arith.cmpi slt, %add3A_210, %lt3A_211 : i32
      %convert_element_type3A_213 = arith.extui %lt3A_212 : i1 to i32
      %cond3A_214 = arith.constant 0 : i32
      %cond3A_215 = arith.cmpi ne, %convert_element_type3A_213, %cond3A_214 : i32
      scf.if %cond3A_215 {
        %dma_wait3A_253 = arith.constant 0 : i32
        %dma_wait3A_254 = tpu.memref_slice %arg6[%dma_wait3A_253] : memref<327680xi32, #tpu.memory_space<hbm>> -> memref<80xi32, #tpu.memory_space<hbm>>
        %dma_wait3A_255 = arith.constant 0 : i32
        %dma_wait3A_256 = tpu.memref_slice %arg6[%dma_wait3A_255] : memref<327680xi32, #tpu.memory_space<hbm>> -> memref<80xi32, #tpu.memory_space<hbm>>
        tpu.wait_dma2 semaphore(%arg25 : memref<!tpu.dma_semaphore, #tpu.memory_space<semaphore_mem>>) src(%dma_wait3A_256 : memref<80xi32, #tpu.memory_space<hbm>>) dst(%arg10 : memref<80xi32, #tpu.memory_space<vmem>>)
        %dma_wait3A_257 = arith.constant 0 : i32
        %dma_wait3A_258 = tpu.memref_slice %arg6[%dma_wait3A_257] : memref<327680xi32, #tpu.memory_space<hbm>> -> memref<80xi32, #tpu.memory_space<hbm>>
        %dma_wait3A_259 = arith.constant 0 : i32
        %dma_wait3A_260 = tpu.memref_slice %arg6[%dma_wait3A_259] : memref<327680xi32, #tpu.memory_space<hbm>> -> memref<80xi32, #tpu.memory_space<hbm>>
        tpu.wait_dma2 semaphore(%arg25 : memref<!tpu.dma_semaphore, #tpu.memory_space<semaphore_mem>>) src(%dma_wait3A_260 : memref<80xi32, #tpu.memory_space<hbm>>) dst(%arg14 : memref<80xi32, #tpu.memory_space<vmem>>)
        %add3A_261 = arith.constant 2 : i32
        %add3A_262 = arith.addi %add3A_182, %add3A_261 : i32
        %dma_start3A_263 = arith.constant 0 : i32
        %dma_start3A_264 = arith.constant 0 : i32
        %dma_start3A_265 = tpu.memref_slice %arg2[%dma_start3A_263, %dma_start3A_264] : memref<10000x128xf32, #tpu.memory_space<hbm>> -> memref<10000x128xf32, #tpu.memory_space<hbm>>
        tpu.enqueue_indirect_dma source(%dma_start3A_265 : memref<10000x128xf32, #tpu.memory_space<hbm>>) target(%arg18 : memref<80x128xf32, #tpu.memory_space<vmem>>) offsets(%arg10 : memref<80xi32, #tpu.memory_space<vmem>>) semaphore(%arg29 : memref<!tpu.dma_semaphore, #tpu.memory_space<semaphore_mem>>)
        %eq3A_266 = arith.constant 0 : i32
        %eq3A_267 = arith.cmpi eq, %arg0, %eq3A_266 : i32
        %convert_element_type3A_268 = arith.extui %eq3A_267 : i1 to i32
        %cond3A_269 = arith.constant 0 : i32
        %cond3A_270 = arith.cmpi ne, %convert_element_type3A_268, %cond3A_269 : i32
        scf.if %cond3A_270 {
          %mul3A_283 = arith.constant 10240 : i32
          %mul3A_284 = arith.muli %arg1, %mul3A_283 : i32
          %mul3A_285 = arith.constant 80 : i32
          %mul3A_286 = arith.muli %add3A_262, %mul3A_285 : i32
          %add3A_287 = arith.addi %mul3A_284, %mul3A_286 : i32
          %dma_start3A_288 = arith.constant 0 : i32
          %dma_start3A_289 = tpu.memref_slice %arg3[%add3A_287, %dma_start3A_288] : memref<163840x128xf32, #tpu.memory_space<hbm>> -> memref<80x128xf32, #tpu.memory_space<hbm>>
          %dma_start3A_290 = arith.constant 0 : i32
          %dma_start3A_291 = tpu.memref_slice %arg3[%add3A_287, %dma_start3A_290] : memref<163840x128xf32, #tpu.memory_space<hbm>> -> memref<80x128xf32, #tpu.memory_space<hbm>>
          tpu.enqueue_dma source(%dma_start3A_291 : memref<80x128xf32, #tpu.memory_space<hbm>>) target(%arg20 : memref<80x128xf32, #tpu.memory_space<vmem>>) target_semaphore(%arg29 : memref<!tpu.dma_semaphore, #tpu.memory_space<semaphore_mem>>)
        } else {
        }
        %eq3A_271 = arith.constant 1 : i32
        %eq3A_272 = arith.cmpi eq, %arg0, %eq3A_271 : i32
        %convert_element_type3A_273 = arith.extui %eq3A_272 : i1 to i32
        %cond3A_274 = arith.constant 0 : i32
        %cond3A_275 = arith.cmpi ne, %convert_element_type3A_273, %cond3A_274 : i32
        scf.if %cond3A_275 {
          %mul3A_283 = arith.constant 10240 : i32
          %mul3A_284 = arith.muli %arg1, %mul3A_283 : i32
          %mul3A_285 = arith.constant 80 : i32
          %mul3A_286 = arith.muli %add3A_262, %mul3A_285 : i32
          %add3A_287 = arith.addi %mul3A_284, %mul3A_286 : i32
          %dma_start3A_288 = arith.constant 0 : i32
          %dma_start3A_289 = tpu.memref_slice %arg4[%add3A_287, %dma_start3A_288] : memref<163840x128xf32, #tpu.memory_space<hbm>> -> memref<80x128xf32, #tpu.memory_space<hbm>>
          %dma_start3A_290 = arith.constant 0 : i32
          %dma_start3A_291 = tpu.memref_slice %arg4[%add3A_287, %dma_start3A_290] : memref<163840x128xf32, #tpu.memory_space<hbm>> -> memref<80x128xf32, #tpu.memory_space<hbm>>
          tpu.enqueue_dma source(%dma_start3A_291 : memref<80x128xf32, #tpu.memory_space<hbm>>) target(%arg20 : memref<80x128xf32, #tpu.memory_space<vmem>>) target_semaphore(%arg29 : memref<!tpu.dma_semaphore, #tpu.memory_space<semaphore_mem>>)
        } else {
        }
        %mul3A_276 = arith.constant 10240 : i32
        %mul3A_277 = arith.muli %add3A, %mul3A_276 : i32
        %mul3A_278 = arith.constant 80 : i32
        %mul3A_279 = arith.muli %add3A_262, %mul3A_278 : i32
        %add3A_280 = arith.addi %mul3A_277, %mul3A_279 : i32
        %dma_start3A_281 = tpu.memref_slice %arg5[%add3A_280] : memref<327680xf32, #tpu.memory_space<hbm>> -> memref<80xf32, #tpu.memory_space<hbm>>
        %dma_start3A_282 = tpu.memref_slice %arg5[%add3A_280] : memref<327680xf32, #tpu.memory_space<hbm>> -> memref<80xf32, #tpu.memory_space<hbm>>
        tpu.enqueue_dma source(%dma_start3A_282 : memref<80xf32, #tpu.memory_space<hbm>>) target(%arg22 : memref<80xf32, #tpu.memory_space<vmem>>) target_semaphore(%arg29 : memref<!tpu.dma_semaphore, #tpu.memory_space<semaphore_mem>>)
      } else {
      }
      %mul3A_216 = arith.constant 4 : i32
      %mul3A_217 = arith.muli %mul3A_216, %scan3A_106 : i32
      %add3A_218 = arith.constant 3 : i32
      %add3A_219 = arith.addi %mul3A_217, %add3A_218 : i32
      %dma_wait3A_220 = arith.constant 0 : i32
      %dma_wait3A_221 = arith.constant 0 : i32
      %dma_wait3A_222 = tpu.memref_slice %arg2[%dma_wait3A_220, %dma_wait3A_221] : memref<10000x128xf32, #tpu.memory_space<hbm>> -> memref<80x128xf32, #tpu.memory_space<hbm>>
      %dma_wait3A_223 = arith.constant 0 : i32
      %dma_wait3A_224 = arith.constant 0 : i32
      %dma_wait3A_225 = tpu.memref_slice %arg2[%dma_wait3A_223, %dma_wait3A_224] : memref<10000x128xf32, #tpu.memory_space<hbm>> -> memref<80x128xf32, #tpu.memory_space<hbm>>
      tpu.wait_dma2 semaphore(%arg30 : memref<!tpu.dma_semaphore, #tpu.memory_space<semaphore_mem>>) src(%dma_wait3A_225 : memref<80x128xf32, #tpu.memory_space<hbm>>) dst(%arg19 : memref<80x128xf32, #tpu.memory_space<vmem>>)
      %dma_wait3A_226 = arith.constant 0 : i32
      %dma_wait3A_227 = arith.constant 0 : i32
      %dma_wait3A_228 = tpu.memref_slice %arg2[%dma_wait3A_226, %dma_wait3A_227] : memref<10000x128xf32, #tpu.memory_space<hbm>> -> memref<80x128xf32, #tpu.memory_space<hbm>>
      %dma_wait3A_229 = arith.constant 0 : i32
      %dma_wait3A_230 = arith.constant 0 : i32
      %dma_wait3A_231 = tpu.memref_slice %arg2[%dma_wait3A_229, %dma_wait3A_230] : memref<10000x128xf32, #tpu.memory_space<hbm>> -> memref<80x128xf32, #tpu.memory_space<hbm>>
      tpu.wait_dma2 semaphore(%arg30 : memref<!tpu.dma_semaphore, #tpu.memory_space<semaphore_mem>>) src(%dma_wait3A_231 : memref<80x128xf32, #tpu.memory_space<hbm>>) dst(%arg21 : memref<80x128xf32, #tpu.memory_space<vmem>>)
      %dma_wait3A_232 = arith.constant 0 : i32
      %dma_wait3A_233 = tpu.memref_slice %arg5[%dma_wait3A_232] : memref<327680xf32, #tpu.memory_space<hbm>> -> memref<80xf32, #tpu.memory_space<hbm>>
      %dma_wait3A_234 = arith.constant 0 : i32
      %dma_wait3A_235 = tpu.memref_slice %arg5[%dma_wait3A_234] : memref<327680xf32, #tpu.memory_space<hbm>> -> memref<80xf32, #tpu.memory_space<hbm>>
      tpu.wait_dma2 semaphore(%arg30 : memref<!tpu.dma_semaphore, #tpu.memory_space<semaphore_mem>>) src(%dma_wait3A_235 : memref<80xf32, #tpu.memory_space<hbm>>) dst(%arg23 : memref<80xf32, #tpu.memory_space<vmem>>)
      %parallel_loop3A_236 = arith.constant 0 : i32
      %parallel_loop3A_237 = arith.constant 80 : i32
      %parallel_loop3A_238 = arith.constant 1 : i32
      scf.for %parallel_loop3A_253 = %parallel_loop3A_236 to %parallel_loop3A_237 step %parallel_loop3A_238  : i32 {
        %parallel_loop3A_254 = vector.broadcast %parallel_loop3A_253 : i32 to vector<16xi32>
        %parallel_loop3A_255 = tpu.vector_load_idx %arg23[%parallel_loop3A_254] : memref<80xf32, #tpu.memory_space<vmem>>[vector<16xi32>], vector<16xf32>,
        %parallel_loop3A_256 = arith.index_cast %parallel_loop3A_253 : i32 to index
        %parallel_loop3A_257 = arith.constant 0 : index
        %parallel_loop3A_258 = tpu.vector_load %arg19[%parallel_loop3A_256, %parallel_loop3A_257] {strides = array<i32>} : memref<80x128xf32, #tpu.memory_space<vmem>>, vector<16xf32>,
        %parallel_loop3A_259 = arith.index_cast %parallel_loop3A_253 : i32 to index
        %parallel_loop3A_260 = arith.constant 0 : index
        %parallel_loop3A_261 = tpu.vector_load %arg21[%parallel_loop3A_259, %parallel_loop3A_260] {strides = array<i32>} : memref<80x128xf32, #tpu.memory_space<vmem>>, vector<16xf32>,
        %parallel_loop3A_262 = arith.mulf %parallel_loop3A_258, %parallel_loop3A_261 : vector<16xf32>
        %parallel_loop3A_263 = arith.mulf %parallel_loop3A_262, %parallel_loop3A_255 : vector<16xf32>
        %parallel_loop3A_264 = arith.index_cast %parallel_loop3A_253 : i32 to index
        %parallel_loop3A_265 = arith.constant 0 : index
        %parallel_loop3A_266 = tpu.vector_load %arg19[%parallel_loop3A_264, %parallel_loop3A_265] {strides = array<i32>} : memref<80x128xf32, #tpu.memory_space<vmem>>, vector<16xf32>,
        tpu.vector_store %arg19[%parallel_loop3A_264, %parallel_loop3A_265], %parallel_loop3A_263 {strides = array<i32>} : memref<80x128xf32, #tpu.memory_space<vmem>>, vector<16xf32>,
        %parallel_loop3A_267 = arith.index_cast %parallel_loop3A_253 : i32 to index
        %parallel_loop3A_268 = arith.constant 16 : index
        %parallel_loop3A_269 = tpu.vector_load %arg19[%parallel_loop3A_267, %parallel_loop3A_268] {strides = array<i32>} : memref<80x128xf32, #tpu.memory_space<vmem>>, vector<16xf32>,
        %parallel_loop3A_270 = arith.index_cast %parallel_loop3A_253 : i32 to index
        %parallel_loop3A_271 = arith.constant 16 : index
        %parallel_loop3A_272 = tpu.vector_load %arg21[%parallel_loop3A_270, %parallel_loop3A_271] {strides = array<i32>} : memref<80x128xf32, #tpu.memory_space<vmem>>, vector<16xf32>,
        %parallel_loop3A_273 = arith.mulf %parallel_loop3A_269, %parallel_loop3A_272 : vector<16xf32>
        %parallel_loop3A_274 = arith.mulf %parallel_loop3A_273, %parallel_loop3A_255 : vector<16xf32>
        %parallel_loop3A_275 = arith.index_cast %parallel_loop3A_253 : i32 to index
        %parallel_loop3A_276 = arith.constant 16 : index
        %parallel_loop3A_277 = tpu.vector_load %arg19[%parallel_loop3A_275, %parallel_loop3A_276] {strides = array<i32>} : memref<80x128xf32, #tpu.memory_space<vmem>>, vector<16xf32>,
        tpu.vector_store %arg19[%parallel_loop3A_275, %parallel_loop3A_276], %parallel_loop3A_274 {strides = array<i32>} : memref<80x128xf32, #tpu.memory_space<vmem>>, vector<16xf32>,
        %parallel_loop3A_278 = arith.index_cast %parallel_loop3A_253 : i32 to index
        %parallel_loop3A_279 = arith.constant 32 : index
        %parallel_loop3A_280 = tpu.vector_load %arg19[%parallel_loop3A_278, %parallel_loop3A_279] {strides = array<i32>} : memref<80x128xf32, #tpu.memory_space<vmem>>, vector<16xf32>,
        %parallel_loop3A_281 = arith.index_cast %parallel_loop3A_253 : i32 to index
        %parallel_loop3A_282 = arith.constant 32 : index
        %parallel_loop3A_283 = tpu.vector_load %arg21[%parallel_loop3A_281, %parallel_loop3A_282] {strides = array<i32>} : memref<80x128xf32, #tpu.memory_space<vmem>>, vector<16xf32>,
        %parallel_loop3A_284 = arith.mulf %parallel_loop3A_280, %parallel_loop3A_283 : vector<16xf32>
        %parallel_loop3A_285 = arith.mulf %parallel_loop3A_284, %parallel_loop3A_255 : vector<16xf32>
        %parallel_loop3A_286 = arith.index_cast %parallel_loop3A_253 : i32 to index
        %parallel_loop3A_287 = arith.constant 32 : index
        %parallel_loop3A_288 = tpu.vector_load %arg19[%parallel_loop3A_286, %parallel_loop3A_287] {strides = array<i32>} : memref<80x128xf32, #tpu.memory_space<vmem>>, vector<16xf32>,
        tpu.vector_store %arg19[%parallel_loop3A_286, %parallel_loop3A_287], %parallel_loop3A_285 {strides = array<i32>} : memref<80x128xf32, #tpu.memory_space<vmem>>, vector<16xf32>,
        %parallel_loop3A_289 = arith.index_cast %parallel_loop3A_253 : i32 to index
        %parallel_loop3A_290 = arith.constant 48 : index
        %parallel_loop3A_291 = tpu.vector_load %arg19[%parallel_loop3A_289, %parallel_loop3A_290] {strides = array<i32>} : memref<80x128xf32, #tpu.memory_space<vmem>>, vector<16xf32>,
        %parallel_loop3A_292 = arith.index_cast %parallel_loop3A_253 : i32 to index
        %parallel_loop3A_293 = arith.constant 48 : index
        %parallel_loop3A_294 = tpu.vector_load %arg21[%parallel_loop3A_292, %parallel_loop3A_293] {strides = array<i32>} : memref<80x128xf32, #tpu.memory_space<vmem>>, vector<16xf32>,
        %parallel_loop3A_295 = arith.mulf %parallel_loop3A_291, %parallel_loop3A_294 : vector<16xf32>
        %parallel_loop3A_296 = arith.mulf %parallel_loop3A_295, %parallel_loop3A_255 : vector<16xf32>
        %parallel_loop3A_297 = arith.index_cast %parallel_loop3A_253 : i32 to index
        %parallel_loop3A_298 = arith.constant 48 : index
        %parallel_loop3A_299 = tpu.vector_load %arg19[%parallel_loop3A_297, %parallel_loop3A_298] {strides = array<i32>} : memref<80x128xf32, #tpu.memory_space<vmem>>, vector<16xf32>,
        tpu.vector_store %arg19[%parallel_loop3A_297, %parallel_loop3A_298], %parallel_loop3A_296 {strides = array<i32>} : memref<80x128xf32, #tpu.memory_space<vmem>>, vector<16xf32>,
        %parallel_loop3A_300 = arith.index_cast %parallel_loop3A_253 : i32 to index
        %parallel_loop3A_301 = arith.constant 64 : index
        %parallel_loop3A_302 = tpu.vector_load %arg19[%parallel_loop3A_300, %parallel_loop3A_301] {strides = array<i32>} : memref<80x128xf32, #tpu.memory_space<vmem>>, vector<16xf32>,
        %parallel_loop3A_303 = arith.index_cast %parallel_loop3A_253 : i32 to index
        %parallel_loop3A_304 = arith.constant 64 : index
        %parallel_loop3A_305 = tpu.vector_load %arg21[%parallel_loop3A_303, %parallel_loop3A_304] {strides = array<i32>} : memref<80x128xf32, #tpu.memory_space<vmem>>, vector<16xf32>,
        %parallel_loop3A_306 = arith.mulf %parallel_loop3A_302, %parallel_loop3A_305 : vector<16xf32>
        %parallel_loop3A_307 = arith.mulf %parallel_loop3A_306, %parallel_loop3A_255 : vector<16xf32>
        %parallel_loop3A_308 = arith.index_cast %parallel_loop3A_253 : i32 to index
        %parallel_loop3A_309 = arith.constant 64 : index
        %parallel_loop3A_310 = tpu.vector_load %arg19[%parallel_loop3A_308, %parallel_loop3A_309] {strides = array<i32>} : memref<80x128xf32, #tpu.memory_space<vmem>>, vector<16xf32>,
        tpu.vector_store %arg19[%parallel_loop3A_308, %parallel_loop3A_309], %parallel_loop3A_307 {strides = array<i32>} : memref<80x128xf32, #tpu.memory_space<vmem>>, vector<16xf32>,
        %parallel_loop3A_311 = arith.index_cast %parallel_loop3A_253 : i32 to index
        %parallel_loop3A_312 = arith.constant 80 : index
        %parallel_loop3A_313 = tpu.vector_load %arg19[%parallel_loop3A_311, %parallel_loop3A_312] {strides = array<i32>} : memref<80x128xf32, #tpu.memory_space<vmem>>, vector<16xf32>,
        %parallel_loop3A_314 = arith.index_cast %parallel_loop3A_253 : i32 to index
        %parallel_loop3A_315 = arith.constant 80 : index
        %parallel_loop3A_316 = tpu.vector_load %arg21[%parallel_loop3A_314, %parallel_loop3A_315] {strides = array<i32>} : memref<80x128xf32, #tpu.memory_space<vmem>>, vector<16xf32>,
        %parallel_loop3A_317 = arith.mulf %parallel_loop3A_313, %parallel_loop3A_316 : vector<16xf32>
        %parallel_loop3A_318 = arith.mulf %parallel_loop3A_317, %parallel_loop3A_255 : vector<16xf32>
        %parallel_loop3A_319 = arith.index_cast %parallel_loop3A_253 : i32 to index
        %parallel_loop3A_320 = arith.constant 80 : index
        %parallel_loop3A_321 = tpu.vector_load %arg19[%parallel_loop3A_319, %parallel_loop3A_320] {strides = array<i32>} : memref<80x128xf32, #tpu.memory_space<vmem>>, vector<16xf32>,
        tpu.vector_store %arg19[%parallel_loop3A_319, %parallel_loop3A_320], %parallel_loop3A_318 {strides = array<i32>} : memref<80x128xf32, #tpu.memory_space<vmem>>, vector<16xf32>,
        %parallel_loop3A_322 = arith.index_cast %parallel_loop3A_253 : i32 to index
        %parallel_loop3A_323 = arith.constant 96 : index
        %parallel_loop3A_324 = tpu.vector_load %arg19[%parallel_loop3A_322, %parallel_loop3A_323] {strides = array<i32>} : memref<80x128xf32, #tpu.memory_space<vmem>>, vector<16xf32>,
        %parallel_loop3A_325 = arith.index_cast %parallel_loop3A_253 : i32 to index
        %parallel_loop3A_326 = arith.constant 96 : index
        %parallel_loop3A_327 = tpu.vector_load %arg21[%parallel_loop3A_325, %parallel_loop3A_326] {strides = array<i32>} : memref<80x128xf32, #tpu.memory_space<vmem>>, vector<16xf32>,
        %parallel_loop3A_328 = arith.mulf %parallel_loop3A_324, %parallel_loop3A_327 : vector<16xf32>
        %parallel_loop3A_329 = arith.mulf %parallel_loop3A_328, %parallel_loop3A_255 : vector<16xf32>
        %parallel_loop3A_330 = arith.index_cast %parallel_loop3A_253 : i32 to index
        %parallel_loop3A_331 = arith.constant 96 : index
        %parallel_loop3A_332 = tpu.vector_load %arg19[%parallel_loop3A_330, %parallel_loop3A_331] {strides = array<i32>} : memref<80x128xf32, #tpu.memory_space<vmem>>, vector<16xf32>,
        tpu.vector_store %arg19[%parallel_loop3A_330, %parallel_loop3A_331], %parallel_loop3A_329 {strides = array<i32>} : memref<80x128xf32, #tpu.memory_space<vmem>>, vector<16xf32>,
        %parallel_loop3A_333 = arith.index_cast %parallel_loop3A_253 : i32 to index
        %parallel_loop3A_334 = arith.constant 112 : index
        %parallel_loop3A_335 = tpu.vector_load %arg19[%parallel_loop3A_333, %parallel_loop3A_334] {strides = array<i32>} : memref<80x128xf32, #tpu.memory_space<vmem>>, vector<16xf32>,
        %parallel_loop3A_336 = arith.index_cast %parallel_loop3A_253 : i32 to index
        %parallel_loop3A_337 = arith.constant 112 : index
        %parallel_loop3A_338 = tpu.vector_load %arg21[%parallel_loop3A_336, %parallel_loop3A_337] {strides = array<i32>} : memref<80x128xf32, #tpu.memory_space<vmem>>, vector<16xf32>,
        %parallel_loop3A_339 = arith.mulf %parallel_loop3A_335, %parallel_loop3A_338 : vector<16xf32>
        %parallel_loop3A_340 = arith.mulf %parallel_loop3A_339, %parallel_loop3A_255 : vector<16xf32>
        %parallel_loop3A_341 = arith.index_cast %parallel_loop3A_253 : i32 to index
        %parallel_loop3A_342 = arith.constant 112 : index
        %parallel_loop3A_343 = tpu.vector_load %arg19[%parallel_loop3A_341, %parallel_loop3A_342] {strides = array<i32>} : memref<80x128xf32, #tpu.memory_space<vmem>>, vector<16xf32>,
        tpu.vector_store %arg19[%parallel_loop3A_341, %parallel_loop3A_342], %parallel_loop3A_340 {strides = array<i32>} : memref<80x128xf32, #tpu.memory_space<vmem>>, vector<16xf32>,
      } {sc.loop_unroll_factor = 2 : i64, sc.parallel_access}
      "tpu.region"() ({
        %run_scoped3A = tpu.sem_alloc : memref<!tpu.dma_semaphore, #tpu.memory_space<semaphore_mem>>
        %dma_start3A_253 = arith.constant 0 : i32
        %dma_start3A_254 = arith.constant 0 : i32
        %dma_start3A_255 = tpu.memref_slice %arg24[%dma_start3A_253, %dma_start3A_254] : memref<10240x128xf32, #tpu.memory_space<vmem_shared>> -> memref<10240x128xf32, #tpu.memory_space<vmem_shared>>
        tpu.enqueue_indirect_dma source(%arg19 : memref<80x128xf32, #tpu.memory_space<vmem>>) target(%dma_start3A_255 : memref<10240x128xf32, #tpu.memory_space<vmem_shared>>) offsets(%arg17 : memref<80xi32, #tpu.memory_space<vmem>>) semaphore(%run_scoped3A : memref<!tpu.dma_semaphore, #tpu.memory_space<semaphore_mem>>) {add = true}
        %dma_wait3A_256 = arith.constant 0 : i32
        %dma_wait3A_257 = arith.constant 0 : i32
        %dma_wait3A_258 = tpu.memref_slice %arg24[%dma_wait3A_256, %dma_wait3A_257] : memref<10240x128xf32, #tpu.memory_space<vmem_shared>> -> memref<10240x128xf32, #tpu.memory_space<vmem_shared>>
        tpu.wait_indirect_dma semaphore(%run_scoped3A : memref<!tpu.dma_semaphore, #tpu.memory_space<semaphore_mem>>) src(%arg19 : memref<80x128xf32, #tpu.memory_space<vmem>>) dst(%dma_wait3A_258 : memref<10240x128xf32, #tpu.memory_space<vmem_shared>>)
        tpu.yield
      }) : () -> ()
      %add3A_239 = arith.constant 4 : i32
      %add3A_240 = arith.addi %add3A_219, %add3A_239 : i32
      %lt3A_241 = arith.constant 128 : i32
      %lt3A_242 = arith.cmpi slt, %add3A_240, %lt3A_241 : i32
      %convert_element_type3A_243 = arith.extui %lt3A_242 : i1 to i32
      %cond3A_244 = arith.constant 0 : i32
      %cond3A_245 = arith.cmpi ne, %convert_element_type3A_243, %cond3A_244 : i32
      scf.if %cond3A_245 {
        %add3A_253 = arith.constant 4 : i32
        %add3A_254 = arith.addi %add3A_219, %add3A_253 : i32
        %mul3A_255 = arith.constant 10240 : i32
        %mul3A_256 = arith.muli %add3A, %mul3A_255 : i32
        %mul3A_257 = arith.constant 80 : i32
        %mul3A_258 = arith.muli %add3A_254, %mul3A_257 : i32
        %add3A_259 = arith.addi %mul3A_256, %mul3A_258 : i32
        %dma_start3A_260 = tpu.memref_slice %arg6[%add3A_259] : memref<327680xi32, #tpu.memory_space<hbm>> -> memref<80xi32, #tpu.memory_space<hbm>>
        %dma_start3A_261 = tpu.memref_slice %arg6[%add3A_259] : memref<327680xi32, #tpu.memory_space<hbm>> -> memref<80xi32, #tpu.memory_space<hbm>>
        tpu.enqueue_dma source(%dma_start3A_261 : memref<80xi32, #tpu.memory_space<hbm>>) target(%arg13 : memref<80xi32, #tpu.memory_space<vmem>>) target_semaphore(%arg28 : memref<!tpu.dma_semaphore, #tpu.memory_space<semaphore_mem>>)
        %mul3A_262 = arith.constant 10240 : i32
        %mul3A_263 = arith.muli %add3A, %mul3A_262 : i32
        %mul3A_264 = arith.constant 80 : i32
        %mul3A_265 = arith.muli %add3A_254, %mul3A_264 : i32
        %add3A_266 = arith.addi %mul3A_263, %mul3A_265 : i32
        %dma_start3A_267 = tpu.memref_slice %arg7[%add3A_266] : memref<327680xi32, #tpu.memory_space<hbm>> -> memref<80xi32, #tpu.memory_space<hbm>>
        %dma_start3A_268 = tpu.memref_slice %arg7[%add3A_266] : memref<327680xi32, #tpu.memory_space<hbm>> -> memref<80xi32, #tpu.memory_space<hbm>>
        tpu.enqueue_dma source(%dma_start3A_268 : memref<80xi32, #tpu.memory_space<hbm>>) target(%arg17 : memref<80xi32, #tpu.memory_space<vmem>>) target_semaphore(%arg28 : memref<!tpu.dma_semaphore, #tpu.memory_space<semaphore_mem>>)
      } else {
      }
      %add3A_246 = arith.constant 2 : i32
      %add3A_247 = arith.addi %add3A_219, %add3A_246 : i32
      %lt3A_248 = arith.constant 128 : i32
      %lt3A_249 = arith.cmpi slt, %add3A_247, %lt3A_248 : i32
      %convert_element_type3A_250 = arith.extui %lt3A_249 : i1 to i32
      %cond3A_251 = arith.constant 0 : i32
      %cond3A_252 = arith.cmpi ne, %convert_element_type3A_250, %cond3A_251 : i32
      scf.if %cond3A_252 {
        %dma_wait3A_253 = arith.constant 0 : i32
        %dma_wait3A_254 = tpu.memref_slice %arg6[%dma_wait3A_253] : memref<327680xi32, #tpu.memory_space<hbm>> -> memref<80xi32, #tpu.memory_space<hbm>>
        %dma_wait3A_255 = arith.constant 0 : i32
        %dma_wait3A_256 = tpu.memref_slice %arg6[%dma_wait3A_255] : memref<327680xi32, #tpu.memory_space<hbm>> -> memref<80xi32, #tpu.memory_space<hbm>>
        tpu.wait_dma2 semaphore(%arg26 : memref<!tpu.dma_semaphore, #tpu.memory_space<semaphore_mem>>) src(%dma_wait3A_256 : memref<80xi32, #tpu.memory_space<hbm>>) dst(%arg11 : memref<80xi32, #tpu.memory_space<vmem>>)
        %dma_wait3A_257 = arith.constant 0 : i32
        %dma_wait3A_258 = tpu.memref_slice %arg6[%dma_wait3A_257] : memref<327680xi32, #tpu.memory_space<hbm>> -> memref<80xi32, #tpu.memory_space<hbm>>
        %dma_wait3A_259 = arith.constant 0 : i32
        %dma_wait3A_260 = tpu.memref_slice %arg6[%dma_wait3A_259] : memref<327680xi32, #tpu.memory_space<hbm>> -> memref<80xi32, #tpu.memory_space<hbm>>
        tpu.wait_dma2 semaphore(%arg26 : memref<!tpu.dma_semaphore, #tpu.memory_space<semaphore_mem>>) src(%dma_wait3A_260 : memref<80xi32, #tpu.memory_space<hbm>>) dst(%arg15 : memref<80xi32, #tpu.memory_space<vmem>>)
        %add3A_261 = arith.constant 2 : i32
        %add3A_262 = arith.addi %add3A_219, %add3A_261 : i32
        %dma_start3A_263 = arith.constant 0 : i32
        %dma_start3A_264 = arith.constant 0 : i32
        %dma_start3A_265 = tpu.memref_slice %arg2[%dma_start3A_263, %dma_start3A_264] : memref<10000x128xf32, #tpu.memory_space<hbm>> -> memref<10000x128xf32, #tpu.memory_space<hbm>>
        tpu.enqueue_indirect_dma source(%dma_start3A_265 : memref<10000x128xf32, #tpu.memory_space<hbm>>) target(%arg19 : memref<80x128xf32, #tpu.memory_space<vmem>>) offsets(%arg11 : memref<80xi32, #tpu.memory_space<vmem>>) semaphore(%arg30 : memref<!tpu.dma_semaphore, #tpu.memory_space<semaphore_mem>>)
        %eq3A_266 = arith.constant 0 : i32
        %eq3A_267 = arith.cmpi eq, %arg0, %eq3A_266 : i32
        %convert_element_type3A_268 = arith.extui %eq3A_267 : i1 to i32
        %cond3A_269 = arith.constant 0 : i32
        %cond3A_270 = arith.cmpi ne, %convert_element_type3A_268, %cond3A_269 : i32
        scf.if %cond3A_270 {
          %mul3A_283 = arith.constant 10240 : i32
          %mul3A_284 = arith.muli %arg1, %mul3A_283 : i32
          %mul3A_285 = arith.constant 80 : i32
          %mul3A_286 = arith.muli %add3A_262, %mul3A_285 : i32
          %add3A_287 = arith.addi %mul3A_284, %mul3A_286 : i32
          %dma_start3A_288 = arith.constant 0 : i32
          %dma_start3A_289 = tpu.memref_slice %arg3[%add3A_287, %dma_start3A_288] : memref<163840x128xf32, #tpu.memory_space<hbm>> -> memref<80x128xf32, #tpu.memory_space<hbm>>
          %dma_start3A_290 = arith.constant 0 : i32
          %dma_start3A_291 = tpu.memref_slice %arg3[%add3A_287, %dma_start3A_290] : memref<163840x128xf32, #tpu.memory_space<hbm>> -> memref<80x128xf32, #tpu.memory_space<hbm>>
          tpu.enqueue_dma source(%dma_start3A_291 : memref<80x128xf32, #tpu.memory_space<hbm>>) target(%arg21 : memref<80x128xf32, #tpu.memory_space<vmem>>) target_semaphore(%arg30 : memref<!tpu.dma_semaphore, #tpu.memory_space<semaphore_mem>>)
        } else {
        }
        %eq3A_271 = arith.constant 1 : i32
        %eq3A_272 = arith.cmpi eq, %arg0, %eq3A_271 : i32
        %convert_element_type3A_273 = arith.extui %eq3A_272 : i1 to i32
        %cond3A_274 = arith.constant 0 : i32
        %cond3A_275 = arith.cmpi ne, %convert_element_type3A_273, %cond3A_274 : i32
        scf.if %cond3A_275 {
          %mul3A_283 = arith.constant 10240 : i32
          %mul3A_284 = arith.muli %arg1, %mul3A_283 : i32
          %mul3A_285 = arith.constant 80 : i32
          %mul3A_286 = arith.muli %add3A_262, %mul3A_285 : i32
          %add3A_287 = arith.addi %mul3A_284, %mul3A_286 : i32
          %dma_start3A_288 = arith.constant 0 : i32
          %dma_start3A_289 = tpu.memref_slice %arg4[%add3A_287, %dma_start3A_288] : memref<163840x128xf32, #tpu.memory_space<hbm>> -> memref<80x128xf32, #tpu.memory_space<hbm>>
          %dma_start3A_290 = arith.constant 0 : i32
          %dma_start3A_291 = tpu.memref_slice %arg4[%add3A_287, %dma_start3A_290] : memref<163840x128xf32, #tpu.memory_space<hbm>> -> memref<80x128xf32, #tpu.memory_space<hbm>>
          tpu.enqueue_dma source(%dma_start3A_291 : memref<80x128xf32, #tpu.memory_space<hbm>>) target(%arg21 : memref<80x128xf32, #tpu.memory_space<vmem>>) target_semaphore(%arg30 : memref<!tpu.dma_semaphore, #tpu.memory_space<semaphore_mem>>)
        } else {
        }
        %mul3A_276 = arith.constant 10240 : i32
        %mul3A_277 = arith.muli %add3A, %mul3A_276 : i32
        %mul3A_278 = arith.constant 80 : i32
        %mul3A_279 = arith.muli %add3A_262, %mul3A_278 : i32
        %add3A_280 = arith.addi %mul3A_277, %mul3A_279 : i32
        %dma_start3A_281 = tpu.memref_slice %arg5[%add3A_280] : memref<327680xf32, #tpu.memory_space<hbm>> -> memref<80xf32, #tpu.memory_space<hbm>>
        %dma_start3A_282 = tpu.memref_slice %arg5[%add3A_280] : memref<327680xf32, #tpu.memory_space<hbm>> -> memref<80xf32, #tpu.memory_space<hbm>>
        tpu.enqueue_dma source(%dma_start3A_282 : memref<80xf32, #tpu.memory_space<hbm>>) target(%arg23 : memref<80xf32, #tpu.memory_space<vmem>>) target_semaphore(%arg30 : memref<!tpu.dma_semaphore, #tpu.memory_space<semaphore_mem>>)
      } else {
      }
    }
    %scan3A_104 = arith.constant 32 : i32
    %barrier3A_105 = arith.constant 0 : index
    tpu.barrier barrier_id(%barrier3A_105)
    "tpu.region"() ({
      %run_scoped3A = tpu.sem_alloc : memref<!tpu.dma_semaphore, #tpu.memory_space<semaphore_mem>>
      %dma_start3A_106 = arith.constant 0 : i32
      %dma_start3A_107 = tpu.memref_slice %arg9[%arg0, %mul3A_0, %dma_start3A_106] : memref<2x10240x128xf32, #tpu.memory_space<hbm>> -> memref<1x640x128xf32, #tpu.memory_space<hbm>>
      %dma_start3A_108 = tpu.memref_squeeze %dma_start3A_107 : memref<1x640x128xf32, #tpu.memory_space<hbm>> -> memref<640x128xf32, #tpu.memory_space<hbm>>
      %dma_start3A_109 = arith.constant 0 : i32
      %dma_start3A_110 = tpu.memref_slice %arg24[%mul3A_0, %dma_start3A_109] : memref<10240x128xf32, #tpu.memory_space<vmem_shared>> -> memref<640x128xf32, #tpu.memory_space<vmem_shared>>
      tpu.enqueue_dma source(%dma_start3A_110 : memref<640x128xf32, #tpu.memory_space<vmem_shared>>) target(%dma_start3A_108 : memref<640x128xf32, #tpu.memory_space<hbm>>) target_semaphore(%run_scoped3A : memref<!tpu.dma_semaphore, #tpu.memory_space<semaphore_mem>>)
      %dma_wait3A_111 = arith.constant 0 : i32
      %dma_wait3A_112 = tpu.memref_slice %arg9[%arg0, %mul3A_0, %dma_wait3A_111] : memref<2x10240x128xf32, #tpu.memory_space<hbm>> -> memref<1x640x128xf32, #tpu.memory_space<hbm>>
      %dma_wait3A_113 = tpu.memref_squeeze %dma_wait3A_112 : memref<1x640x128xf32, #tpu.memory_space<hbm>> -> memref<640x128xf32, #tpu.memory_space<hbm>>
      %dma_wait3A_114 = arith.constant 0 : i32
      %dma_wait3A_115 = tpu.memref_slice %arg24[%mul3A_0, %dma_wait3A_114] : memref<10240x128xf32, #tpu.memory_space<vmem_shared>> -> memref<640x128xf32, #tpu.memory_space<vmem_shared>>
      tpu.wait_dma2 semaphore(%run_scoped3A : memref<!tpu.dma_semaphore, #tpu.memory_space<semaphore_mem>>) src(%dma_wait3A_115 : memref<640x128xf32, #tpu.memory_space<vmem_shared>>) dst(%dma_wait3A_113 : memref<640x128xf32, #tpu.memory_space<hbm>>)
      tpu.yield
    }) : () -> ()
    return
  }
}

module attributes {stable_mosaic.version = 14 : i64} {
  func.func @_filter_body(%arg0: i32, %arg1: memref<2560x50xbf16, #tpu.memory_space<vmem>>, %arg2: memref<50x128xbf16, #tpu.memory_space<vmem>>, %arg3: memref<1x128xf32, #tpu.memory_space<vmem>>, %arg4: memref<128x128xbf16, #tpu.memory_space<vmem>>, %arg5: memref<1x128xf32, #tpu.memory_space<vmem>>, %arg6: memref<2560x128xf32, #tpu.memory_space<vmem>>) attributes {dimension_semantics = [#tpu.dimension_semantics<arbitrary>], iteration_bounds = array<i64: 64>, scalar_prefetch = 0 : i64, scratch_operands = 0 : i64, tpu.core_type = #tpu.core_type<tc>, window_params = [{transform_indices = @transform_0, window_bounds = array<i64: 2560, 50>}, {pipeline_mode = #tpu.pipeline_mode<synchronous>, transform_indices = @transform_1, window_bounds = array<i64: 50, 128>}, {pipeline_mode = #tpu.pipeline_mode<synchronous>, transform_indices = @transform_2, window_bounds = array<i64: 1, 128>}, {pipeline_mode = #tpu.pipeline_mode<synchronous>, transform_indices = @transform_3, window_bounds = array<i64: 128, 128>}, {pipeline_mode = #tpu.pipeline_mode<synchronous>, transform_indices = @transform_4, window_bounds = array<i64: 1, 128>}, {transform_indices = @transform_5, window_bounds = array<i64: 2560, 128>}]} {
    %get3A = arith.constant 0 : index
    %get3A_0 = arith.constant 0 : index
    %get3A_1 = vector.load %arg1[%get3A, %get3A_0] : memref<2560x50xbf16, #tpu.memory_space<vmem>>, vector<2560x50xbf16>
    %get3A_2 = arith.constant 0 : index
    %get3A_3 = arith.constant 0 : index
    %get3A_4 = vector.load %arg2[%get3A_2, %get3A_3] : memref<50x128xbf16, #tpu.memory_space<vmem>>, vector<50x128xbf16>
    %dot_general3A = arith.constant dense<0.000000e+00> : vector<2560x128xf32>
    %dot_general3A_5 = tpu.matmul %get3A_1, %get3A_4, %dot_general3A {dimension_numbers = #tpu.dot_dimension_numbers<[1], [0], [0], [1], [0, 0, 1, 1], [], []>, transpose_lhs_hint = false} : vector<2560x50xbf16>, vector<50x128xbf16>, vector<2560x128xf32> -> vector<2560x128xf32>
    %get3A_6 = arith.constant 0 : index
    %get3A_7 = arith.constant 0 : index
    %get3A_8 = vector.load %arg3[%get3A_6, %get3A_7] : memref<1x128xf32, #tpu.memory_space<vmem>>, vector<1x128xf32>
    %add3A = vector.broadcast %get3A_8 : vector<1x128xf32> to vector<2560x128xf32>
    %add3A_9 = arith.addf %dot_general3A_5, %add3A : vector<2560x128xf32>
    %custom_jvp_call3A = arith.constant 0.000000e+00 : f32
    %max3A = vector.broadcast %custom_jvp_call3A : f32 to vector<2560x128xf32>
    %max3A_10 = arith.maximumf %add3A_9, %max3A : vector<2560x128xf32>
    %sub3A = vector.broadcast %custom_jvp_call3A : f32 to vector<2560x128xf32>
    %sub3A_11 = arith.subf %add3A_9, %sub3A : vector<2560x128xf32>
    %ne3A = arith.cmpf one, %sub3A_11, %sub3A_11 : vector<2560x128xf32>
    %add3A_12 = vector.broadcast %custom_jvp_call3A : f32 to vector<2560x128xf32>
    %add3A_13 = arith.addf %add3A_9, %add3A_12 : vector<2560x128xf32>
    %abs3A = math.absf %sub3A_11 : vector<2560x128xf32>
    %neg3A = arith.constant 0.000000e+00 : f32
    %neg3A_14 = vector.broadcast %neg3A : f32 to vector<2560x128xf32>
    %neg3A_15 = arith.subf %neg3A_14, %abs3A : vector<2560x128xf32>
    %exp3A = math.exp %neg3A_15 : vector<2560x128xf32>
    %log1p3A = math.log1p %exp3A : vector<2560x128xf32>
    %add3A_16 = arith.addf %max3A_10, %log1p3A : vector<2560x128xf32>
    %select_n3A = arith.select %ne3A, %add3A_13, %add3A_16 : vector<2560x128xi1>, vector<2560x128xf32>
    %log3A = arith.constant 2.000000e+00 : f32
    %log3A_17 = math.log %log3A : f32
    %sub3A_18 = vector.broadcast %log3A_17 : f32 to vector<2560x128xf32>
    %sub3A_19 = arith.subf %select_n3A, %sub3A_18 : vector<2560x128xf32>
    %convert_element_type3A = arith.truncf %sub3A_19 : vector<2560x128xf32> to vector<2560x128xbf16>
    %get3A_20 = arith.constant 0 : index
    %get3A_21 = arith.constant 0 : index
    %get3A_22 = vector.load %arg4[%get3A_20, %get3A_21] : memref<128x128xbf16, #tpu.memory_space<vmem>>, vector<128x128xbf16>
    %dot_general3A_23 = arith.constant dense<0.000000e+00> : vector<2560x128xf32>
    %dot_general3A_24 = tpu.matmul %convert_element_type3A, %get3A_22, %dot_general3A_23 {dimension_numbers = #tpu.dot_dimension_numbers<[1], [0], [0], [1], [0, 0, 1, 1], [], []>, transpose_lhs_hint = false} : vector<2560x128xbf16>, vector<128x128xbf16>, vector<2560x128xf32> -> vector<2560x128xf32>
    %get3A_25 = arith.constant 0 : index
    %get3A_26 = arith.constant 0 : index
    %get3A_27 = vector.load %arg5[%get3A_25, %get3A_26] : memref<1x128xf32, #tpu.memory_space<vmem>>, vector<1x128xf32>
    %add3A_28 = vector.broadcast %get3A_27 : vector<1x128xf32> to vector<2560x128xf32>
    %add3A_29 = arith.addf %dot_general3A_24, %add3A_28 : vector<2560x128xf32>
    %swap3A = arith.constant 0 : index
    %swap3A_30 = arith.constant 0 : index
    %swap3A_31 = vector.load %arg6[%swap3A, %swap3A_30] : memref<2560x128xf32, #tpu.memory_space<vmem>>, vector<2560x128xf32>
    tpu.vector_store %arg6[%swap3A, %swap3A_30], %add3A_29 {strides = array<i32>} : memref<2560x128xf32, #tpu.memory_space<vmem>>, vector<2560x128xf32>,
    return
  }
  func.func @transform_0(%arg0: i32) -> (i32, i32) {
    %add3A = arith.constant 64 : i32
    %add3A_0 = arith.addi %arg0, %add3A : i32
    %min3A = arith.constant 124 : i32
    %min3A_1 = arith.minsi %add3A_0, %min3A : i32
    %c0_i32 = arith.constant 0 : i32
    %c0_i32_2 = arith.constant 0 : i32
    return %min3A_1, %c0_i32 : i32, i32
  }
  func.func @transform_1(%arg0: i32) -> (i32, i32) {
    %c0_i32 = arith.constant 0 : i32
    %c0_i32_0 = arith.constant 0 : i32
    %c0_i32_1 = arith.constant 0 : i32
    return %c0_i32, %c0_i32_0 : i32, i32
  }
  func.func @transform_2(%arg0: i32) -> (i32, i32) {
    %c0_i32 = arith.constant 0 : i32
    %c0_i32_0 = arith.constant 0 : i32
    %c0_i32_1 = arith.constant 0 : i32
    return %c0_i32, %c0_i32_0 : i32, i32
  }
  func.func @transform_3(%arg0: i32) -> (i32, i32) {
    %c0_i32 = arith.constant 0 : i32
    %c0_i32_0 = arith.constant 0 : i32
    %c0_i32_1 = arith.constant 0 : i32
    return %c0_i32, %c0_i32_0 : i32, i32
  }
  func.func @transform_4(%arg0: i32) -> (i32, i32) {
    %c0_i32 = arith.constant 0 : i32
    %c0_i32_0 = arith.constant 0 : i32
    %c0_i32_1 = arith.constant 0 : i32
    return %c0_i32, %c0_i32_0 : i32, i32
  }
  func.func @transform_5(%arg0: i32) -> (i32, i32) {
    %c0_i32 = arith.constant 0 : i32
    %c0_i32_0 = arith.constant 0 : i32
    return %arg0, %c0_i32 : i32, i32
  }
}

module attributes {stable_mosaic.version = 14 : i64} {
  func.func @_filter_body(%arg0: i32, %arg1: memref<2560x50xbf16, #tpu.memory_space<vmem>>, %arg2: memref<50x128xbf16, #tpu.memory_space<vmem>>, %arg3: memref<1x128xf32, #tpu.memory_space<vmem>>, %arg4: memref<128x128xbf16, #tpu.memory_space<vmem>>, %arg5: memref<1x128xf32, #tpu.memory_space<vmem>>, %arg6: memref<2560x128xf32, #tpu.memory_space<vmem>>) attributes {dimension_semantics = [#tpu.dimension_semantics<arbitrary>], iteration_bounds = array<i64: 64>, scalar_prefetch = 0 : i64, scratch_operands = 0 : i64, tpu.core_type = #tpu.core_type<tc>, window_params = [{transform_indices = @transform_0, window_bounds = array<i64: 2560, 50>}, {pipeline_mode = #tpu.pipeline_mode<synchronous>, transform_indices = @transform_1, window_bounds = array<i64: 50, 128>}, {pipeline_mode = #tpu.pipeline_mode<synchronous>, transform_indices = @transform_2, window_bounds = array<i64: 1, 128>}, {pipeline_mode = #tpu.pipeline_mode<synchronous>, transform_indices = @transform_3, window_bounds = array<i64: 128, 128>}, {pipeline_mode = #tpu.pipeline_mode<synchronous>, transform_indices = @transform_4, window_bounds = array<i64: 1, 128>}, {transform_indices = @transform_5, window_bounds = array<i64: 2560, 128>}]} {
    %get3A = arith.constant 0 : index
    %get3A_0 = arith.constant 0 : index
    %get3A_1 = vector.load %arg1[%get3A, %get3A_0] : memref<2560x50xbf16, #tpu.memory_space<vmem>>, vector<2560x50xbf16>
    %get3A_2 = arith.constant 0 : index
    %get3A_3 = arith.constant 0 : index
    %get3A_4 = vector.load %arg2[%get3A_2, %get3A_3] : memref<50x128xbf16, #tpu.memory_space<vmem>>, vector<50x128xbf16>
    %dot_general3A = arith.constant dense<0.000000e+00> : vector<2560x128xf32>
    %dot_general3A_5 = tpu.matmul %get3A_1, %get3A_4, %dot_general3A {dimension_numbers = #tpu.dot_dimension_numbers<[1], [0], [0], [1], [0, 0, 1, 1], [], []>, transpose_lhs_hint = false} : vector<2560x50xbf16>, vector<50x128xbf16>, vector<2560x128xf32> -> vector<2560x128xf32>
    %get3A_6 = arith.constant 0 : index
    %get3A_7 = arith.constant 0 : index
    %get3A_8 = vector.load %arg3[%get3A_6, %get3A_7] : memref<1x128xf32, #tpu.memory_space<vmem>>, vector<1x128xf32>
    %add3A = vector.broadcast %get3A_8 : vector<1x128xf32> to vector<2560x128xf32>
    %add3A_9 = arith.addf %dot_general3A_5, %add3A : vector<2560x128xf32>
    %custom_jvp_call3A = arith.constant 0.000000e+00 : f32
    %max3A = vector.broadcast %custom_jvp_call3A : f32 to vector<2560x128xf32>
    %max3A_10 = arith.maximumf %add3A_9, %max3A : vector<2560x128xf32>
    %sub3A = vector.broadcast %custom_jvp_call3A : f32 to vector<2560x128xf32>
    %sub3A_11 = arith.subf %add3A_9, %sub3A : vector<2560x128xf32>
    %ne3A = arith.cmpf one, %sub3A_11, %sub3A_11 : vector<2560x128xf32>
    %add3A_12 = vector.broadcast %custom_jvp_call3A : f32 to vector<2560x128xf32>
    %add3A_13 = arith.addf %add3A_9, %add3A_12 : vector<2560x128xf32>
    %abs3A = math.absf %sub3A_11 : vector<2560x128xf32>
    %neg3A = arith.constant 0.000000e+00 : f32
    %neg3A_14 = vector.broadcast %neg3A : f32 to vector<2560x128xf32>
    %neg3A_15 = arith.subf %neg3A_14, %abs3A : vector<2560x128xf32>
    %exp3A = math.exp %neg3A_15 : vector<2560x128xf32>
    %log1p3A = math.log1p %exp3A : vector<2560x128xf32>
    %add3A_16 = arith.addf %max3A_10, %log1p3A : vector<2560x128xf32>
    %select_n3A = arith.select %ne3A, %add3A_13, %add3A_16 : vector<2560x128xi1>, vector<2560x128xf32>
    %log3A = arith.constant 2.000000e+00 : f32
    %log3A_17 = math.log %log3A : f32
    %sub3A_18 = vector.broadcast %log3A_17 : f32 to vector<2560x128xf32>
    %sub3A_19 = arith.subf %select_n3A, %sub3A_18 : vector<2560x128xf32>
    %convert_element_type3A = arith.truncf %sub3A_19 : vector<2560x128xf32> to vector<2560x128xbf16>
    %get3A_20 = arith.constant 0 : index
    %get3A_21 = arith.constant 0 : index
    %get3A_22 = vector.load %arg4[%get3A_20, %get3A_21] : memref<128x128xbf16, #tpu.memory_space<vmem>>, vector<128x128xbf16>
    %dot_general3A_23 = arith.constant dense<0.000000e+00> : vector<2560x128xf32>
    %dot_general3A_24 = tpu.matmul %convert_element_type3A, %get3A_22, %dot_general3A_23 {dimension_numbers = #tpu.dot_dimension_numbers<[1], [0], [0], [1], [0, 0, 1, 1], [], []>, transpose_lhs_hint = false} : vector<2560x128xbf16>, vector<128x128xbf16>, vector<2560x128xf32> -> vector<2560x128xf32>
    %get3A_25 = arith.constant 0 : index
    %get3A_26 = arith.constant 0 : index
    %get3A_27 = vector.load %arg5[%get3A_25, %get3A_26] : memref<1x128xf32, #tpu.memory_space<vmem>>, vector<1x128xf32>
    %add3A_28 = vector.broadcast %get3A_27 : vector<1x128xf32> to vector<2560x128xf32>
    %add3A_29 = arith.addf %dot_general3A_24, %add3A_28 : vector<2560x128xf32>
    %swap3A = arith.constant 0 : index
    %swap3A_30 = arith.constant 0 : index
    %swap3A_31 = vector.load %arg6[%swap3A, %swap3A_30] : memref<2560x128xf32, #tpu.memory_space<vmem>>, vector<2560x128xf32>
    tpu.vector_store %arg6[%swap3A, %swap3A_30], %add3A_29 {strides = array<i32>} : memref<2560x128xf32, #tpu.memory_space<vmem>>, vector<2560x128xf32>,
    return
  }
  func.func @transform_0(%arg0: i32) -> (i32, i32) {
    %add3A = arith.constant 0 : i32
    %add3A_0 = arith.addi %arg0, %add3A : i32
    %min3A = arith.constant 124 : i32
    %min3A_1 = arith.minsi %add3A_0, %min3A : i32
    %c0_i32 = arith.constant 0 : i32
    %c0_i32_2 = arith.constant 0 : i32
    return %min3A_1, %c0_i32 : i32, i32
  }
  func.func @transform_1(%arg0: i32) -> (i32, i32) {
    %c0_i32 = arith.constant 0 : i32
    %c0_i32_0 = arith.constant 0 : i32
    %c0_i32_1 = arith.constant 0 : i32
    return %c0_i32, %c0_i32_0 : i32, i32
  }
  func.func @transform_2(%arg0: i32) -> (i32, i32) {
    %c0_i32 = arith.constant 0 : i32
    %c0_i32_0 = arith.constant 0 : i32
    %c0_i32_1 = arith.constant 0 : i32
    return %c0_i32, %c0_i32_0 : i32, i32
  }
  func.func @transform_3(%arg0: i32) -> (i32, i32) {
    %c0_i32 = arith.constant 0 : i32
    %c0_i32_0 = arith.constant 0 : i32
    %c0_i32_1 = arith.constant 0 : i32
    return %c0_i32, %c0_i32_0 : i32, i32
  }
  func.func @transform_4(%arg0: i32) -> (i32, i32) {
    %c0_i32 = arith.constant 0 : i32
    %c0_i32_0 = arith.constant 0 : i32
    %c0_i32_1 = arith.constant 0 : i32
    return %c0_i32, %c0_i32_0 : i32, i32
  }
  func.func @transform_5(%arg0: i32) -> (i32, i32) {
    %c0_i32 = arith.constant 0 : i32
    %c0_i32_0 = arith.constant 0 : i32
    return %arg0, %c0_i32 : i32, i32
  }
}

module attributes {stable_mosaic.version = 14 : i64} {
  func.func @_xh_body(%arg0: i32, %arg1: memref<2000x128xf32, #tpu.memory_space<vmem>>, %arg2: memref<128x128xf32, #tpu.memory_space<vmem>>, %arg3: memref<2000x128xf32, #tpu.memory_space<vmem>>) attributes {dimension_semantics = [#tpu.dimension_semantics<arbitrary>], iteration_bounds = array<i64: 5>, scalar_prefetch = 0 : i64, scratch_operands = 0 : i64, tpu.core_type = #tpu.core_type<tc>, window_params = [{transform_indices = @transform_0, window_bounds = array<i64: 2000, 128>}, {pipeline_mode = #tpu.pipeline_mode<synchronous>, transform_indices = @transform_1, window_bounds = array<i64: 128, 128>}, {transform_indices = @transform_2, window_bounds = array<i64: 2000, 128>}]} {
    %get3A = arith.constant 0 : index
    %get3A_0 = arith.constant 0 : index
    %get3A_1 = vector.load %arg1[%get3A, %get3A_0] : memref<2000x128xf32, #tpu.memory_space<vmem>>, vector<2000x128xf32>
    %get3A_2 = arith.constant 0 : index
    %get3A_3 = arith.constant 0 : index
    %get3A_4 = vector.load %arg2[%get3A_2, %get3A_3] : memref<128x128xf32, #tpu.memory_space<vmem>>, vector<128x128xf32>
    %dot_general3A = arith.constant dense<0.000000e+00> : vector<2000x128xf32>
    %dot_general3A_5 = tpu.matmul %get3A_1, %get3A_4, %dot_general3A {dimension_numbers = #tpu.dot_dimension_numbers<[1], [0], [0], [1], [0, 0, 1, 1], [], []>, transpose_lhs_hint = false} : vector<2000x128xf32>, vector<128x128xf32>, vector<2000x128xf32> -> vector<2000x128xf32>
    %swap3A = arith.constant 0 : index
    %swap3A_6 = arith.constant 0 : index
    %swap3A_7 = vector.load %arg3[%swap3A, %swap3A_6] : memref<2000x128xf32, #tpu.memory_space<vmem>>, vector<2000x128xf32>
    tpu.vector_store %arg3[%swap3A, %swap3A_6], %dot_general3A_5 {strides = array<i32>} : memref<2000x128xf32, #tpu.memory_space<vmem>>, vector<2000x128xf32>,
    return
  }
  func.func @transform_0(%arg0: i32) -> (i32, i32) {
    %c0_i32 = arith.constant 0 : i32
    %c0_i32_0 = arith.constant 0 : i32
    return %arg0, %c0_i32 : i32, i32
  }
  func.func @transform_1(%arg0: i32) -> (i32, i32) {
    %c0_i32 = arith.constant 0 : i32
    %c0_i32_0 = arith.constant 0 : i32
    %c0_i32_1 = arith.constant 0 : i32
    return %c0_i32, %c0_i32_0 : i32, i32
  }
  func.func @transform_2(%arg0: i32) -> (i32, i32) {
    %c0_i32 = arith.constant 0 : i32
    %c0_i32_0 = arith.constant 0 : i32
    return %arg0, %c0_i32 : i32, i32
  }
}

module attributes {stable_mosaic.version = 14 : i64} {
  func.func @_tail_body(%arg0: i32, %arg1: memref<2x2000x128xf32, #tpu.memory_space<vmem>>, %arg2: memref<128x128xf32, #tpu.memory_space<vmem>>, %arg3: memref<1x128xf32, #tpu.memory_space<vmem>>, %arg4: memref<128x128xf32, #tpu.memory_space<vmem>>, %arg5: memref<1x128xf32, #tpu.memory_space<vmem>>, %arg6: memref<2000x128xf32, #tpu.memory_space<vmem>>) attributes {dimension_semantics = [#tpu.dimension_semantics<arbitrary>], iteration_bounds = array<i64: 5>, scalar_prefetch = 0 : i64, scratch_operands = 0 : i64, tpu.core_type = #tpu.core_type<tc>, window_params = [{transform_indices = @transform_0, window_bounds = array<i64: 2, 2000, 128>}, {pipeline_mode = #tpu.pipeline_mode<synchronous>, transform_indices = @transform_1, window_bounds = array<i64: 128, 128>}, {pipeline_mode = #tpu.pipeline_mode<synchronous>, transform_indices = @transform_2, window_bounds = array<i64: 1, 128>}, {pipeline_mode = #tpu.pipeline_mode<synchronous>, transform_indices = @transform_3, window_bounds = array<i64: 128, 128>}, {pipeline_mode = #tpu.pipeline_mode<synchronous>, transform_indices = @transform_4, window_bounds = array<i64: 1, 128>}, {transform_indices = @transform_5, window_bounds = array<i64: 2000, 128>}]} {
    %get3A = arith.constant 0 : index
    %get3A_0 = arith.constant 0 : index
    %get3A_1 = arith.constant 0 : index
    %get3A_2 = vector.load %arg1[%get3A, %get3A_0, %get3A_1] : memref<2x2000x128xf32, #tpu.memory_space<vmem>>, vector<1x2000x128xf32>
    %get3A_3 = vector.shape_cast %get3A_2 : vector<1x2000x128xf32> to vector<2000x128xf32>
    %get3A_4 = arith.constant 1 : index
    %get3A_5 = arith.constant 0 : index
    %get3A_6 = arith.constant 0 : index
    %get3A_7 = vector.load %arg1[%get3A_4, %get3A_5, %get3A_6] : memref<2x2000x128xf32, #tpu.memory_space<vmem>>, vector<1x2000x128xf32>
    %get3A_8 = vector.shape_cast %get3A_7 : vector<1x2000x128xf32> to vector<2000x128xf32>
    %add3A = arith.addf %get3A_3, %get3A_8 : vector<2000x128xf32>
    %get3A_9 = arith.constant 0 : index
    %get3A_10 = arith.constant 0 : index
    %get3A_11 = vector.load %arg2[%get3A_9, %get3A_10] : memref<128x128xf32, #tpu.memory_space<vmem>>, vector<128x128xf32>
    %dot_general3A = arith.constant dense<0.000000e+00> : vector<2000x128xf32>
    %dot_general3A_12 = tpu.matmul %add3A, %get3A_11, %dot_general3A {dimension_numbers = #tpu.dot_dimension_numbers<[1], [0], [0], [1], [0, 0, 1, 1], [], []>, transpose_lhs_hint = false} : vector<2000x128xf32>, vector<128x128xf32>, vector<2000x128xf32> -> vector<2000x128xf32>
    %get3A_13 = arith.constant 0 : index
    %get3A_14 = arith.constant 0 : index
    %get3A_15 = vector.load %arg3[%get3A_13, %get3A_14] : memref<1x128xf32, #tpu.memory_space<vmem>>, vector<1x128xf32>
    %add3A_16 = vector.broadcast %get3A_15 : vector<1x128xf32> to vector<2000x128xf32>
    %add3A_17 = arith.addf %dot_general3A_12, %add3A_16 : vector<2000x128xf32>
    %custom_jvp_call3A = arith.constant 0.000000e+00 : f32
    %max3A = vector.broadcast %custom_jvp_call3A : f32 to vector<2000x128xf32>
    %max3A_18 = arith.maximumf %add3A_17, %max3A : vector<2000x128xf32>
    %sub3A = vector.broadcast %custom_jvp_call3A : f32 to vector<2000x128xf32>
    %sub3A_19 = arith.subf %add3A_17, %sub3A : vector<2000x128xf32>
    %ne3A = arith.cmpf one, %sub3A_19, %sub3A_19 : vector<2000x128xf32>
    %add3A_20 = vector.broadcast %custom_jvp_call3A : f32 to vector<2000x128xf32>
    %add3A_21 = arith.addf %add3A_17, %add3A_20 : vector<2000x128xf32>
    %abs3A = math.absf %sub3A_19 : vector<2000x128xf32>
    %neg3A = arith.constant 0.000000e+00 : f32
    %neg3A_22 = vector.broadcast %neg3A : f32 to vector<2000x128xf32>
    %neg3A_23 = arith.subf %neg3A_22, %abs3A : vector<2000x128xf32>
    %exp3A = math.exp %neg3A_23 : vector<2000x128xf32>
    %log1p3A = math.log1p %exp3A : vector<2000x128xf32>
    %add3A_24 = arith.addf %max3A_18, %log1p3A : vector<2000x128xf32>
    %select_n3A = arith.select %ne3A, %add3A_21, %add3A_24 : vector<2000x128xi1>, vector<2000x128xf32>
    %log3A = arith.constant 2.000000e+00 : f32
    %log3A_25 = math.log %log3A : f32
    %sub3A_26 = vector.broadcast %log3A_25 : f32 to vector<2000x128xf32>
    %sub3A_27 = arith.subf %select_n3A, %sub3A_26 : vector<2000x128xf32>
    %get3A_28 = arith.constant 0 : index
    %get3A_29 = arith.constant 0 : index
    %get3A_30 = vector.load %arg4[%get3A_28, %get3A_29] : memref<128x128xf32, #tpu.memory_space<vmem>>, vector<128x128xf32>
    %dot_general3A_31 = arith.constant dense<0.000000e+00> : vector<2000x128xf32>
    %dot_general3A_32 = tpu.matmul %sub3A_27, %get3A_30, %dot_general3A_31 {dimension_numbers = #tpu.dot_dimension_numbers<[1], [0], [0], [1], [0, 0, 1, 1], [], []>, transpose_lhs_hint = false} : vector<2000x128xf32>, vector<128x128xf32>, vector<2000x128xf32> -> vector<2000x128xf32>
    %get3A_33 = arith.constant 0 : index
    %get3A_34 = arith.constant 0 : index
    %get3A_35 = vector.load %arg5[%get3A_33, %get3A_34] : memref<1x128xf32, #tpu.memory_space<vmem>>, vector<1x128xf32>
    %add3A_36 = vector.broadcast %get3A_35 : vector<1x128xf32> to vector<2000x128xf32>
    %add3A_37 = arith.addf %dot_general3A_32, %add3A_36 : vector<2000x128xf32>
    %swap3A = arith.constant 0 : index
    %swap3A_38 = arith.constant 0 : index
    %swap3A_39 = vector.load %arg6[%swap3A, %swap3A_38] : memref<2000x128xf32, #tpu.memory_space<vmem>>, vector<2000x128xf32>
    tpu.vector_store %arg6[%swap3A, %swap3A_38], %add3A_37 {strides = array<i32>} : memref<2000x128xf32, #tpu.memory_space<vmem>>, vector<2000x128xf32>,
    return
  }
  func.func @transform_0(%arg0: i32) -> (i32, i32, i32) {
    %c0_i32 = arith.constant 0 : i32
    %c0_i32_0 = arith.constant 0 : i32
    %c0_i32_1 = arith.constant 0 : i32
    return %c0_i32, %arg0, %c0_i32_0 : i32, i32, i32
  }
  func.func @transform_1(%arg0: i32) -> (i32, i32) {
    %c0_i32 = arith.constant 0 : i32
    %c0_i32_0 = arith.constant 0 : i32
    %c0_i32_1 = arith.constant 0 : i32
    return %c0_i32, %c0_i32_0 : i32, i32
  }
  func.func @transform_2(%arg0: i32) -> (i32, i32) {
    %c0_i32 = arith.constant 0 : i32
    %c0_i32_0 = arith.constant 0 : i32
    %c0_i32_1 = arith.constant 0 : i32
    return %c0_i32, %c0_i32_0 : i32, i32
  }
  func.func @transform_3(%arg0: i32) -> (i32, i32) {
    %c0_i32 = arith.constant 0 : i32
    %c0_i32_0 = arith.constant 0 : i32
    %c0_i32_1 = arith.constant 0 : i32
    return %c0_i32, %c0_i32_0 : i32, i32
  }
  func.func @transform_4(%arg0: i32) -> (i32, i32) {
    %c0_i32 = arith.constant 0 : i32
    %c0_i32_0 = arith.constant 0 : i32
    %c0_i32_1 = arith.constant 0 : i32
    return %c0_i32, %c0_i32_0 : i32, i32
  }
  func.func @transform_5(%arg0: i32) -> (i32, i32) {
    %c0_i32 = arith.constant 0 : i32
    %c0_i32_0 = arith.constant 0 : i32
    return %arg0, %c0_i32 : i32, i32
  }
}

</mosaic_0001>

<sc_bundles>
// kernel: kernel.7.cloned.1.call-start
scs
__scs_entry_jumppad:
0x0: {  	(pc) =	sbr.rel $0x88, $3  }
0x1: {  	(tag) =	ssettag $0x0;
	lr =	simm.s32 $0x1  }
0x2: {  	[smem:$0x3F94] =	sst lr;
	_ =	strace $0xD0000000  }
0x3: {  	_ = 	snop  }
0x4: {  	_ = 	snop  }
0x5: {  	_ = 	snop  }
0x6: {  	_ = 	snop  }
0x7: {  	_ = 	snop  }
__scs_overlays_trampoline_lowered:
0x8: {  	[smem:$0x3FA3] =	sst s0  }
0x9: {  	[smem:$0x3FA4] =	sst s1  }
0xa: {  	[smem:$0x3FA5] =	sst s2  }
0xb: {  	[smem:$0x3FA6] =	sst s3  }
0xc: {  	[smem:$0x3FA7] =	sst s4  }
0xd: {  	[smem:$0x3FA8] =	sst s5  }
0xe: {  	[smem:$0x3FA9] =	sst s6  }
0xf: {  	[smem:$0x3FAA] =	sst s7  }
0x10: {  	[smem:$0x3FAB] =	sst s8  }
0x11: {  	[smem:$0x3FAC] =	sst s9;
	s0 =	simm.s32 @!p0 $0x0  }
0x12: {  	s1 =	sld [smem:$0x3F92];
	s0 =	simm.s32 @p0 $0x1  }
0x13: {  	[smem:$0x3FAD] =	sst s0;
	s0 =	simm.s32 @!p1 $0x0  }
0x14: {  	s2 =	sld [smem:$0x3F91];
	s0 =	simm.s32 @p1 $0x1  }
0x15: {  	[smem:$0x3FAE] =	sst s0;
	s0 =	simm.s32 @!p2 $0x0  }
0x16: {  	s3 =	sld [smem:$0x3FDB];
	s0 =	simm.s32 @p2 $0x1  }
0x17: {  	s4 =	simm.s32 $0x1BF5;
	[smem:$0x3FB0] =	sst s0  }
0x18: {  	s0 =	sld [smem:$0x3F93];
	_ =	swait.ge [sflag:s4], $0x0  }
0x19: {  	s7 =	sld [smem:$0x3F94]  }
0x1a: {  	s8 =	sadd.s32 $0xFFFFE003, lr  }
0x1b: {  	s9 =	sadd.s32 $0xFFFFFEF7, lr;
	s5 =	simm.s32 $0xFFFFFFFF;
	p2 =	slt.u32 s8, $0xFFFFF086  }
0x1c: {  	p1 =	slt.u32 s9, $0xF7A;
	s5 =	simm.s32 @!p2 $0x0  }
0x1d: {  	s5 =	simm.s32 @p1 $0x1;
	p0 =	seq.s32 s7, s2  }
0x1e: {  	s7 =	smul.u32 @!p0 $0xF7A, s2;
	p2 =	seq.s32 @!p0 s5, $0x0  }
0x1f: {  	s9 =	smul.u32 $0xF7A, s1;
	s8 =	simm.s32 @!p0 $0x1BF5;
	p2 =	por !p2, p0  }
0x20: {  	[sflag:s8] =	ssyncset.s32 @!p0 $0xFFFFF086;
	s6 =	sadd.s32 @!p0 s3, s7;
	s7 =	simm.s32 @!p0 $0x108  }
0x21: {  	s3 =	sadd.s32 s3, s9;
	s6 =	sadd.s32 @!p0 $0x88, s6;
	s7 =	simm.s32 @p2 $0x1082  }
0x22: {  	[simem:s7], [sflag:s8] =	dma.local @!p0 [hbm:s6], $0xF7A  }
0x23: {  	s9 =	sor.u32 $0xD0000000, s2;
	s6 =	simm.s32 $0x108;
	_ =	swait.ge @!p0 [sflag:s8], $0x0  }
0x24: {  	s3 =	sadd.s32 $0x88, s3;
	s6 =	simm.s32 @!p1 $0x1082;
	[sflag:s4] =	ssyncset.s32 $0xFFFFF086  }
0x25: {  	[simem:s6], [sflag:s4] =	dma.local [hbm:s3], $0xF7A  }
0x26: {  	[smem:$0x3F94] =	sst s1;
	(tag) =	ssettag s2;
	_ =	strace s9  }
0x27: {  	s1 =	sld [smem:$0x3FA4]  }
0x28: {  	s2 =	sld [smem:$0x3FA5]  }
0x29: {  	s4 =	sld [smem:$0x3FA7]  }
0x2a: {  	p0 =	seq.s32 s5, $0x0;
	s5 =	sld [smem:$0x3FA8]  }
0x2b: {  	s6 =	sld [smem:$0x3FA9]  }
0x2c: {  	s7 =	sld [smem:$0x3FAA]  }
0x2d: {  	s3 =	simm.s32 $0x108;
	s8 =	sld [smem:$0x3FAB]  }
0x2e: {  	s3 =	simm.s32 @!p0 $0x1082;
	s9 =	sld [smem:$0x3FAC]  }
0x2f: {  	lr =	sadd.s32 s0, s3;
	s0 =	sld [smem:$0x3FA3]  }
0x30: {  	s3 =	sld [smem:$0x3FA6]  }
0x31: {  	[smem:$0x3FAF] =	sst s10  }
0x32: {  	s10 =	sld [smem:$0x3FAD];
	_ =	sdelay $0x3  }
0x33: {  	p0 =	seq.s32 s10, $0x1;
	s10 =	sld [smem:$0x3FAF];
	_ =	sdelay $0x3  }
0x34: {  	[smem:$0x3FAF] =	sst s10  }
0x35: {  	s10 =	sld [smem:$0x3FAE];
	_ =	sdelay $0x3  }
0x36: {  	p1 =	seq.s32 s10, $0x1;
	s10 =	sld [smem:$0x3FAF];
	_ =	sdelay $0x3  }
0x37: {  	[smem:$0x3FAF] =	sst s10  }
0x38: {  	s10 =	sld [smem:$0x3FB0]  }
0x39: {  	_ = 	snop;
	(pc) =	sbr.ind lr, $3  }
0x3a: {  	_ = 	snop  }
0x3b: {  	_ = 	snop  }
0x3c: {  	p2 =	seq.s32 s10, $0x1;
	s10 =	sld [smem:$0x3FAF]  }
0x3d: {  	_ =	shalt  }
0x3e: {  	_ =	shalt  }
0x3f: {  	_ =	shalt  }
0x40: {  	_ =	shalt  }
0x41: {  	_ =	shalt  }
0x42: {  	_ =	shalt  }
0x43: {  	_ =	shalt  }
0x44: {  	_ =	shalt  }
0x45: {  	_ =	shalt  }
0x46: {  	_ =	shalt  }
0x47: {  	_ =	shalt  }
0x48: {  	_ =	shalt  }
0x49: {  	_ =	shalt  }
0x4a: {  	_ =	shalt  }
0x4b: {  	_ =	shalt  }
0x4c: {  	_ =	shalt  }
0x4d: {  	_ =	shalt  }
0x4e: {  	_ =	shalt  }
0x4f: {  	_ =	shalt  }
0x50: {  	_ =	shalt  }
0x51: {  	_ =	shalt  }
0x52: {  	_ =	shalt  }
0x53: {  	_ =	shalt  }
0x54: {  	_ =	shalt  }
0x55: {  	_ =	shalt  }
0x56: {  	_ =	shalt  }
0x57: {  	_ =	shalt  }
0x58: {  	_ =	shalt  }
0x59: {  	_ =	shalt  }
0x5a: {  	_ =	shalt  }
0x5b: {  	_ =	shalt  }
0x5c: {  	_ =	shalt  }
0x5d: {  	_ =	shalt  }
0x5e: {  	_ =	shalt  }
0x5f: {  	_ =	shalt  }
0x60: {  	_ =	shalt  }
0x61: {  	_ =	shalt  }
0x62: {  	_ =	shalt  }
0x63: {  	_ =	shalt  }
0x64: {  	_ =	shalt  }
0x65: {  	_ =	shalt  }
0x66: {  	_ =	shalt  }
0x67: {  	_ =	shalt  }
0x68: {  	_ =	shalt  }
0x69: {  	_ =	shalt  }
0x6a: {  	_ =	shalt  }
0x6b: {  	_ =	shalt  }
0x6c: {  	_ =	shalt  }
0x6d: {  	_ =	shalt  }
0x6e: {  	_ =	shalt  }
0x6f: {  	_ =	shalt  }
0x70: {  	_ =	shalt  }
0x71: {  	_ =	shalt  }
0x72: {  	_ =	shalt  }
0x73: {  	_ =	shalt  }
0x74: {  	_ =	shalt  }
0x75: {  	_ =	shalt  }
0x76: {  	_ =	shalt  }
0x77: {  	_ =	shalt  }
0x78: {  	_ =	shalt  }
0x79: {  	_ =	shalt  }
0x7a: {  	_ =	shalt  }
0x7b: {  	_ =	shalt  }
0x7c: {  	_ =	shalt  }
0x7d: {  	_ =	shalt  }
0x7e: {  	_ =	shalt  }
0x7f: {  	_ =	shalt  }
0x80: {  	_ =	shalt  }
0x81: {  	_ =	shalt  }
0x82: {  	_ =	shalt  }
0x83: {  	_ =	shalt  }
0x84: {  	_ =	shalt  }
0x85: {  	_ =	shalt  }
0x86: {  	_ =	shalt  }
0x87: {  	_ =	shalt  }
.Lfunc_end0:
.L_simem_size_0:
called_computation_lowered:
.L_overlay_start_0:
0x88: {  	s2 =	sld [smem:$0x3FD9]  }
0x89: {  	s3 =	sld [smem:$0x3FFE];
	_ =	sdelay $0x1  }
0x8a: {  	s1 =	srdreg.scid  }
0x8b: {  	s0 =	sand.u32 $0x1, s1  }
0x8c: {  	s17 =	sshll.u32 s0, $0xA;
	s2 =	sadd.s32 s3, s2  }
0x8d: {  	s2 =	sadd.s32 s2, s17  }
0x8e: {  	[smem:$0x3FBB] =	sst s2  }
0x8f: {  	_ = 	snop  }
0x90: {  	s2 =	sld [smem:$0x3FD0];
	(tm) =	ssettm $0x1  }
0x91: {  	s18 =	sld [smem:$0x3FFB];
	_ =	sdelay $0x3  }
0x92: {  	_ =	strace s18  }
0x93: {  	s3 =	sld [smem:$0x3FFC];
	_ =	sdelay $0x3  }
0x94: {  	_ =	strace s3  }
0x95: {  	s3 =	sld [smem:$0x3FFD];
	_ =	sdelay $0x3  }
0x96: {  	_ =	strace s3  }
0x97: {  	_ =	strace $0x8FFFFFFF  }
0x98: {  	s19 =	sld [smem:$0x3FDB];
	_ =	sdelay $0x1  }
0x99: {  	s4 =	simm.s32 $_scs_section_size  }
0x9a: {  	s5 =	simm.s32 $_size__tile_overlayer_lowered;
	s6 =	simm.s32 $_tile_overlayer_lowered  }
0x9b: {  	s22 =	simm.s32 $0x1BFF;
	s21 =	sshll.u32 s6, $0x1;
	s3 =	sadd.s32 s4, s19  }
0x9c: {  	s7 =	simm.s32 $0x0;
	s20 =	sshll.u32 s5, $0x1;
	s5 =	sadd.s32 s21, s3  }
0x9d: {  	[timem:s7], [sflag:s22] =	dma.local [hbm:s5], s20  }
0x9e: {  	_ =	swait.ge [sflag:s22], s20  }
0x9f: {  	s4 =	ssub.s32 $0x0, s20;
	[sflag:s22] =	ssyncset.done $0x0  }
0xa0: {  	[sflag:s22] =	ssyncadd.s32 s4;
	_ =	sdelay $0x1  }
0xa1: {  	s23 =	simm.s32 $0x1B8B  }
0xa2: {  	_ =	swait.ge [sflag:s23], $0x1  }
0xa3: {  	[sflag:s23] =	ssyncset.done $0x0  }
0xa4: {  	s25 =	simm.s32 $0x1B8E;
	s24 =	sld [smem:$0x3FFE];
	[sflag:s23] =	ssyncadd.s32 $0xFFFFFFFF  }
0xa5: {  	s26 =	simm.s32 $execute0_lowered;
	[smem:$0x3FD2] =	sst s25  }
0xa6: {  	s5 =	sshll.u32 s26, $0x1;
	_ =	strace $0x80000046;
	[dreg:$0x1] =	wrdreg $0xFFFFFFFF  }
0xa7: {  	s28 =	simm.s32 $_size_execute0_lowered;
	s3 =	sadd.s32 s3, s5;
	[dreg:$0x0] =	wrdreg $0x0  }
0xa8: {  	s5 =	sshll.u32 s28, $0x1;
	[dreg:$0x2] =	wrdreg s3  }
0xa9: {  	[dreg:$0x3] =	wrdreg s5  }
0xaa: {  	[dreg:$0x4] =	wrdreg $0xC0  }
0xab: {  	_ =	task [dreg:s7], $0x5FFFF  }
0xac: {  	[dreg:$0x1] =	wrdreg $0xFFFFFFFF  }
0xad: {  	[dreg:$0x0] =	wrdreg $0x60  }
0xae: {  	[dreg:$0x2] =	wrdreg s2  }
0xaf: {  	[dreg:$0x3] =	wrdreg s24  }
0xb0: {  	[dreg:$0x4] =	wrdreg $0xA5000  }
0xb1: {  	[dreg:$0x5] =	wrdreg $0x9  }
0xb2: {  	_ =	task.clear_ibuf [dreg:s7], $0x6FFFF;
	_ =	strace $0x90000046  }
0xb3: {  	s29 =	simm.s32 $0x9;
	_ =	strace $0x80000048  }
0xb4: {  	_ =	swait.ge [sflag:s29], $0x1  }
0xb5: {  	[sflag:s29] =	ssyncadd.s32 $0xFFFFFFFF  }
0xb6: {  	_ =	strace $0x90000048  }
0xb7: {  	_ =	sfence  }
0xb8: {  	s30 =	sld [smem:$0x0];
	_ =	sdelay $0x2  }
0xb9: {  	s31 =	sshll.u32 s1, $0xD;
	s1 =	sshrl.u32 s1, $0x2  }
0xba: {  	s3 =	sand.u32 $0x4000, s31;
	s1 =	sadd.s32 s1, s30  }
0xbb: {  	s0 =	sor.u32 s3, s0;
	s1 =	sshll.u32 s1, $0x11  }
0xbc: {  	s0 =	sor.u32 s1, s0  }
0xbd: {  	s0 =	sadd.s32 $0x8F2B, s0  }
0xbe: {  	[sflag:s0] =	ssyncadd.remote.s32 $0x1  }
0xbf: {  	_ =	sfence.sel $0xFFFF  }
0xc0: {  	[dreg:$0x0] =	wrdreg $0xFFFFFFFF;
	(pc) =	sbr.abs _section_cstart, $3  }
0xc1: {  	[dreg:$0x1] =	wrdreg $0xFFFFFFFF  }
0xc2: {  	_ =	task.clear_ibuf [dreg:s7], $0x2FFFF;
	_ =	strace $0x9FFFFFFF  }
0xc3: {  	(tm) =	ssettm $0x7FFFFFFF  }
tec
execute0_lowered:
.L_overlay_start_1:
0x0: {  	(tag) =	ssettag $0x1  }
0x1: {  	s0 =	rddreg [dreg:$0x1]  }
0x2: {  	s3 =	rddreg [dreg:$0x2];
	s4 =	simm.s32 $0x0;
	s15 =	stileid.u32  }
0x3: {  	s2 =	srdreg.scid;
	s29 =	simm.s32 $0x7;
	s28 =	simm.s32 $0x6  }
0x4: {  	[smem:$0x7FF] =	sst s4;
	s8 =	smul.u32 $0x14000, s15;
	s2 =	sand.u32 $0x1, s2  }
0x5: {  	s5 =	sadd.s32 $0x15E00, s0;
	s6 =	sadd.s32 $0x1E00, s0;
	s12 =	smul.u32 $0x50000, s15  }
0x6: {  	s7 =	sadd.s32 $0xBE00, s0;
	s1 =	smov.u32 s3;
	s19 =	smul.u32 $0x28000, s15  }
0x7: {  	s22 =	sshll.u32 s15, $0x6;
	_ =	strace $0x80000047;
	s9 =	smul.u32 $0x140000, s2  }
0x8: {  	s21 =	sshll.u32 s2, $0x4;
	s11 =	ssub.s32 $0x2, s2;
	s16 =	sor.u32 $0x1C07, s22  }
0x9: {  	p0 =	seq.s32 s2, $0x0;
	s2 =	simm.s32 $0x272E00;
	s10 =	sshrl.u32 s8, $0x3  }
0xa: {  	s14 =	sshrl.u32 s11, $0x1;
	s8 =	sadd.s32 s8, s9;
	s9 =	sor.u32 s15, s21  }
0xb: {  	s12 =	sshrl.u32 s12, $0x2;
	s13 =	sshrl.u32 s8, $0x3;
	s8 =	smul.u32 $0x2800, s9  }
0xc: {  	[dreg:$0x6] =	wrdreg s16;
	s10 =	sadd.s32 s10, s0;
	s12 =	sadd.s32 s12, s3  }
0xd: {  	[dreg:$0x4] =	wrdreg s12;
	s10 =	sadd.s32 $0x1FE00, s10;
	s23 =	sshrl.u32 s8, $0x3  }
0xe: {  	s2 =	simm.s32 @!p0 $0x4F2E00;
	[dreg:$0x5] =	wrdreg s10;
	s24 =	sadd.s32 s6, s23  }
0xf: {  	s11 =	ssub.s32 s11, s14;
	s25 =	sadd.s32 s7, s23;
	[dreg:$0x7] =	wrdreg s24  }
0x10: {  	s26 =	sor.u32 $0xA, s23;
	s22 =	sadd.s32 s5, s23;
	[dreg:$0x8] =	wrdreg s25  }
0x11: {  	s14 =	simm.s32 $0x50;
	s31 =	sadd.s32 s6, s26;
	[dreg:$0xf] =	wrdreg s22  }
0x12: {  	s30 =	sor.u32 $0x14, s23;
	s3 =	sadd.s32 s7, s26;
	[dreg:$0x9] =	wrdreg s31  }
0x13: {  	s9 =	sadd.s32 s13, s0;
	s17 =	sadd.s32 s6, s30;
	[dreg:$0xa] =	wrdreg s3  }
0x14: {  	s18 =	sor.u32 $0x1E, s23;
	s12 =	sadd.s32 s7, s30;
	[dreg:$0xb] =	wrdreg s17  }
0x15: {  	s0 =	sadd.s32 s2, s0;
	s20 =	sadd.s32 s6, s18;
	[dreg:$0xc] =	wrdreg s12  }
0x16: {  	s10 =	simm.s32 $0x380;
	s21 =	sadd.s32 s7, s18;
	[dreg:$0xd] =	wrdreg s20  }
0x17: {  	s2 =	simm.s32 $0x0;
	s23 =	sadd.s32 s5, s26;
	[dreg:$0xe] =	wrdreg s21  }
0x18: {  	s22 =	sadd.s32 s0, s19;
	s24 =	sor.u32 $0x1E0, s8;
	[dreg:$0x10] =	wrdreg s23  }
0x19: {  	s25 =	sadd.s32 $0x47E00, s9;
	s26 =	smax.u32 s11, $0x1;
	[dreg:$0x11] =	wrdreg s24  }
.Ltmp0:
0x1a: {  	s30 =	sor.u32 $0x230, s8;
	[dreg:$0x12] =	wrdreg s25;
	(pc) =	sbr.rel .LBB2_1-.Ltmp0, $4  }
0x1b: {  	s18 =	simm.s32 $0x2;
	s19 =	simm.s32 $0x2C00;
	[dreg:$0x13] =	wrdreg s26  }
0x1c: {  	s11 =	simm.s32 $0x4;
	[dreg:$0x14] =	wrdreg s30;
	s31 =	sadd.s32 $0x500, s22  }
0x1d: {  	s3 =	simm.s32 $0x400;
	s17 =	simm.s32 $0xA400;
	s21 =	simm.s32 $0xA480  }
0x1e: {  	s24 =	simm.s32 $0x5;
	s25 =	simm.s32 $0x3;
	[dreg:$0x15] =	wrdreg s31  }
.LBB2_12:
0x1f: {  	[bflag:$0x0] =	sbarrier.arrive $0xFFFF  }
0x20: {  	s16 =	rddreg [dreg:$0x6]  }
0x21: {  	s0 =	rddreg [dreg:$0x12]  }
0x22: {  	s2 =	rddreg [dreg:$0x17]  }
0x23: {  	[hbm:s0], [sflag:s16] =	dma.local [spmem:s2], $0x2800  }
0x24: {  	_ =	swait.ge [sflag:s29], $0x2800  }
0x25: {  	s30 =	rddreg [dreg:$0x16]  }
0x26: {  	s31 =	rddreg [dreg:$0x13];
	s2 =	sadd.s32 $0x1, s30  }
0x27: {  	p0 =	sne.s32 s2, s31  }
.Ltmp1:
0x28: {  	_ = 	snop;
	(pc) =	sbr.rel @!p0 .LBB2_13-.Ltmp1, $3  }
0x29: {  	_ =	sdelay $0x1  }
0x2a: {  	[sflag:s29] =	ssyncset.done $0x0  }
0x2b: {  	[sflag:s29] =	ssyncadd.s32 $0xFFFFD800  }
.LBB2_1:
0x2c: {  	[dreg:$0x16] =	wrdreg s2  }
0x2d: {  	s0 =	rddreg [dreg:$0x4]  }
0x2e: {  	s9 =	rddreg [dreg:$0x5];
	s0 =	sshrl.u32 s0, $0x3  }
0x2f: {  	[dreg:$0x17] =	wrdreg s0  }
0x30: {  	[spmem:s0], [sflag:s16] =	dma.local [hbm:s9], $0x2800  }
0x31: {  	_ =	swait.ge [sflag:s29], $0x2800  }
0x32: {  	[sflag:s29] =	ssyncset.done $0x0  }
0x33: {  	[sflag:s29] =	ssyncadd.s32 $0xFFFFD800  }
0x34: {  	[bflag:$0x0] =	sbarrier.arrive $0xFFFF  }
0x35: {  	s12 =	rddreg [dreg:$0x7]  }
0x36: {  	[tilespmem:s4], [sflag:$0x1] =	stream.linear.gather [hbm4b:s12+s4], $0x50, $0x38;
	[tilespmem:$0x1E500] =	vst v63  }
0x37: {  	s15 =	simm.s32 $0x200;
	s13 =	rddreg [dreg:$0x8]  }
0x38: {  	[tilespmem:s15], [sflag:$0x1] =	stream.linear.gather [hbm4b:s13+s4], $0x50, $0x38;
	[tilespmem:$0x1E500] =	vst v63  }
0x39: {  	s2 =	simm.s32 $0x80;
	s16 =	rddreg [dreg:$0x9]  }
0x3a: {  	[tilespmem:s2], [sflag:$0x2] =	stream.linear.gather [hbm4b:s16+s4], $0x50, $0x38;
	[tilespmem:$0x1E500] =	vst v63  }
0x3b: {  	s9 =	simm.s32 $0x280;
	s20 =	rddreg [dreg:$0xa]  }
0x3c: {  	[tilespmem:s9], [sflag:$0x2] =	stream.linear.gather [hbm4b:s20+s4], $0x50, $0x38;
	[tilespmem:$0x1E500] =	vst v63  }
0x3d: {  	s26 =	simm.s32 $0x100;
	s23 =	rddreg [dreg:$0xb]  }
0x3e: {  	[tilespmem:s26], [sflag:$0x3] =	stream.linear.gather [hbm4b:s23+s4], $0x50, $0x38;
	[tilespmem:$0x1E500] =	vst v63  }
0x3f: {  	s31 =	simm.s32 $0x300;
	s30 =	rddreg [dreg:$0xc]  }
0x40: {  	[tilespmem:s31], [sflag:$0x3] =	stream.linear.gather [hbm4b:s30+s4], $0x50, $0x38;
	[tilespmem:$0x1E500] =	vst v63  }
0x41: {  	s12 =	simm.s32 $0x180;
	s9 =	rddreg [dreg:$0xd]  }
0x42: {  	[tilespmem:s12], [sflag:$0x4] =	stream.linear.gather [hbm4b:s9+s4], $0x50, $0x38;
	[tilespmem:$0x1E500] =	vst v63  }
0x43: {  	s13 =	rddreg [dreg:$0xe];
	s15 =	simm.s32 $0x1  }
0x44: {  	[tilespmem:s10], [sflag:$0x4] =	stream.linear.gather [hbm4b:s13+s4], $0x50, $0x38;
	[tilespmem:$0x1E500] =	vst v63  }
0x45: {  	_ =	swait.ge [sflag:s15], $0x50  }
0x46: {  	[sflag:s15] =	ssyncset.done $0x0  }
0x47: {  	[sflag:s15] =	ssyncadd.s32 $0xFFFFFFB0  }
0x48: {  	_ =	swait.ge [sflag:s15], $0x50  }
0x49: {  	[sflag:s15] =	ssyncset.done $0x0  }
0x4a: {  	[sflag:s15] =	ssyncadd.s32 $0xFFFFFFB0  }
0x4b: {  	s16 =	rddreg [dreg:$0x0]  }
0x4c: {  	[tilespmem:s3], [sflag:$0x5] =	stream.indirect.gather [hbm4b:s16+s14], $0x80, s4, s14, $0xb8;
	[tilespmem:$0x1E500] =	vst v63  }
0x4d: {  	s20 =	simm.s32 $0x5400  }
0x4e: {  	[tilespmem:s20], [sflag:$0x5] =	stream.linear.gather [hbm4b:s22+s4], $0x2800, $0x38;
	[tilespmem:$0x1E500] =	vst v63  }
0x4f: {  	s23 =	rddreg [dreg:$0xf]  }
0x50: {  	[tilespmem:s17], [sflag:$0x5] =	stream.linear.gather [hbm4b:s23+s4], $0x50, $0x38;
	[tilespmem:$0x1E500] =	vst v63  }
0x51: {  	_ =	swait.ge [sflag:s18], $0x50  }
0x52: {  	[sflag:s18] =	ssyncset.done $0x0  }
0x53: {  	[sflag:s18] =	ssyncadd.s32 $0xFFFFFFB0  }
0x54: {  	_ =	swait.ge [sflag:s18], $0x50  }
0x55: {  	[sflag:s18] =	ssyncset.done $0x0  }
0x56: {  	[sflag:s18] =	ssyncadd.s32 $0xFFFFFFB0  }
0x57: {  	[tilespmem:s19], [sflag:$0x6] =	stream.indirect.gather [hbm4b:s16+s14], $0x80, s2, s14, $0xb8;
	[tilespmem:$0x1E500] =	vst v63  }
0x58: {  	s30 =	simm.s32 $0x7C00;
	s26 =	rddreg [dreg:$0x15]  }
0x59: {  	[tilespmem:s30], [sflag:$0x6] =	stream.linear.gather [hbm4b:s26+s4], $0x2800, $0x38;
	[tilespmem:$0x1E500] =	vst v63  }
0x5a: {  	s13 =	simm.s32 $0x0;
	s31 =	rddreg [dreg:$0x10]  }
0x5b: {  	[tilespmem:s21], [sflag:$0x6] =	stream.linear.gather [hbm4b:s31+s4], $0x50, $0x38;
	[tilespmem:$0x1E500] =	vst v63  }
.LBB2_2:
0x5c: {  	_ =	swait.ge [sflag:s24], $0x2800  }
0x5d: {  	[sflag:s24] =	ssyncset.done $0x0  }
0x5e: {  	[sflag:s24] =	ssyncadd.s32 $0xFFFFD800  }
0x5f: {  	s0 =	simm.s32 $0x0;
	_ =	swait.ge [sflag:s24], $0x2800  }
0x60: {  	v0 =	vmov s0;
	[sflag:s24] =	ssyncset.done $0x0  }
0x61: {  	v0 =	vand.u32 $0xFFFFFFFE, v0;
	[sflag:s24] =	ssyncadd.s32 $0xFFFFD800  }
0x62: {  	v0 =	vbroadcast v0, $0x0;
	_ =	swait.ge [sflag:s24], $0x50  }
0x63: {  	[sflag:s24] =	ssyncset.done $0x0  }
0x64: {  	s0 =	simm.s32 $0x480;
	[sflag:s24] =	ssyncadd.s32 $0xFFFFFFB0  }
0x65: {  	s9 =	simm.s32 $0x5480;
	v1 =	vld [tilespmem:s0+$0xFFFFFF80]  }
0x66: {  	v2 =	vld [tilespmem:s9+$0xFFFFFF80];
	_ =	sdelay $0x1  }
0x67: {  	v14 =	vld.idx.msk [tilespmem:v0+s17+$0x0], $0xffff;
	_ =	sdelay $0x2  }
0x68: {  	v0 =	vmul.f32 v2, v1;
	_ =	sdelay $0x1  }
0x69: {  	v0 =	vmul.f32 v0, v14;
	_ =	sdelay $0x1  }
0x6a: {  	s2 =	simm.s32 $0x1;
	[tilespmem:s0+$0xFFFFFF80] =	vst v0;
	v0 =	vld [tilespmem:s0+$0xFFFFFF90]  }
0x6b: {  	v2 =	vmov s2;
	v1 =	vld [tilespmem:s9+$0xFFFFFF90];
	_ =	sdelay $0x3  }
0x6c: {  	v3 =	vld [tilespmem:s9+$0x0]  }
0x6d: {  	v1 =	vmul.f32 v1, v0;
	v0 =	vld.idx.msk [tilespmem:v2+s17+$0x0], $0xffff  }
0x6e: {  	v2 =	vld [tilespmem:s0+$0x0];
	_ =	sdelay $0x1  }
0x6f: {  	v1 =	vmul.f32 v1, v14;
	_ =	sdelay $0x1  }
0x70: {  	[tilespmem:s0+$0xFFFFFF90] =	vst v1;
	v1 =	vld [tilespmem:s0+$0xFFFFFFA0]  }
0x71: {  	v4 =	vld [tilespmem:s9+$0xFFFFFFA0];
	v2 =	vmul.f32 v3, v2;
	_ =	sdelay $0x1  }
0x72: {  	s23 =	simm.s32 $0x2;
	v5 =	vld [tilespmem:s0+$0x20];
	v2 =	vmul.f32 v2, v0  }
0x73: {  	v6 =	vmov s23;
	v9 =	vld [tilespmem:s0+$0x40]  }
0x74: {  	v3 =	vld [tilespmem:s0+$0x10];
	[tilespmem:s0+$0x0] =	vst v2;
	v2 =	vand.u32 $0xFFFFFFFE, v6  }
0x75: {  	v1 =	vmul.f32 v4, v1;
	v6 =	vld [tilespmem:s9+$0x10];
	v2 =	vbroadcast v2, $0x0  }
0x76: {  	s16 =	simm.s32 $0x5580;
	v7 =	vld [tilespmem:s0+$0xFFFFFFB0]  }
0x77: {  	v10 =	vld [tilespmem:s16+$0xFFFFFF80];
	v1 =	vmul.f32 v1, v14  }
0x78: {  	v13 =	vld [tilespmem:s0+$0x50];
	s2 =	simm.s32 $0x580  }
0x79: {  	s10 =	simm.s32 $0x3;
	v8 =	vld [tilespmem:s2+$0xFFFFFF80];
	[tilespmem:s0+$0xFFFFFFA0] =	vst v1  }
0x7a: {  	v11 =	vmov s10;
	v3 =	vmul.f32 v6, v3;
	v6 =	vld [tilespmem:s9+$0xFFFFFFB0]  }
0x7b: {  	v1 =	vld.idx.msk [tilespmem:v2+s17+$0x0], $0xffff  }
0x7c: {  	v12 =	vld [tilespmem:s0+$0x60]  }
0x7d: {  	v15 =	vld [tilespmem:s0+$0xFFFFFFC0];
	v2 =	vmul.f32 v3, v0  }
0x7e: {  	v3 =	vmul.f32 v10, v8;
	v10 =	vld [tilespmem:s16+$0x0]  }
0x7f: {  	[tilespmem:s0+$0x10] =	vst v2;
	v2 =	vld.idx.msk [tilespmem:v11+s17+$0x0], $0xffff;
	v6 =	vmul.f32 v6, v7  }
0x80: {  	v8 =	vld [tilespmem:s9+$0x20];
	v3 =	vmul.f32 v3, v1  }
0x81: {  	v7 =	vld [tilespmem:s2+$0x0];
	v6 =	vmul.f32 v6, v14  }
0x82: {  	v11 =	vld [tilespmem:s2+$0xFFFFFF90];
	[tilespmem:s2+$0xFFFFFF80] =	vst v3  }
0x83: {  	[tilespmem:s0+$0xFFFFFFB0] =	vst v6;
	v6 =	vld [tilespmem:s16+$0xFFFFFF90]  }
0x84: {  	v16 =	vld [tilespmem:s9+$0xFFFFFFC0]  }
0x85: {  	v20 =	vld [tilespmem:s0+$0xFFFFFFE0];
	v5 =	vmul.f32 v8, v5  }
0x86: {  	s10 =	simm.s32 $0x680;
	v24 =	vld [tilespmem:s0+$0xFFFFFFF0];
	v7 =	vmul.f32 v10, v7  }
0x87: {  	v25 =	vld [tilespmem:s10+$0xFFFFFF90];
	v5 =	vmul.f32 v5, v0  }
0x88: {  	v4 =	vld [tilespmem:s0+$0x30];
	v7 =	vmul.f32 v7, v2;
	v6 =	vmul.f32 v6, v11  }
0x89: {  	v8 =	vld [tilespmem:s2+$0x10];
	[tilespmem:s0+$0x20] =	vst v5;
	v5 =	vmul.f32 v16, v15  }
0x8a: {  	[tilespmem:s2+$0x0] =	vst v7;
	v11 =	vld [tilespmem:s9+$0x30];
	v6 =	vmul.f32 v6, v1  }
0x8b: {  	v7 =	vld [tilespmem:s16+$0x10];
	v5 =	vmul.f32 v5, v14  }
0x8c: {  	[tilespmem:s2+$0xFFFFFF90] =	vst v6;
	v6 =	vld [tilespmem:s2+$0xFFFFFFA0]  }
0x8d: {  	[tilespmem:s0+$0xFFFFFFC0] =	vst v5;
	v5 =	vld [tilespmem:s16+$0xFFFFFFA0]  }
0x8e: {  	v15 =	vld [tilespmem:s0+$0xFFFFFFD0]  }
0x8f: {  	v17 =	vld [tilespmem:s9+$0xFFFFFFD0]  }
0x90: {  	v19 =	vld [tilespmem:s2+$0x40]  }
0x91: {  	v18 =	vld [tilespmem:s2+$0xFFFFFFB0];
	v4 =	vmul.f32 v11, v4  }
0x92: {  	v3 =	vld [tilespmem:s0+$0x70];
	v5 =	vmul.f32 v5, v6  }
0x93: {  	v10 =	vld [tilespmem:s2+$0x20];
	v7 =	vmul.f32 v7, v8;
	v4 =	vmul.f32 v4, v0  }
0x94: {  	v16 =	vld [tilespmem:s2+$0x30];
	v6 =	vmul.f32 v17, v15;
	v5 =	vmul.f32 v5, v1  }
0x95: {  	s12 =	simm.s32 $0x4;
	v8 =	vld [tilespmem:s2+$0x50];
	v11 =	vmul.f32 v7, v2;
	[tilespmem:s0+$0x30] =	vst v4  }
0x96: {  	s26 =	simm.s32 $0x5;
	v7 =	vld [tilespmem:s2+$0x60];
	v6 =	vmul.f32 v6, v14;
	[tilespmem:s2+$0xFFFFFFA0] =	vst v5;
	v5 =	vmov s12  }
0x97: {  	[tilespmem:s2+$0x10] =	vst v11;
	v11 =	vmov s26;
	v15 =	vld [tilespmem:s9+$0x40];
	v5 =	vand.u32 $0xFFFFFFFE, v5  }
0x98: {  	[tilespmem:s0+$0xFFFFFFD0] =	vst v6;
	v6 =	vld [tilespmem:s16+$0xFFFFFFB0];
	v21 =	vbroadcast v5, $0x0  }
0x99: {  	v17 =	vld [tilespmem:s16+$0x20]  }
0x9a: {  	s26 =	simm.s32 $0x5680;
	v22 =	vld [tilespmem:s9+$0xFFFFFFE0]  }
0x9b: {  	v23 =	vld [tilespmem:s26+$0xFFFFFF80]  }
0x9c: {  	v5 =	vld.idx.msk [tilespmem:v11+s17+$0x0], $0xffff;
	v9 =	vmul.f32 v15, v9  }
0x9d: {  	v11 =	vld [tilespmem:s10+$0xFFFFFF80];
	v18 =	vmul.f32 v6, v18  }
0x9e: {  	v9 =	vmul.f32 v9, v0;
	v6 =	vld.idx.msk [tilespmem:v21+s17+$0x0], $0xffff  }
0x9f: {  	v15 =	vmul.f32 v18, v1;
	v18 =	vmul.f32 v22, v20;
	v20 =	vld [tilespmem:s10+$0x0]  }
0xa0: {  	[tilespmem:s0+$0x40] =	vst v9;
	v21 =	vld [tilespmem:s26+$0x0]  }
0xa1: {  	v22 =	vld [tilespmem:s9+$0x50]  }
0xa2: {  	v11 =	vmul.f32 v23, v11;
	[tilespmem:s2+$0xFFFFFFB0] =	vst v15;
	v15 =	vmul.f32 v18, v14;
	v18 =	vld [tilespmem:s2+$0xFFFFFFC0]  }
0xa3: {  	v10 =	vmul.f32 v17, v10;
	v9 =	vld [tilespmem:s16+$0xFFFFFFC0]  }
0xa4: {  	v4 =	vld [tilespmem:s2+$0x70];
	v11 =	vmul.f32 v11, v6  }
0xa5: {  	v17 =	vld [tilespmem:s10+$0x10];
	v10 =	vmul.f32 v10, v2;
	[tilespmem:s0+$0xFFFFFFE0] =	vst v15  }
0xa6: {  	v15 =	vld [tilespmem:s10+$0x20];
	[tilespmem:s10+$0xFFFFFF80] =	vst v11;
	v11 =	vmul.f32 v21, v20  }
0xa7: {  	[tilespmem:s2+$0x20] =	vst v10;
	v10 =	vmul.f32 v22, v13;
	v20 =	vld [tilespmem:s26+$0xFFFFFF90]  }
0xa8: {  	v23 =	vld [tilespmem:s9+$0xFFFFFFF0];
	v9 =	vmul.f32 v9, v18;
	v18 =	vmul.f32 v11, v5  }
0xa9: {  	v21 =	vld [tilespmem:s16+$0x30]  }
0xaa: {  	v13 =	vmul.f32 v10, v0;
	v10 =	vld [tilespmem:s10+$0x40];
	v9 =	vmul.f32 v9, v1;
	[tilespmem:s10+$0x0] =	vst v18  }
0xab: {  	v18 =	vld [tilespmem:s26+$0x10]  }
0xac: {  	[tilespmem:s2+$0xFFFFFFC0] =	vst v9;
	v9 =	vmul.f32 v20, v25;
	v20 =	vld [tilespmem:s2+$0xFFFFFFD0]  }
0xad: {  	v22 =	vld [tilespmem:s16+$0xFFFFFFD0]  }
0xae: {  	v11 =	vld [tilespmem:s10+$0x30];
	[tilespmem:s0+$0x50] =	vst v13;
	v16 =	vmul.f32 v21, v16  }
0xaf: {  	v21 =	vld [tilespmem:s9+$0x60];
	v9 =	vmul.f32 v9, v6  }
0xb0: {  	v13 =	vld [tilespmem:s10+$0x50];
	v16 =	vmul.f32 v16, v2  }
0xb1: {  	[tilespmem:s10+$0xFFFFFF90] =	vst v9;
	v9 =	vmul.f32 v18, v17;
	v17 =	vld [tilespmem:s10+$0xFFFFFFA0]  }
0xb2: {  	[tilespmem:s2+$0x30] =	vst v16;
	v18 =	vmul.f32 v22, v20;
	v22 =	vld [tilespmem:s26+$0xFFFFFFA0]  }
0xb3: {  	s30 =	simm.s32 $0x7;
	v16 =	vmul.f32 v23, v24;
	v23 =	vld [tilespmem:s16+$0x40];
	v20 =	vmul.f32 v9, v5  }
0xb4: {  	v62 =	vmov s30;
	v21 =	vmul.f32 v21, v12;
	v12 =	vld [tilespmem:s10+$0x70]  }
0xb5: {  	v14 =	vmul.f32 v16, v14;
	v16 =	vld [tilespmem:s2+$0xFFFFFFE0];
	v18 =	vmul.f32 v18, v1;
	[tilespmem:s10+$0x10] =	vst v20  }
0xb6: {  	v20 =	vld [tilespmem:s26+$0x20]  }
0xb7: {  	v9 =	vld [tilespmem:s10+$0x60];
	v63 =	vmul.f32 v21, v0;
	[tilespmem:s2+$0xFFFFFFD0] =	vst v18;
	v22 =	vmul.f32 v22, v17  }
0xb8: {  	s31 =	simm.s32 $0x6;
	[tilespmem:s0+$0xFFFFFFF0] =	vst v14;
	v19 =	vmul.f32 v23, v19;
	v18 =	vld [tilespmem:s16+$0xFFFFFFE0]  }
0xb9: {  	s23 =	simm.s32 $0x680;
	s12 =	simm.s32 $0x8;
	v14 =	vld.idx.msk [tilespmem:v62+s17+$0x0], $0xffff;
	[tilespmem:s0+$0x60] =	vst v63;
	v17 =	vmov s31;
	v21 =	vmul.f32 v22, v6  }
.LBB2_3:
0xba: {  	p0 =	slt.u32 s12, $0x4E;
	v17 =	vand.u32 $0xFFFFFFFE, v17;
	v19 =	vmul.f32 v19, v2;
	v22 =	vld [tilespmem:s9+$0x70];
	s9 =	smov.u32 s16;
	s16 =	smov.u32 s26  }
0xbb: {  	v17 =	vbroadcast v17, $0x0;
	[tilespmem:s10+$0xFFFFFFA0] =	vst v21;
	v21 =	vld [tilespmem:s10+$0xFFFFFFB0];
	v15 =	vmul.f32 v20, v15  }
0xbc: {  	v20 =	vld [tilespmem:s26+$0xFFFFFFB0];
	[tilespmem:s2+$0x40] =	vst v19  }
0xbd: {  	v15 =	vmul.f32 v15, v5;
	v16 =	vmul.f32 v18, v16;
	v18 =	vld [tilespmem:s9+$0x50]  }
0xbe: {  	s10 =	sadd.s32 $0x100, s10;
	v19 =	vld [tilespmem:s2+$0xFFFFFFF0]  }
0xbf: {  	s26 =	sadd.s32 $0x100, s26;
	v23 =	vld [tilespmem:s10+$0xFFFFFF80];
	[tilespmem:s23+$0x20] =	vst v15;
	v15 =	vmul.f32 v16, v1;
	v16 =	vmul.f32 v22, v3;
	v3 =	vmovc v4;
	v4 =	vmov v12  }
0xc0: {  	v12 =	vld [tilespmem:s26+$0xFFFFFF80]  }
0xc1: {  	v17 =	vld.idx.msk [tilespmem:v17+s17+$0x0], $0xffff;
	v20 =	vmul.f32 v20, v21;
	[tilespmem:s2+$0xFFFFFFE0] =	vst v15;
	v15 =	vmul.f32 v16, v0;
	v0 =	vmov v2  }
0xc2: {  	v2 =	vmovc v5;
	v5 =	vmov v14;
	v16 =	vld [tilespmem:s9+$0xFFFFFFF0];
	v18 =	vmul.f32 v18, v8;
	v8 =	vmov v13  }
0xc3: {  	v13 =	vld [tilespmem:s10+$0x0];
	v14 =	vmul.f32 v20, v6;
	[tilespmem:s0+$0x70] =	vst v15;
	s0 =	smov.u32 s2;
	s2 =	smov.u32 s23;
	s23 =	smov.u32 s10  }
0xc4: {  	v20 =	vld [tilespmem:s26+$0x0];
	v15 =	vmul.f32 v18, v0  }
0xc5: {  	v12 =	vmul.f32 v12, v23;
	[tilespmem:s2+$0xFFFFFFB0] =	vst v14;
	v14 =	vld [tilespmem:s2+$0xFFFFFFC0]  }
0xc6: {  	v18 =	vld [tilespmem:s16+$0xFFFFFFC0];
	[tilespmem:s0+$0x50] =	vst v15  }
0xc7: {  	v12 =	vmul.f32 v12, v17;
	v21 =	vld [tilespmem:s10+$0x10];
	v16 =	vmul.f32 v16, v19  }
0xc8: {  	v15 =	vld [tilespmem:s10+$0x20]  }
0xc9: {  	[tilespmem:s10+$0xFFFFFF80] =	vst v12;
	v12 =	vld [tilespmem:s10+$0xFFFFFF90];
	v13 =	vmul.f32 v20, v13;
	v16 =	vmul.f32 v16, v1;
	v1 =	vmovc v6;
	v6 =	vmov v17  }
0xca: {  	v17 =	vld [tilespmem:s26+$0xFFFFFF90]  }
0xcb: {  	v13 =	vmul.f32 v13, v5;
	v14 =	vmul.f32 v18, v14;
	v18 =	vld [tilespmem:s16+$0x30];
	[tilespmem:s0+$0xFFFFFFF0] =	vst v16  }
0xcc: {  	v16 =	vld [tilespmem:s10+$0x30]  }
0xcd: {  	[tilespmem:s10+$0x0] =	vst v13;
	v22 =	vld [tilespmem:s10+$0x40];
	v13 =	vmul.f32 v14, v1  }
0xce: {  	v14 =	vld [tilespmem:s26+$0x10]  }
0xcf: {  	v12 =	vmul.f32 v17, v12;
	[tilespmem:s2+$0xFFFFFFC0] =	vst v13;
	v17 =	vld [tilespmem:s2+$0xFFFFFFD0]  }
0xd0: {  	v19 =	vld [tilespmem:s16+$0xFFFFFFD0];
	v18 =	vmul.f32 v18, v11  }
0xd1: {  	v12 =	vmul.f32 v12, v6;
	v13 =	vld [tilespmem:s10+$0x50];
	v11 =	vmov v16  }
0xd2: {  	v16 =	vmul.f32 v18, v2;
	v18 =	vld [tilespmem:s9+$0x60]  }
0xd3: {  	[tilespmem:s10+$0xFFFFFF90] =	vst v12;
	v23 =	vld [tilespmem:s10+$0xFFFFFFA0];
	v12 =	vmul.f32 v14, v21  }
0xd4: {  	v14 =	vld [tilespmem:s26+$0xFFFFFFA0];
	[tilespmem:s2+$0x30] =	vst v16  }
0xd5: {  	s15 =	sadd.s32 $0x1, s12;
	v12 =	vmul.f32 v12, v5;
	v16 =	vmul.f32 v19, v17;
	v17 =	vld [tilespmem:s16+$0x40]  }
0xd6: {  	v21 =	vmov s15;
	v24 =	vld [tilespmem:s10+$0x60]  }
.Ltmp2:
0xd7: {  	[tilespmem:s10+$0x10] =	vst v12;
	v12 =	vld [tilespmem:s10+$0x70];
	v16 =	vmul.f32 v16, v1;
	v18 =	vmul.f32 v18, v7;
	v7 =	vmov v9;
	(pc) =	sbr.rel @p0 .LBB2_3-.Ltmp2, $4  }
0xd8: {  	v20 =	vld [tilespmem:s26+$0x20]  }
0xd9: {  	v25 =	vmul.f32 v14, v23;
	[tilespmem:s2+$0xFFFFFFD0] =	vst v16;
	v16 =	vld [tilespmem:s2+$0xFFFFFFE0];
	v23 =	vmul.f32 v18, v0  }
0xda: {  	v18 =	vld [tilespmem:s16+$0xFFFFFFE0];
	v19 =	vmul.f32 v17, v10;
	v10 =	vmov v22  }
0xdb: {  	v17 =	vmov s12;
	s12 =	sadd.s32 $0x2, s12;
	v14 =	vld.idx.msk [tilespmem:v21+s17+$0x0], $0xffff;
	v21 =	vmul.f32 v25, v6;
	[tilespmem:s0+$0x60] =	vst v23;
	v9 =	vmov v24  }
0xdc: {  	v17 =	vand.u32 $0xFFFFFFFE, v17  }
0xdd: {  	v17 =	vbroadcast v17, $0x0  }
0xde: {  	s12 =	sadd.s32 $0x100, s10  }
0xdf: {  	s20 =	sadd.s32 $0x100, s26;
	v22 =	vld [tilespmem:s12+$0xFFFFFF80]  }
0xe0: {  	v23 =	vld [tilespmem:s20+$0xFFFFFF80]  }
0xe1: {  	v24 =	vld [tilespmem:s12+$0x0]  }
0xe2: {  	v25 =	vld [tilespmem:s20+$0x0]  }
0xe3: {  	v17 =	vld.idx.msk [tilespmem:v17+s17+$0x0], $0xffff;
	_ =	sdelay $0x2  }
0xe4: {  	v22 =	vmul.f32 v23, v22  }
0xe5: {  	v23 =	vmul.f32 v25, v24  }
0xe6: {  	v22 =	vmul.f32 v22, v17  }
0xe7: {  	v55 =	vld [tilespmem:s12+$0x10];
	v23 =	vmul.f32 v23, v14  }
0xe8: {  	[tilespmem:s12+$0xFFFFFF80] =	vst v22;
	v22 =	vld [tilespmem:s12+$0xFFFFFF90]  }
0xe9: {  	[tilespmem:s12+$0x0] =	vst v23;
	v56 =	vld [tilespmem:s20+$0xFFFFFF90]  }
0xea: {  	v23 =	vld [tilespmem:s20+$0x10];
	_ =	sdelay $0x3  }
0xeb: {  	v22 =	vmul.f32 v56, v22  }
0xec: {  	v23 =	vmul.f32 v23, v55  }
0xed: {  	v22 =	vmul.f32 v22, v17  }
0xee: {  	v57 =	vld [tilespmem:s12+$0x20];
	v23 =	vmul.f32 v23, v14  }
0xef: {  	[tilespmem:s12+$0xFFFFFF90] =	vst v22;
	v22 =	vld [tilespmem:s12+$0xFFFFFFA0]  }
0xf0: {  	[tilespmem:s12+$0x10] =	vst v23;
	v58 =	vld [tilespmem:s20+$0xFFFFFFA0]  }
0xf1: {  	v23 =	vld [tilespmem:s20+$0x20]  }
0xf2: {  	v15 =	vmul.f32 v20, v15  }
0xf3: {  	[tilespmem:s10+$0xFFFFFFA0] =	vst v21;
	v20 =	vld [tilespmem:s10+$0xFFFFFFB0]  }
0xf4: {  	v21 =	vld [tilespmem:s26+$0xFFFFFFB0];
	v15 =	vmul.f32 v15, v5  }
0xf5: {  	v22 =	vmul.f32 v58, v22  }
0xf6: {  	[tilespmem:s23+$0x20] =	vst v15;
	v15 =	vmul.f32 v23, v57  }
0xf7: {  	v59 =	vld [tilespmem:s12+$0x30];
	v22 =	vmul.f32 v22, v17  }
0xf8: {  	v23 =	vld [tilespmem:s26+$0x30];
	v15 =	vmul.f32 v15, v14  }
0xf9: {  	v20 =	vmul.f32 v21, v20;
	v21 =	vld [tilespmem:s12+$0xFFFFFFB0];
	[tilespmem:s12+$0xFFFFFFA0] =	vst v22  }
0xfa: {  	[tilespmem:s12+$0x20] =	vst v15;
	v22 =	vld [tilespmem:s20+$0xFFFFFFB0]  }
0xfb: {  	v15 =	vmul.f32 v20, v6;
	v20 =	vld [tilespmem:s20+$0x30];
	_ =	sdelay $0x1  }
0xfc: {  	v11 =	vmul.f32 v23, v11  }
0xfd: {  	[tilespmem:s23+$0xFFFFFFB0] =	vst v15;
	v15 =	vld [tilespmem:s23+$0xFFFFFFC0]  }
0xfe: {  	v23 =	vld [tilespmem:s26+$0xFFFFFFC0];
	v11 =	vmul.f32 v11, v5;
	v21 =	vmul.f32 v22, v21  }
0xff: {  	v20 =	vmul.f32 v20, v59  }
0x100: {  	[tilespmem:s23+$0x30] =	vst v11;
	v22 =	vld [tilespmem:s12+$0x40];
	v11 =	vmul.f32 v21, v17  }
0x101: {  	v20 =	vmul.f32 v20, v14;
	v21 =	vld [tilespmem:s26+$0x40]  }
0x102: {  	[tilespmem:s12+$0xFFFFFFB0] =	vst v11;
	v11 =	vld [tilespmem:s12+$0xFFFFFFC0]  }
0x103: {  	v15 =	vmul.f32 v23, v15;
	[tilespmem:s12+$0x30] =	vst v20;
	v23 =	vld [tilespmem:s20+$0xFFFFFFC0]  }
0x104: {  	v19 =	vmul.f32 v19, v2;
	v20 =	vld [tilespmem:s20+$0x40];
	_ =	sdelay $0x1  }
0x105: {  	[tilespmem:s2+$0x40] =	vst v19;
	v15 =	vmul.f32 v15, v6;
	v10 =	vmul.f32 v21, v10  }
0x106: {  	v19 =	vld [tilespmem:s16+$0x50]  }
0x107: {  	[tilespmem:s23+$0xFFFFFFC0] =	vst v15;
	v15 =	vld [tilespmem:s23+$0xFFFFFFD0];
	v10 =	vmul.f32 v10, v5;
	v11 =	vmul.f32 v23, v11  }
0x108: {  	v20 =	vmul.f32 v20, v22;
	v21 =	vld [tilespmem:s26+$0xFFFFFFD0]  }
0x109: {  	v22 =	vld [tilespmem:s12+$0x50];
	[tilespmem:s23+$0x40] =	vst v10;
	v10 =	vmul.f32 v11, v17  }
0x10a: {  	v20 =	vmul.f32 v20, v14;
	v11 =	vld [tilespmem:s26+$0x50]  }
0x10b: {  	v8 =	vmul.f32 v19, v8;
	[tilespmem:s12+$0xFFFFFFC0] =	vst v10;
	v10 =	vld [tilespmem:s12+$0xFFFFFFD0]  }
0x10c: {  	[tilespmem:s12+$0x40] =	vst v20;
	v19 =	vld [tilespmem:s20+$0xFFFFFFD0]  }
0x10d: {  	v8 =	vmul.f32 v8, v2;
	v20 =	vld [tilespmem:s20+$0x50];
	v15 =	vmul.f32 v21, v15;
	_ =	sdelay $0x1  }
0x10e: {  	[tilespmem:s2+$0x50] =	vst v8;
	v21 =	vld [tilespmem:s2+$0xFFFFFFF0];
	v8 =	vmul.f32 v15, v6;
	v11 =	vmul.f32 v11, v13  }
0x10f: {  	v13 =	vld [tilespmem:s16+$0x60]  }
0x110: {  	v15 =	vld [tilespmem:s12+$0x60];
	[tilespmem:s23+$0xFFFFFFD0] =	vst v8;
	v8 =	vmul.f32 v11, v5;
	v10 =	vmul.f32 v19, v10  }
0x111: {  	v11 =	vld [tilespmem:s23+$0xFFFFFFE0];
	v19 =	vmul.f32 v20, v22  }
0x112: {  	v20 =	vld [tilespmem:s26+$0xFFFFFFE0];
	[tilespmem:s23+$0x50] =	vst v8;
	v8 =	vmul.f32 v10, v17  }
0x113: {  	v10 =	vmul.f32 v18, v16;
	v16 =	vld [tilespmem:s26+$0x60];
	v18 =	vmul.f32 v19, v14  }
0x114: {  	v7 =	vmul.f32 v13, v7;
	[tilespmem:s12+$0xFFFFFFD0] =	vst v8;
	v8 =	vld [tilespmem:s12+$0xFFFFFFE0]  }
0x115: {  	v10 =	vmul.f32 v10, v1;
	[tilespmem:s12+$0x50] =	vst v18;
	v19 =	vld [tilespmem:s20+$0xFFFFFFE0]  }
0x116: {  	v7 =	vmul.f32 v7, v2;
	v13 =	vld [tilespmem:s20+$0x60]  }
0x117: {  	v18 =	vld [tilespmem:s9+$0x70];
	[tilespmem:s2+$0xFFFFFFE0] =	vst v10;
	v10 =	vmul.f32 v20, v11  }
0x118: {  	[tilespmem:s2+$0x60] =	vst v7;
	v7 =	vld [tilespmem:s23+$0xFFFFFFF0]  }
0x119: {  	v11 =	vld [tilespmem:s16+$0xFFFFFFF0];
	v9 =	vmul.f32 v16, v9;
	v10 =	vmul.f32 v10, v6  }
0x11a: {  	v16 =	vld [tilespmem:s12+$0x70];
	v8 =	vmul.f32 v19, v8  }
0x11b: {  	v9 =	vmul.f32 v9, v5;
	v19 =	vld [tilespmem:s16+$0x70];
	[tilespmem:s23+$0xFFFFFFE0] =	vst v10;
	v10 =	vmul.f32 v13, v15  }
0x11c: {  	v15 =	vld [tilespmem:s12+$0xFFFFFFF0];
	v8 =	vmul.f32 v8, v17  }
0x11d: {  	v13 =	vld [tilespmem:s26+$0xFFFFFFF0];
	[tilespmem:s23+$0x60] =	vst v9;
	v10 =	vmul.f32 v10, v14  }
0x11e: {  	v9 =	vld [tilespmem:s26+$0x70];
	[tilespmem:s12+$0xFFFFFFE0] =	vst v8  }
0x11f: {  	v3 =	vmul.f32 v18, v3;
	[tilespmem:s12+$0x60] =	vst v10;
	v8 =	vld [tilespmem:s20+$0xFFFFFFF0]  }
0x120: {  	v10 =	vmul.f32 v11, v21;
	v11 =	vld [tilespmem:s20+$0x70]  }
0x121: {  	v0 =	vmul.f32 v3, v0;
	v3 =	vmul.f32 v19, v4  }
0x122: {  	v1 =	vmul.f32 v10, v1;
	v4 =	vmul.f32 v13, v7  }
0x123: {  	[tilespmem:s0+$0x70] =	vst v0;
	v0 =	vmul.f32 v3, v2;
	v2 =	vmul.f32 v9, v12  }
0x124: {  	[tilespmem:s2+$0xFFFFFFF0] =	vst v1;
	v1 =	vmul.f32 v4, v6;
	v3 =	vmul.f32 v8, v15  }
0x125: {  	[tilespmem:s2+$0x70] =	vst v0;
	v0 =	vmul.f32 v2, v5;
	v2 =	vmul.f32 v11, v16  }
0x126: {  	[tilespmem:s23+$0xFFFFFFF0] =	vst v1;
	v1 =	vmul.f32 v3, v17  }
0x127: {  	s2 =	sshll.u32 s13, $0x2;
	[tilespmem:s23+$0x70] =	vst v0;
	v0 =	vmul.f32 v2, v14  }
0x128: {  	p0 =	seq.s32 s13, $0x1F;
	s30 =	sadd.s32 $0x4, s2;
	[tilespmem:s12+$0xFFFFFFF0] =	vst v1  }
0x129: {  	s15 =	simm.s32 $0x400;
	s0 =	smul.u32 @!p0 $0x50, s30;
	s23 =	simm.s32 $0x200;
	[tilespmem:s12+$0x70] =	vst v0  }
0x12a: {  	[spmem:s1] =	stream.indirect.scatter.add.f32 [tilespmem:s15], [sflag:$0x7], $0x80, s23, s14, $0xb8;
	[tilespmem:$0x1E500] =	vst v63  }
0x12b: {  	s0 =	sadd.s32 @!p0 s8, s0;
	_ =	swait.ge [sflag:s29], $0x2800  }
0x12c: {  	s0 =	sshrl.u32 @!p0 s0, $0x3;
	[sflag:s29] =	ssyncset.done $0x0  }
0x12d: {  	s10 =	simm.s32 @!p0 $0x0;
	s9 =	sadd.s32 @!p0 s6, s0;
	[sflag:s29] =	ssyncadd.s32 $0xFFFFD800  }
0x12e: {  	[tilespmem:s10], [sflag:$0x1] =	stream.linear.gather @!p0 [hbm4b:s9+s10], $0x50, $0x38;
	[tilespmem:$0x1E500] =	vst v63  }
0x12f: {  	s12 =	simm.s32 @!p0 $0x200;
	s9 =	sadd.s32 @!p0 s7, s0  }
0x130: {  	[tilespmem:s12], [sflag:$0x1] =	stream.linear.gather @!p0 [hbm4b:s9+s10], $0x50, $0x38;
	[tilespmem:$0x1E500] =	vst v63  }
0x131: {  	_ =	swait.ge [sflag:s25], $0x50  }
0x132: {  	[sflag:s25] =	ssyncset.done $0x0  }
0x133: {  	s9 =	sor.u32 $0x2, s2;
	[sflag:s25] =	ssyncadd.s32 $0xFFFFFFB0  }
0x134: {  	s26 =	smul.u32 $0x500, s9;
	_ =	swait.ge [sflag:s25], $0x50  }
0x135: {  	s9 =	smul.u32 $0x50, s9;
	[sflag:s25] =	ssyncset.done $0x0  }
0x136: {  	s16 =	simm.s32 $0x100;
	[sflag:s25] =	ssyncadd.s32 $0xFFFFFFB0  }
0x137: {  	s23 =	simm.s32 $0x0;
	s9 =	sadd.s32 s8, s9;
	s20 =	rddreg [dreg:$0x0]  }
0x138: {  	[tilespmem:s15], [sflag:$0x5] =	stream.indirect.gather [hbm4b:s20+s14], $0x80, s16, s14, $0xb8;
	[tilespmem:$0x1E500] =	vst v63  }
0x139: {  	s10 =	sadd.s32 s22, s26;
	s26 =	simm.s32 $0x5400;
	s9 =	sshrl.u32 s9, $0x3  }
0x13a: {  	[tilespmem:s26], [sflag:$0x5] =	stream.linear.gather [hbm4b:s10+s23], $0x2800, $0x38;
	[tilespmem:$0x1E500] =	vst v63  }
0x13b: {  	s9 =	sadd.s32 s5, s9  }
0x13c: {  	[tilespmem:s17], [sflag:$0x5] =	stream.linear.gather [hbm4b:s9+s23], $0x50, $0x38;
	[tilespmem:$0x1E500] =	vst v63  }
0x13d: {  	_ =	swait.ge [sflag:s28], $0x2800  }
0x13e: {  	[sflag:s28] =	ssyncset.done $0x0  }
0x13f: {  	[sflag:s28] =	ssyncadd.s32 $0xFFFFD800  }
0x140: {  	_ =	swait.ge [sflag:s28], $0x2800  }
0x141: {  	v0 =	vmov s23;
	[sflag:s28] =	ssyncset.done $0x0  }
0x142: {  	v0 =	vand.u32 $0xFFFFFFFE, v0;
	[sflag:s28] =	ssyncadd.s32 $0xFFFFD800  }
0x143: {  	v0 =	vbroadcast v0, $0x0;
	_ =	swait.ge [sflag:s28], $0x50  }
0x144: {  	[sflag:s28] =	ssyncset.done $0x0  }
0x145: {  	s31 =	simm.s32 $0x2C80;
	[sflag:s28] =	ssyncadd.s32 $0xFFFFFFB0  }
0x146: {  	s16 =	simm.s32 $0x7C80;
	v1 =	vld [tilespmem:s31+$0xFFFFFF80]  }
0x147: {  	v2 =	vld [tilespmem:s16+$0xFFFFFF80];
	_ =	sdelay $0x1  }
0x148: {  	v14 =	vld.idx.msk [tilespmem:v0+s21+$0x0], $0xffff;
	_ =	sdelay $0x2  }
0x149: {  	v0 =	vmul.f32 v2, v1;
	_ =	sdelay $0x1  }
0x14a: {  	v0 =	vmul.f32 v0, v14;
	_ =	sdelay $0x1  }
0x14b: {  	s10 =	simm.s32 $0x1;
	[tilespmem:s31+$0xFFFFFF80] =	vst v0;
	v0 =	vld [tilespmem:s31+$0xFFFFFF90]  }
0x14c: {  	v2 =	vmov s10;
	v1 =	vld [tilespmem:s16+$0xFFFFFF90];
	_ =	sdelay $0x3  }
0x14d: {  	v3 =	vld [tilespmem:s16+$0x0]  }
0x14e: {  	v1 =	vmul.f32 v1, v0;
	v0 =	vld.idx.msk [tilespmem:v2+s21+$0x0], $0xffff  }
0x14f: {  	v2 =	vld [tilespmem:s31+$0x0];
	_ =	sdelay $0x1  }
0x150: {  	v1 =	vmul.f32 v1, v14;
	_ =	sdelay $0x1  }
0x151: {  	[tilespmem:s31+$0xFFFFFF90] =	vst v1;
	v1 =	vld [tilespmem:s31+$0xFFFFFFA0]  }
0x152: {  	v4 =	vld [tilespmem:s16+$0xFFFFFFA0];
	v2 =	vmul.f32 v3, v2;
	_ =	sdelay $0x1  }
0x153: {  	s12 =	simm.s32 $0x2;
	v5 =	vld [tilespmem:s31+$0x20];
	v2 =	vmul.f32 v2, v0  }
0x154: {  	v6 =	vmov s12;
	v9 =	vld [tilespmem:s31+$0x40]  }
0x155: {  	v3 =	vld [tilespmem:s31+$0x10];
	[tilespmem:s31+$0x0] =	vst v2;
	v2 =	vand.u32 $0xFFFFFFFE, v6  }
0x156: {  	v1 =	vmul.f32 v4, v1;
	v6 =	vld [tilespmem:s16+$0x10];
	v2 =	vbroadcast v2, $0x0  }
0x157: {  	s9 =	simm.s32 $0x2D80;
	v7 =	vld [tilespmem:s31+$0xFFFFFFB0]  }
0x158: {  	s26 =	simm.s32 $0x7D80;
	v8 =	vld [tilespmem:s9+$0xFFFFFF80];
	v1 =	vmul.f32 v1, v14  }
0x159: {  	v10 =	vld [tilespmem:s26+$0xFFFFFF80]  }
0x15a: {  	s15 =	simm.s32 $0x3;
	v13 =	vld [tilespmem:s31+$0x50];
	[tilespmem:s31+$0xFFFFFFA0] =	vst v1  }
0x15b: {  	v11 =	vmov s15;
	v3 =	vmul.f32 v6, v3;
	v6 =	vld [tilespmem:s16+$0xFFFFFFB0]  }
0x15c: {  	v1 =	vld.idx.msk [tilespmem:v2+s21+$0x0], $0xffff  }
0x15d: {  	v12 =	vld [tilespmem:s31+$0x60]  }
0x15e: {  	v15 =	vld [tilespmem:s31+$0xFFFFFFC0];
	v2 =	vmul.f32 v3, v0  }
0x15f: {  	v3 =	vmul.f32 v10, v8;
	v10 =	vld [tilespmem:s26+$0x0]  }
0x160: {  	[tilespmem:s31+$0x10] =	vst v2;
	v2 =	vld.idx.msk [tilespmem:v11+s21+$0x0], $0xffff;
	v6 =	vmul.f32 v6, v7  }
0x161: {  	v8 =	vld [tilespmem:s16+$0x20];
	v3 =	vmul.f32 v3, v1  }
0x162: {  	v7 =	vld [tilespmem:s9+$0x0];
	v6 =	vmul.f32 v6, v14  }
0x163: {  	v11 =	vld [tilespmem:s9+$0xFFFFFF90];
	[tilespmem:s9+$0xFFFFFF80] =	vst v3  }
0x164: {  	[tilespmem:s31+$0xFFFFFFB0] =	vst v6;
	v6 =	vld [tilespmem:s26+$0xFFFFFF90]  }
0x165: {  	v16 =	vld [tilespmem:s16+$0xFFFFFFC0]  }
0x166: {  	v19 =	vld [tilespmem:s9+$0x40];
	v5 =	vmul.f32 v8, v5  }
0x167: {  	v18 =	vld [tilespmem:s9+$0xFFFFFFB0];
	v7 =	vmul.f32 v10, v7  }
0x168: {  	v20 =	vld [tilespmem:s31+$0xFFFFFFE0];
	v5 =	vmul.f32 v5, v0  }
0x169: {  	v4 =	vld [tilespmem:s31+$0x30];
	v7 =	vmul.f32 v7, v2;
	v6 =	vmul.f32 v6, v11  }
0x16a: {  	v8 =	vld [tilespmem:s9+$0x10];
	[tilespmem:s31+$0x20] =	vst v5;
	v5 =	vmul.f32 v16, v15  }
0x16b: {  	[tilespmem:s9+$0x0] =	vst v7;
	v11 =	vld [tilespmem:s16+$0x30];
	v6 =	vmul.f32 v6, v1  }
0x16c: {  	v7 =	vld [tilespmem:s26+$0x10];
	v5 =	vmul.f32 v5, v14  }
0x16d: {  	[tilespmem:s9+$0xFFFFFF90] =	vst v6;
	v6 =	vld [tilespmem:s9+$0xFFFFFFA0]  }
0x16e: {  	[tilespmem:s31+$0xFFFFFFC0] =	vst v5;
	v5 =	vld [tilespmem:s26+$0xFFFFFFA0]  }
0x16f: {  	v15 =	vld [tilespmem:s31+$0xFFFFFFD0]  }
0x170: {  	v17 =	vld [tilespmem:s16+$0xFFFFFFD0]  }
0x171: {  	s12 =	simm.s32 $0x2E80;
	v60 =	vld [tilespmem:s31+$0xFFFFFFF0]  }
0x172: {  	v61 =	vld [tilespmem:s12+$0xFFFFFF90];
	v4 =	vmul.f32 v11, v4  }
0x173: {  	v3 =	vld [tilespmem:s31+$0x70];
	v5 =	vmul.f32 v5, v6  }
0x174: {  	v10 =	vld [tilespmem:s9+$0x20];
	v7 =	vmul.f32 v7, v8;
	v4 =	vmul.f32 v4, v0  }
0x175: {  	v16 =	vld [tilespmem:s9+$0x30];
	v6 =	vmul.f32 v17, v15;
	v5 =	vmul.f32 v5, v1  }
0x176: {  	s23 =	simm.s32 $0x4;
	v8 =	vld [tilespmem:s9+$0x50];
	v11 =	vmul.f32 v7, v2;
	[tilespmem:s31+$0x30] =	vst v4  }
0x177: {  	s20 =	simm.s32 $0x5;
	v7 =	vld [tilespmem:s9+$0x60];
	v6 =	vmul.f32 v6, v14;
	[tilespmem:s9+$0xFFFFFFA0] =	vst v5;
	v5 =	vmov s23  }
0x178: {  	[tilespmem:s9+$0x10] =	vst v11;
	v11 =	vmov s20;
	v15 =	vld [tilespmem:s16+$0x40];
	v5 =	vand.u32 $0xFFFFFFFE, v5  }
0x179: {  	[tilespmem:s31+$0xFFFFFFD0] =	vst v6;
	v6 =	vld [tilespmem:s26+$0xFFFFFFB0];
	v21 =	vbroadcast v5, $0x0  }
0x17a: {  	v17 =	vld [tilespmem:s26+$0x20]  }
0x17b: {  	s23 =	simm.s32 $0x7E80;
	v22 =	vld [tilespmem:s16+$0xFFFFFFE0]  }
0x17c: {  	v23 =	vld [tilespmem:s23+$0xFFFFFF80]  }
0x17d: {  	v5 =	vld.idx.msk [tilespmem:v11+s21+$0x0], $0xffff;
	v9 =	vmul.f32 v15, v9  }
0x17e: {  	v11 =	vld [tilespmem:s12+$0xFFFFFF80];
	v18 =	vmul.f32 v6, v18  }
0x17f: {  	v9 =	vmul.f32 v9, v0;
	v6 =	vld.idx.msk [tilespmem:v21+s21+$0x0], $0xffff  }
0x180: {  	v15 =	vmul.f32 v18, v1;
	v18 =	vmul.f32 v22, v20;
	v20 =	vld [tilespmem:s12+$0x0]  }
0x181: {  	[tilespmem:s31+$0x40] =	vst v9;
	v21 =	vld [tilespmem:s23+$0x0]  }
0x182: {  	v22 =	vld [tilespmem:s16+$0x50]  }
0x183: {  	v11 =	vmul.f32 v23, v11;
	[tilespmem:s9+$0xFFFFFFB0] =	vst v15;
	v15 =	vmul.f32 v18, v14;
	v18 =	vld [tilespmem:s9+$0xFFFFFFC0]  }
0x184: {  	v10 =	vmul.f32 v17, v10;
	v9 =	vld [tilespmem:s26+$0xFFFFFFC0]  }
0x185: {  	v4 =	vld [tilespmem:s9+$0x70];
	v11 =	vmul.f32 v11, v6  }
0x186: {  	v17 =	vld [tilespmem:s12+$0x10];
	v10 =	vmul.f32 v10, v2;
	[tilespmem:s31+$0xFFFFFFE0] =	vst v15  }
0x187: {  	v15 =	vld [tilespmem:s12+$0x20];
	[tilespmem:s12+$0xFFFFFF80] =	vst v11;
	v11 =	vmul.f32 v21, v20  }
0x188: {  	[tilespmem:s9+$0x20] =	vst v10;
	v10 =	vmul.f32 v22, v13;
	v20 =	vld [tilespmem:s23+$0xFFFFFF90]  }
0x189: {  	v23 =	vld [tilespmem:s16+$0xFFFFFFF0];
	v9 =	vmul.f32 v9, v18;
	v18 =	vmul.f32 v11, v5  }
0x18a: {  	v21 =	vld [tilespmem:s26+$0x30]  }
0x18b: {  	v13 =	vmul.f32 v10, v0;
	v10 =	vld [tilespmem:s12+$0x40];
	v9 =	vmul.f32 v9, v1;
	[tilespmem:s12+$0x0] =	vst v18  }
0x18c: {  	v18 =	vld [tilespmem:s23+$0x10]  }
0x18d: {  	[tilespmem:s9+$0xFFFFFFC0] =	vst v9;
	v9 =	vmul.f32 v20, v61;
	v20 =	vld [tilespmem:s9+$0xFFFFFFD0]  }
0x18e: {  	v22 =	vld [tilespmem:s26+$0xFFFFFFD0]  }
0x18f: {  	v11 =	vld [tilespmem:s12+$0x30];
	[tilespmem:s31+$0x50] =	vst v13;
	v16 =	vmul.f32 v21, v16  }
0x190: {  	v21 =	vld [tilespmem:s16+$0x60];
	v9 =	vmul.f32 v9, v6  }
0x191: {  	v13 =	vld [tilespmem:s12+$0x50];
	v16 =	vmul.f32 v16, v2  }
0x192: {  	[tilespmem:s12+$0xFFFFFF90] =	vst v9;
	v9 =	vmul.f32 v18, v17;
	v17 =	vld [tilespmem:s12+$0xFFFFFFA0]  }
0x193: {  	[tilespmem:s9+$0x30] =	vst v16;
	v18 =	vmul.f32 v22, v20;
	v22 =	vld [tilespmem:s23+$0xFFFFFFA0]  }
0x194: {  	s15 =	simm.s32 $0x7;
	v16 =	vmul.f32 v23, v60;
	v23 =	vld [tilespmem:s26+$0x40];
	v20 =	vmul.f32 v9, v5  }
0x195: {  	v62 =	vmov s15;
	v21 =	vmul.f32 v21, v12;
	v12 =	vld [tilespmem:s12+$0x70]  }
0x196: {  	v14 =	vmul.f32 v16, v14;
	v16 =	vld [tilespmem:s9+$0xFFFFFFE0];
	v18 =	vmul.f32 v18, v1;
	[tilespmem:s12+$0x10] =	vst v20  }
0x197: {  	v20 =	vld [tilespmem:s23+$0x20]  }
0x198: {  	v9 =	vld [tilespmem:s12+$0x60];
	v63 =	vmul.f32 v21, v0;
	[tilespmem:s9+$0xFFFFFFD0] =	vst v18;
	v22 =	vmul.f32 v22, v17  }
0x199: {  	s20 =	simm.s32 $0x6;
	[tilespmem:s31+$0xFFFFFFF0] =	vst v14;
	v19 =	vmul.f32 v23, v19;
	v18 =	vld [tilespmem:s26+$0xFFFFFFE0]  }
0x19a: {  	s3 =	simm.s32 $0x400;
	s10 =	simm.s32 $0x2E80;
	v14 =	vld.idx.msk [tilespmem:v62+s21+$0x0], $0xffff;
	[tilespmem:s31+$0x60] =	vst v63;
	v17 =	vmov s20;
	s20 =	simm.s32 $0x8;
	v21 =	vmul.f32 v22, v6  }
.LBB2_5:
0x19b: {  	p1 =	slt.u32 s20, $0x4E;
	v17 =	vand.u32 $0xFFFFFFFE, v17;
	v19 =	vmul.f32 v19, v2;
	v22 =	vld [tilespmem:s16+$0x70];
	s16 =	smov.u32 s26;
	s26 =	smov.u32 s23  }
0x19c: {  	v17 =	vbroadcast v17, $0x0;
	[tilespmem:s12+$0xFFFFFFA0] =	vst v21;
	v21 =	vld [tilespmem:s12+$0xFFFFFFB0];
	v15 =	vmul.f32 v20, v15  }
0x19d: {  	v20 =	vld [tilespmem:s23+$0xFFFFFFB0];
	[tilespmem:s9+$0x40] =	vst v19  }
0x19e: {  	v15 =	vmul.f32 v15, v5;
	v16 =	vmul.f32 v18, v16;
	v18 =	vld [tilespmem:s16+$0x50]  }
0x19f: {  	s12 =	sadd.s32 $0x100, s12;
	v19 =	vld [tilespmem:s9+$0xFFFFFFF0]  }
0x1a0: {  	s23 =	sadd.s32 $0x100, s23;
	v23 =	vld [tilespmem:s12+$0xFFFFFF80];
	[tilespmem:s10+$0x20] =	vst v15;
	v15 =	vmul.f32 v16, v1;
	v16 =	vmul.f32 v22, v3;
	v3 =	vmovc v4;
	v4 =	vmov v12  }
0x1a1: {  	v12 =	vld [tilespmem:s23+$0xFFFFFF80]  }
0x1a2: {  	v17 =	vld.idx.msk [tilespmem:v17+s21+$0x0], $0xffff;
	v20 =	vmul.f32 v20, v21;
	[tilespmem:s9+$0xFFFFFFE0] =	vst v15;
	v15 =	vmul.f32 v16, v0;
	v0 =	vmov v2  }
0x1a3: {  	v2 =	vmovc v5;
	v5 =	vmov v14;
	v16 =	vld [tilespmem:s16+$0xFFFFFFF0];
	v18 =	vmul.f32 v18, v8;
	v8 =	vmov v13  }
0x1a4: {  	v13 =	vld [tilespmem:s12+$0x0];
	v14 =	vmul.f32 v20, v6;
	[tilespmem:s31+$0x70] =	vst v15;
	s31 =	smov.u32 s9;
	s9 =	smov.u32 s10;
	s10 =	smov.u32 s12  }
0x1a5: {  	v20 =	vld [tilespmem:s23+$0x0];
	v15 =	vmul.f32 v18, v0  }
0x1a6: {  	v12 =	vmul.f32 v12, v23;
	[tilespmem:s9+$0xFFFFFFB0] =	vst v14;
	v14 =	vld [tilespmem:s9+$0xFFFFFFC0]  }
0x1a7: {  	v18 =	vld [tilespmem:s26+$0xFFFFFFC0];
	[tilespmem:s31+$0x50] =	vst v15  }
0x1a8: {  	v12 =	vmul.f32 v12, v17;
	v21 =	vld [tilespmem:s12+$0x10];
	v16 =	vmul.f32 v16, v19  }
0x1a9: {  	v15 =	vld [tilespmem:s12+$0x20]  }
0x1aa: {  	[tilespmem:s12+$0xFFFFFF80] =	vst v12;
	v12 =	vld [tilespmem:s12+$0xFFFFFF90];
	v13 =	vmul.f32 v20, v13;
	v16 =	vmul.f32 v16, v1;
	v1 =	vmovc v6;
	v6 =	vmov v17  }
0x1ab: {  	v17 =	vld [tilespmem:s23+$0xFFFFFF90]  }
0x1ac: {  	v13 =	vmul.f32 v13, v5;
	v14 =	vmul.f32 v18, v14;
	v18 =	vld [tilespmem:s26+$0x30];
	[tilespmem:s31+$0xFFFFFFF0] =	vst v16  }
0x1ad: {  	v16 =	vld [tilespmem:s12+$0x30]  }
0x1ae: {  	[tilespmem:s12+$0x0] =	vst v13;
	v22 =	vld [tilespmem:s12+$0x40];
	v13 =	vmul.f32 v14, v1  }
0x1af: {  	v14 =	vld [tilespmem:s23+$0x10]  }
0x1b0: {  	v12 =	vmul.f32 v17, v12;
	[tilespmem:s9+$0xFFFFFFC0] =	vst v13;
	v17 =	vld [tilespmem:s9+$0xFFFFFFD0]  }
0x1b1: {  	v19 =	vld [tilespmem:s26+$0xFFFFFFD0];
	v18 =	vmul.f32 v18, v11  }
0x1b2: {  	v12 =	vmul.f32 v12, v6;
	v13 =	vld [tilespmem:s12+$0x50];
	v11 =	vmov v16  }
0x1b3: {  	v16 =	vmul.f32 v18, v2;
	v18 =	vld [tilespmem:s16+$0x60]  }
0x1b4: {  	[tilespmem:s12+$0xFFFFFF90] =	vst v12;
	v23 =	vld [tilespmem:s12+$0xFFFFFFA0];
	v12 =	vmul.f32 v14, v21  }
0x1b5: {  	v14 =	vld [tilespmem:s23+$0xFFFFFFA0];
	[tilespmem:s9+$0x30] =	vst v16  }
0x1b6: {  	s15 =	sadd.s32 $0x1, s20;
	v12 =	vmul.f32 v12, v5;
	v16 =	vmul.f32 v19, v17;
	v17 =	vld [tilespmem:s26+$0x40]  }
0x1b7: {  	v21 =	vmov s15;
	v24 =	vld [tilespmem:s12+$0x60]  }
.Ltmp3:
0x1b8: {  	[tilespmem:s12+$0x10] =	vst v12;
	v12 =	vld [tilespmem:s12+$0x70];
	v16 =	vmul.f32 v16, v1;
	v18 =	vmul.f32 v18, v7;
	v7 =	vmov v9;
	(pc) =	sbr.rel @p1 .LBB2_5-.Ltmp3, $4  }
0x1b9: {  	v20 =	vld [tilespmem:s23+$0x20]  }
0x1ba: {  	v25 =	vmul.f32 v14, v23;
	[tilespmem:s9+$0xFFFFFFD0] =	vst v16;
	v16 =	vld [tilespmem:s9+$0xFFFFFFE0];
	v23 =	vmul.f32 v18, v0  }
0x1bb: {  	v18 =	vld [tilespmem:s26+$0xFFFFFFE0];
	v19 =	vmul.f32 v17, v10;
	v10 =	vmov v22  }
0x1bc: {  	v17 =	vmov s20;
	s20 =	sadd.s32 $0x2, s20;
	v14 =	vld.idx.msk [tilespmem:v21+s21+$0x0], $0xffff;
	v21 =	vmul.f32 v25, v6;
	[tilespmem:s31+$0x60] =	vst v23;
	v9 =	vmov v24  }
0x1bd: {  	v17 =	vand.u32 $0xFFFFFFFE, v17  }
0x1be: {  	v17 =	vbroadcast v17, $0x0  }
0x1bf: {  	s20 =	sadd.s32 $0x100, s12  }
0x1c0: {  	s15 =	sadd.s32 $0x100, s23;
	v22 =	vld [tilespmem:s20+$0xFFFFFF80]  }
0x1c1: {  	v23 =	vld [tilespmem:s15+$0xFFFFFF80]  }
0x1c2: {  	v24 =	vld [tilespmem:s20+$0x0]  }
0x1c3: {  	v25 =	vld [tilespmem:s15+$0x0]  }
0x1c4: {  	v17 =	vld.idx.msk [tilespmem:v17+s21+$0x0], $0xffff;
	_ =	sdelay $0x2  }
0x1c5: {  	v22 =	vmul.f32 v23, v22  }
0x1c6: {  	v23 =	vmul.f32 v25, v24  }
0x1c7: {  	v22 =	vmul.f32 v22, v17  }
0x1c8: {  	v55 =	vld [tilespmem:s20+$0x10];
	v23 =	vmul.f32 v23, v14  }
0x1c9: {  	[tilespmem:s20+$0xFFFFFF80] =	vst v22;
	v22 =	vld [tilespmem:s20+$0xFFFFFF90]  }
0x1ca: {  	[tilespmem:s20+$0x0] =	vst v23;
	v56 =	vld [tilespmem:s15+$0xFFFFFF90]  }
0x1cb: {  	v23 =	vld [tilespmem:s15+$0x10];
	_ =	sdelay $0x3  }
0x1cc: {  	v22 =	vmul.f32 v56, v22  }
0x1cd: {  	v23 =	vmul.f32 v23, v55  }
0x1ce: {  	v22 =	vmul.f32 v22, v17  }
0x1cf: {  	v57 =	vld [tilespmem:s20+$0x20];
	v23 =	vmul.f32 v23, v14  }
0x1d0: {  	[tilespmem:s20+$0xFFFFFF90] =	vst v22;
	v22 =	vld [tilespmem:s20+$0xFFFFFFA0]  }
0x1d1: {  	[tilespmem:s20+$0x10] =	vst v23;
	v58 =	vld [tilespmem:s15+$0xFFFFFFA0]  }
0x1d2: {  	v23 =	vld [tilespmem:s15+$0x20]  }
0x1d3: {  	v15 =	vmul.f32 v20, v15  }
0x1d4: {  	[tilespmem:s12+$0xFFFFFFA0] =	vst v21;
	v20 =	vld [tilespmem:s12+$0xFFFFFFB0]  }
0x1d5: {  	v21 =	vld [tilespmem:s23+$0xFFFFFFB0];
	v15 =	vmul.f32 v15, v5  }
0x1d6: {  	v22 =	vmul.f32 v58, v22  }
0x1d7: {  	[tilespmem:s10+$0x20] =	vst v15;
	v15 =	vmul.f32 v23, v57  }
0x1d8: {  	v59 =	vld [tilespmem:s20+$0x30];
	v22 =	vmul.f32 v22, v17  }
0x1d9: {  	v23 =	vld [tilespmem:s23+$0x30];
	v15 =	vmul.f32 v15, v14  }
0x1da: {  	v20 =	vmul.f32 v21, v20;
	v21 =	vld [tilespmem:s20+$0xFFFFFFB0];
	[tilespmem:s20+$0xFFFFFFA0] =	vst v22  }
0x1db: {  	[tilespmem:s20+$0x20] =	vst v15;
	v22 =	vld [tilespmem:s15+$0xFFFFFFB0]  }
0x1dc: {  	v15 =	vmul.f32 v20, v6;
	v20 =	vld [tilespmem:s15+$0x30];
	_ =	sdelay $0x1  }
0x1dd: {  	v11 =	vmul.f32 v23, v11  }
0x1de: {  	[tilespmem:s10+$0xFFFFFFB0] =	vst v15;
	v15 =	vld [tilespmem:s10+$0xFFFFFFC0]  }
0x1df: {  	v23 =	vld [tilespmem:s23+$0xFFFFFFC0];
	v11 =	vmul.f32 v11, v5;
	v21 =	vmul.f32 v22, v21  }
0x1e0: {  	v20 =	vmul.f32 v20, v59  }
0x1e1: {  	[tilespmem:s10+$0x30] =	vst v11;
	v22 =	vld [tilespmem:s20+$0x40];
	v11 =	vmul.f32 v21, v17  }
0x1e2: {  	v20 =	vmul.f32 v20, v14;
	v21 =	vld [tilespmem:s23+$0x40]  }
0x1e3: {  	[tilespmem:s20+$0xFFFFFFB0] =	vst v11;
	v11 =	vld [tilespmem:s20+$0xFFFFFFC0]  }
0x1e4: {  	v15 =	vmul.f32 v23, v15;
	[tilespmem:s20+$0x30] =	vst v20;
	v23 =	vld [tilespmem:s15+$0xFFFFFFC0]  }
0x1e5: {  	v19 =	vmul.f32 v19, v2;
	v20 =	vld [tilespmem:s15+$0x40];
	_ =	sdelay $0x1  }
0x1e6: {  	[tilespmem:s9+$0x40] =	vst v19;
	v15 =	vmul.f32 v15, v6;
	v10 =	vmul.f32 v21, v10  }
0x1e7: {  	v19 =	vld [tilespmem:s26+$0x50]  }
0x1e8: {  	[tilespmem:s10+$0xFFFFFFC0] =	vst v15;
	v15 =	vld [tilespmem:s10+$0xFFFFFFD0];
	v10 =	vmul.f32 v10, v5;
	v11 =	vmul.f32 v23, v11  }
0x1e9: {  	v20 =	vmul.f32 v20, v22;
	v21 =	vld [tilespmem:s23+$0xFFFFFFD0]  }
0x1ea: {  	v22 =	vld [tilespmem:s20+$0x50];
	[tilespmem:s10+$0x40] =	vst v10;
	v10 =	vmul.f32 v11, v17  }
0x1eb: {  	v20 =	vmul.f32 v20, v14;
	v11 =	vld [tilespmem:s23+$0x50]  }
0x1ec: {  	v8 =	vmul.f32 v19, v8;
	[tilespmem:s20+$0xFFFFFFC0] =	vst v10;
	v10 =	vld [tilespmem:s20+$0xFFFFFFD0]  }
0x1ed: {  	[tilespmem:s20+$0x40] =	vst v20;
	v19 =	vld [tilespmem:s15+$0xFFFFFFD0]  }
0x1ee: {  	v8 =	vmul.f32 v8, v2;
	v20 =	vld [tilespmem:s15+$0x50];
	v15 =	vmul.f32 v21, v15;
	_ =	sdelay $0x1  }
0x1ef: {  	[tilespmem:s9+$0x50] =	vst v8;
	v21 =	vld [tilespmem:s9+$0xFFFFFFF0];
	v8 =	vmul.f32 v15, v6;
	v11 =	vmul.f32 v11, v13  }
0x1f0: {  	v13 =	vld [tilespmem:s26+$0x60]  }
0x1f1: {  	v15 =	vld [tilespmem:s20+$0x60];
	[tilespmem:s10+$0xFFFFFFD0] =	vst v8;
	v8 =	vmul.f32 v11, v5;
	v10 =	vmul.f32 v19, v10  }
0x1f2: {  	v11 =	vld [tilespmem:s10+$0xFFFFFFE0];
	v19 =	vmul.f32 v20, v22  }
0x1f3: {  	v20 =	vld [tilespmem:s23+$0xFFFFFFE0];
	[tilespmem:s10+$0x50] =	vst v8;
	v8 =	vmul.f32 v10, v17  }
0x1f4: {  	v10 =	vmul.f32 v18, v16;
	v16 =	vld [tilespmem:s23+$0x60];
	v18 =	vmul.f32 v19, v14  }
0x1f5: {  	v7 =	vmul.f32 v13, v7;
	[tilespmem:s20+$0xFFFFFFD0] =	vst v8;
	v8 =	vld [tilespmem:s20+$0xFFFFFFE0]  }
0x1f6: {  	v10 =	vmul.f32 v10, v1;
	[tilespmem:s20+$0x50] =	vst v18;
	v19 =	vld [tilespmem:s15+$0xFFFFFFE0]  }
0x1f7: {  	v7 =	vmul.f32 v7, v2;
	v13 =	vld [tilespmem:s15+$0x60]  }
0x1f8: {  	v18 =	vld [tilespmem:s16+$0x70];
	[tilespmem:s9+$0xFFFFFFE0] =	vst v10;
	v10 =	vmul.f32 v20, v11  }
0x1f9: {  	[tilespmem:s9+$0x60] =	vst v7;
	v7 =	vld [tilespmem:s10+$0xFFFFFFF0]  }
0x1fa: {  	v11 =	vld [tilespmem:s26+$0xFFFFFFF0];
	v9 =	vmul.f32 v16, v9;
	v10 =	vmul.f32 v10, v6  }
0x1fb: {  	v16 =	vld [tilespmem:s20+$0x70];
	v8 =	vmul.f32 v19, v8  }
0x1fc: {  	v9 =	vmul.f32 v9, v5;
	v19 =	vld [tilespmem:s26+$0x70];
	[tilespmem:s10+$0xFFFFFFE0] =	vst v10;
	v10 =	vmul.f32 v13, v15  }
0x1fd: {  	v15 =	vld [tilespmem:s20+$0xFFFFFFF0];
	v8 =	vmul.f32 v8, v17  }
0x1fe: {  	v13 =	vld [tilespmem:s23+$0xFFFFFFF0];
	[tilespmem:s10+$0x60] =	vst v9;
	v10 =	vmul.f32 v10, v14  }
0x1ff: {  	v9 =	vld [tilespmem:s23+$0x70];
	[tilespmem:s20+$0xFFFFFFE0] =	vst v8  }
0x200: {  	v3 =	vmul.f32 v18, v3;
	[tilespmem:s20+$0x60] =	vst v10;
	v8 =	vld [tilespmem:s15+$0xFFFFFFF0]  }
0x201: {  	v10 =	vmul.f32 v11, v21;
	v11 =	vld [tilespmem:s15+$0x70]  }
0x202: {  	v0 =	vmul.f32 v3, v0;
	v3 =	vmul.f32 v19, v4  }
0x203: {  	v1 =	vmul.f32 v10, v1;
	v4 =	vmul.f32 v13, v7  }
0x204: {  	[tilespmem:s31+$0x70] =	vst v0;
	v0 =	vmul.f32 v3, v2;
	v2 =	vmul.f32 v9, v12  }
0x205: {  	[tilespmem:s9+$0xFFFFFFF0] =	vst v1;
	v1 =	vmul.f32 v4, v6;
	v3 =	vmul.f32 v8, v15  }
0x206: {  	[tilespmem:s9+$0x70] =	vst v0;
	v0 =	vmul.f32 v2, v5;
	v2 =	vmul.f32 v11, v16  }
0x207: {  	[tilespmem:s10+$0xFFFFFFF0] =	vst v1;
	v1 =	vmul.f32 v3, v17  }
0x208: {  	[tilespmem:s10+$0x70] =	vst v0;
	v0 =	vmul.f32 v2, v14  }
0x209: {  	s31 =	sadd.s32 $0x5, s2;
	[tilespmem:s20+$0xFFFFFFF0] =	vst v1  }
0x20a: {  	s23 =	simm.s32 $0x280;
	s9 =	smul.u32 @!p0 $0x50, s31;
	[tilespmem:s20+$0x70] =	vst v0  }
0x20b: {  	[spmem:s1] =	stream.indirect.scatter.add.f32 [tilespmem:s19], [sflag:$0x7], $0x80, s23, s14, $0xb8;
	[tilespmem:$0x1E500] =	vst v63  }
0x20c: {  	s9 =	sadd.s32 @!p0 s8, s9;
	_ =	swait.ge [sflag:s29], $0x2800  }
0x20d: {  	s12 =	simm.s32 @!p0 $0x0;
	s9 =	sshrl.u32 @!p0 s9, $0x3;
	[sflag:s29] =	ssyncset.done $0x0  }
0x20e: {  	s15 =	simm.s32 @!p0 $0x80;
	s10 =	sadd.s32 @!p0 s6, s9;
	[sflag:s29] =	ssyncadd.s32 $0xFFFFD800  }
0x20f: {  	[tilespmem:s15], [sflag:$0x2] =	stream.linear.gather @!p0 [hbm4b:s10+s12], $0x50, $0x38;
	[tilespmem:$0x1E500] =	vst v63  }
0x210: {  	s9 =	sadd.s32 @!p0 s7, s9;
	s10 =	simm.s32 @!p0 $0x280  }
0x211: {  	[tilespmem:s10], [sflag:$0x2] =	stream.linear.gather @!p0 [hbm4b:s9+s12], $0x50, $0x38;
	[tilespmem:$0x1E500] =	vst v63  }
0x212: {  	_ =	swait.ge [sflag:s11], $0x50  }
0x213: {  	[sflag:s11] =	ssyncset.done $0x0  }
0x214: {  	s26 =	sor.u32 $0x3, s2;
	[sflag:s11] =	ssyncadd.s32 $0xFFFFFFB0  }
0x215: {  	s2 =	smul.u32 $0x50, s26;
	_ =	swait.ge [sflag:s11], $0x50  }
0x216: {  	[sflag:s11] =	ssyncset.done $0x0  }
0x217: {  	s16 =	simm.s32 $0x180;
	s2 =	sadd.s32 s8, s2;
	[sflag:s11] =	ssyncadd.s32 $0xFFFFFFB0  }
0x218: {  	s2 =	sshrl.u32 s2, $0x3;
	s15 =	smul.u32 $0x500, s26;
	s20 =	rddreg [dreg:$0x0]  }
0x219: {  	[tilespmem:s19], [sflag:$0x6] =	stream.indirect.gather [hbm4b:s20+s14], $0x80, s16, s14, $0xb8;
	[tilespmem:$0x1E500] =	vst v63  }
0x21a: {  	s23 =	simm.s32 $0x0;
	s26 =	simm.s32 $0x7C00;
	s9 =	sadd.s32 s22, s15  }
0x21b: {  	[tilespmem:s26], [sflag:$0x6] =	stream.linear.gather [hbm4b:s9+s23], $0x2800, $0x38;
	[tilespmem:$0x1E500] =	vst v63  }
0x21c: {  	s2 =	sadd.s32 s5, s2  }
0x21d: {  	[tilespmem:s21], [sflag:$0x6] =	stream.linear.gather [hbm4b:s2+s23], $0x50, $0x38;
	[tilespmem:$0x1E500] =	vst v63  }
0x21e: {  	_ =	swait.ge [sflag:s24], $0x2800  }
0x21f: {  	[sflag:s24] =	ssyncset.done $0x0  }
0x220: {  	[sflag:s24] =	ssyncadd.s32 $0xFFFFD800  }
0x221: {  	_ =	swait.ge [sflag:s24], $0x2800  }
0x222: {  	v0 =	vmov s23;
	[sflag:s24] =	ssyncset.done $0x0  }
0x223: {  	v0 =	vand.u32 $0xFFFFFFFE, v0;
	[sflag:s24] =	ssyncadd.s32 $0xFFFFD800  }
0x224: {  	v0 =	vbroadcast v0, $0x0;
	_ =	swait.ge [sflag:s24], $0x50  }
0x225: {  	[sflag:s24] =	ssyncset.done $0x0  }
0x226: {  	s2 =	simm.s32 $0x480;
	[sflag:s24] =	ssyncadd.s32 $0xFFFFFFB0  }
0x227: {  	s16 =	simm.s32 $0x5480;
	v1 =	vld [tilespmem:s2+$0xFFFFFF80]  }
0x228: {  	v2 =	vld [tilespmem:s16+$0xFFFFFF80];
	_ =	sdelay $0x1  }
0x229: {  	v14 =	vld.idx.msk [tilespmem:v0+s17+$0x0], $0xffff;
	_ =	sdelay $0x2  }
0x22a: {  	v0 =	vmul.f32 v2, v1;
	_ =	sdelay $0x1  }
0x22b: {  	v0 =	vmul.f32 v0, v14;
	_ =	sdelay $0x1  }
0x22c: {  	s10 =	simm.s32 $0x1;
	[tilespmem:s2+$0xFFFFFF80] =	vst v0;
	v0 =	vld [tilespmem:s2+$0xFFFFFF90]  }
0x22d: {  	v2 =	vmov s10;
	v1 =	vld [tilespmem:s16+$0xFFFFFF90];
	_ =	sdelay $0x3  }
0x22e: {  	v3 =	vld [tilespmem:s16+$0x0]  }
0x22f: {  	v1 =	vmul.f32 v1, v0;
	v0 =	vld.idx.msk [tilespmem:v2+s17+$0x0], $0xffff  }
0x230: {  	v2 =	vld [tilespmem:s2+$0x0];
	_ =	sdelay $0x1  }
0x231: {  	v1 =	vmul.f32 v1, v14;
	_ =	sdelay $0x1  }
0x232: {  	[tilespmem:s2+$0xFFFFFF90] =	vst v1;
	v1 =	vld [tilespmem:s2+$0xFFFFFFA0]  }
0x233: {  	v4 =	vld [tilespmem:s16+$0xFFFFFFA0];
	v2 =	vmul.f32 v3, v2;
	_ =	sdelay $0x1  }
0x234: {  	s12 =	simm.s32 $0x2;
	v5 =	vld [tilespmem:s2+$0x20];
	v2 =	vmul.f32 v2, v0  }
0x235: {  	v6 =	vmov s12;
	v9 =	vld [tilespmem:s2+$0x40]  }
0x236: {  	v3 =	vld [tilespmem:s2+$0x10];
	[tilespmem:s2+$0x0] =	vst v2;
	v2 =	vand.u32 $0xFFFFFFFE, v6  }
0x237: {  	v1 =	vmul.f32 v4, v1;
	v6 =	vld [tilespmem:s16+$0x10];
	v2 =	vbroadcast v2, $0x0  }
0x238: {  	s9 =	simm.s32 $0x580;
	v7 =	vld [tilespmem:s2+$0xFFFFFFB0]  }
0x239: {  	s26 =	simm.s32 $0x5580;
	v8 =	vld [tilespmem:s9+$0xFFFFFF80];
	v1 =	vmul.f32 v1, v14  }
0x23a: {  	v10 =	vld [tilespmem:s26+$0xFFFFFF80]  }
0x23b: {  	s15 =	simm.s32 $0x3;
	v13 =	vld [tilespmem:s2+$0x50];
	[tilespmem:s2+$0xFFFFFFA0] =	vst v1  }
0x23c: {  	v11 =	vmov s15;
	v3 =	vmul.f32 v6, v3;
	v6 =	vld [tilespmem:s16+$0xFFFFFFB0]  }
0x23d: {  	v1 =	vld.idx.msk [tilespmem:v2+s17+$0x0], $0xffff  }
0x23e: {  	v12 =	vld [tilespmem:s2+$0x60]  }
0x23f: {  	v15 =	vld [tilespmem:s2+$0xFFFFFFC0];
	v2 =	vmul.f32 v3, v0  }
0x240: {  	v3 =	vmul.f32 v10, v8;
	v10 =	vld [tilespmem:s26+$0x0]  }
0x241: {  	[tilespmem:s2+$0x10] =	vst v2;
	v2 =	vld.idx.msk [tilespmem:v11+s17+$0x0], $0xffff;
	v6 =	vmul.f32 v6, v7  }
0x242: {  	v8 =	vld [tilespmem:s16+$0x20];
	v3 =	vmul.f32 v3, v1  }
0x243: {  	v7 =	vld [tilespmem:s9+$0x0];
	v6 =	vmul.f32 v6, v14  }
0x244: {  	v11 =	vld [tilespmem:s9+$0xFFFFFF90];
	[tilespmem:s9+$0xFFFFFF80] =	vst v3  }
0x245: {  	[tilespmem:s2+$0xFFFFFFB0] =	vst v6;
	v6 =	vld [tilespmem:s26+$0xFFFFFF90]  }
0x246: {  	v16 =	vld [tilespmem:s16+$0xFFFFFFC0]  }
0x247: {  	v19 =	vld [tilespmem:s9+$0x40];
	v5 =	vmul.f32 v8, v5  }
0x248: {  	v18 =	vld [tilespmem:s9+$0xFFFFFFB0];
	v7 =	vmul.f32 v10, v7  }
0x249: {  	v20 =	vld [tilespmem:s2+$0xFFFFFFE0];
	v5 =	vmul.f32 v5, v0  }
0x24a: {  	v4 =	vld [tilespmem:s2+$0x30];
	v7 =	vmul.f32 v7, v2;
	v6 =	vmul.f32 v6, v11  }
0x24b: {  	v8 =	vld [tilespmem:s9+$0x10];
	[tilespmem:s2+$0x20] =	vst v5;
	v5 =	vmul.f32 v16, v15  }
0x24c: {  	[tilespmem:s9+$0x0] =	vst v7;
	v11 =	vld [tilespmem:s16+$0x30];
	v6 =	vmul.f32 v6, v1  }
0x24d: {  	v7 =	vld [tilespmem:s26+$0x10];
	v5 =	vmul.f32 v5, v14  }
0x24e: {  	[tilespmem:s9+$0xFFFFFF90] =	vst v6;
	v6 =	vld [tilespmem:s9+$0xFFFFFFA0]  }
0x24f: {  	[tilespmem:s2+$0xFFFFFFC0] =	vst v5;
	v5 =	vld [tilespmem:s26+$0xFFFFFFA0]  }
0x250: {  	v15 =	vld [tilespmem:s2+$0xFFFFFFD0]  }
0x251: {  	v17 =	vld [tilespmem:s16+$0xFFFFFFD0]  }
0x252: {  	s12 =	simm.s32 $0x680;
	v60 =	vld [tilespmem:s2+$0xFFFFFFF0]  }
0x253: {  	v61 =	vld [tilespmem:s12+$0xFFFFFF90];
	v4 =	vmul.f32 v11, v4  }
0x254: {  	v3 =	vld [tilespmem:s2+$0x70];
	v5 =	vmul.f32 v5, v6  }
0x255: {  	v10 =	vld [tilespmem:s9+$0x20];
	v7 =	vmul.f32 v7, v8;
	v4 =	vmul.f32 v4, v0  }
0x256: {  	v16 =	vld [tilespmem:s9+$0x30];
	v6 =	vmul.f32 v17, v15;
	v5 =	vmul.f32 v5, v1  }
0x257: {  	s23 =	simm.s32 $0x4;
	v8 =	vld [tilespmem:s9+$0x50];
	v11 =	vmul.f32 v7, v2;
	[tilespmem:s2+$0x30] =	vst v4  }
0x258: {  	s20 =	simm.s32 $0x5;
	v7 =	vld [tilespmem:s9+$0x60];
	v6 =	vmul.f32 v6, v14;
	[tilespmem:s9+$0xFFFFFFA0] =	vst v5;
	v5 =	vmov s23  }
0x259: {  	[tilespmem:s9+$0x10] =	vst v11;
	v11 =	vmov s20;
	v15 =	vld [tilespmem:s16+$0x40];
	v5 =	vand.u32 $0xFFFFFFFE, v5  }
0x25a: {  	[tilespmem:s2+$0xFFFFFFD0] =	vst v6;
	v6 =	vld [tilespmem:s26+$0xFFFFFFB0];
	v21 =	vbroadcast v5, $0x0  }
0x25b: {  	v17 =	vld [tilespmem:s26+$0x20]  }
0x25c: {  	s23 =	simm.s32 $0x5680;
	v22 =	vld [tilespmem:s16+$0xFFFFFFE0]  }
0x25d: {  	v23 =	vld [tilespmem:s23+$0xFFFFFF80]  }
0x25e: {  	v5 =	vld.idx.msk [tilespmem:v11+s17+$0x0], $0xffff;
	v9 =	vmul.f32 v15, v9  }
0x25f: {  	v11 =	vld [tilespmem:s12+$0xFFFFFF80];
	v18 =	vmul.f32 v6, v18  }
0x260: {  	v9 =	vmul.f32 v9, v0;
	v6 =	vld.idx.msk [tilespmem:v21+s17+$0x0], $0xffff  }
0x261: {  	v15 =	vmul.f32 v18, v1;
	v18 =	vmul.f32 v22, v20;
	v20 =	vld [tilespmem:s12+$0x0]  }
0x262: {  	[tilespmem:s2+$0x40] =	vst v9;
	v21 =	vld [tilespmem:s23+$0x0]  }
0x263: {  	v22 =	vld [tilespmem:s16+$0x50]  }
0x264: {  	v11 =	vmul.f32 v23, v11;
	[tilespmem:s9+$0xFFFFFFB0] =	vst v15;
	v15 =	vmul.f32 v18, v14;
	v18 =	vld [tilespmem:s9+$0xFFFFFFC0]  }
0x265: {  	v10 =	vmul.f32 v17, v10;
	v9 =	vld [tilespmem:s26+$0xFFFFFFC0]  }
0x266: {  	v4 =	vld [tilespmem:s9+$0x70];
	v11 =	vmul.f32 v11, v6  }
0x267: {  	v17 =	vld [tilespmem:s12+$0x10];
	v10 =	vmul.f32 v10, v2;
	[tilespmem:s2+$0xFFFFFFE0] =	vst v15  }
0x268: {  	v15 =	vld [tilespmem:s12+$0x20];
	[tilespmem:s12+$0xFFFFFF80] =	vst v11;
	v11 =	vmul.f32 v21, v20  }
0x269: {  	[tilespmem:s9+$0x20] =	vst v10;
	v10 =	vmul.f32 v22, v13;
	v20 =	vld [tilespmem:s23+$0xFFFFFF90]  }
0x26a: {  	v23 =	vld [tilespmem:s16+$0xFFFFFFF0];
	v9 =	vmul.f32 v9, v18;
	v18 =	vmul.f32 v11, v5  }
0x26b: {  	v21 =	vld [tilespmem:s26+$0x30]  }
0x26c: {  	v13 =	vmul.f32 v10, v0;
	v10 =	vld [tilespmem:s12+$0x40];
	v9 =	vmul.f32 v9, v1;
	[tilespmem:s12+$0x0] =	vst v18  }
0x26d: {  	v18 =	vld [tilespmem:s23+$0x10]  }
0x26e: {  	[tilespmem:s9+$0xFFFFFFC0] =	vst v9;
	v9 =	vmul.f32 v20, v61;
	v20 =	vld [tilespmem:s9+$0xFFFFFFD0]  }
0x26f: {  	v22 =	vld [tilespmem:s26+$0xFFFFFFD0]  }
0x270: {  	v11 =	vld [tilespmem:s12+$0x30];
	[tilespmem:s2+$0x50] =	vst v13;
	v16 =	vmul.f32 v21, v16  }
0x271: {  	v21 =	vld [tilespmem:s16+$0x60];
	v9 =	vmul.f32 v9, v6  }
0x272: {  	v13 =	vld [tilespmem:s12+$0x50];
	v16 =	vmul.f32 v16, v2  }
0x273: {  	[tilespmem:s12+$0xFFFFFF90] =	vst v9;
	v9 =	vmul.f32 v18, v17;
	v17 =	vld [tilespmem:s12+$0xFFFFFFA0]  }
0x274: {  	[tilespmem:s9+$0x30] =	vst v16;
	v18 =	vmul.f32 v22, v20;
	v22 =	vld [tilespmem:s23+$0xFFFFFFA0]  }
0x275: {  	s15 =	simm.s32 $0x7;
	v16 =	vmul.f32 v23, v60;
	v23 =	vld [tilespmem:s26+$0x40];
	v20 =	vmul.f32 v9, v5  }
0x276: {  	v62 =	vmov s15;
	v21 =	vmul.f32 v21, v12;
	v12 =	vld [tilespmem:s12+$0x70]  }
0x277: {  	v14 =	vmul.f32 v16, v14;
	v16 =	vld [tilespmem:s9+$0xFFFFFFE0];
	v18 =	vmul.f32 v18, v1;
	[tilespmem:s12+$0x10] =	vst v20  }
0x278: {  	v20 =	vld [tilespmem:s23+$0x20]  }
0x279: {  	v9 =	vld [tilespmem:s12+$0x60];
	v63 =	vmul.f32 v21, v0;
	[tilespmem:s9+$0xFFFFFFD0] =	vst v18;
	v22 =	vmul.f32 v22, v17  }
0x27a: {  	s20 =	simm.s32 $0x6;
	[tilespmem:s2+$0xFFFFFFF0] =	vst v14;
	v19 =	vmul.f32 v23, v19;
	v18 =	vld [tilespmem:s26+$0xFFFFFFE0]  }
0x27b: {  	s10 =	simm.s32 $0x680;
	v14 =	vld.idx.msk [tilespmem:v62+s17+$0x0], $0xffff;
	[tilespmem:s2+$0x60] =	vst v63;
	v17 =	vmov s20;
	s20 =	simm.s32 $0x8;
	v21 =	vmul.f32 v22, v6  }
.LBB2_7:
0x27c: {  	p1 =	slt.u32 s20, $0x4E;
	v17 =	vand.u32 $0xFFFFFFFE, v17;
	v19 =	vmul.f32 v19, v2;
	v22 =	vld [tilespmem:s16+$0x70];
	s16 =	smov.u32 s26;
	s26 =	smov.u32 s23  }
0x27d: {  	v17 =	vbroadcast v17, $0x0;
	[tilespmem:s12+$0xFFFFFFA0] =	vst v21;
	v21 =	vld [tilespmem:s12+$0xFFFFFFB0];
	v15 =	vmul.f32 v20, v15  }
0x27e: {  	v20 =	vld [tilespmem:s23+$0xFFFFFFB0];
	[tilespmem:s9+$0x40] =	vst v19  }
0x27f: {  	v15 =	vmul.f32 v15, v5;
	v16 =	vmul.f32 v18, v16;
	v18 =	vld [tilespmem:s16+$0x50]  }
0x280: {  	s12 =	sadd.s32 $0x100, s12;
	v19 =	vld [tilespmem:s9+$0xFFFFFFF0]  }
0x281: {  	s23 =	sadd.s32 $0x100, s23;
	v23 =	vld [tilespmem:s12+$0xFFFFFF80];
	[tilespmem:s10+$0x20] =	vst v15;
	v15 =	vmul.f32 v16, v1;
	v16 =	vmul.f32 v22, v3;
	v3 =	vmovc v4;
	v4 =	vmov v12  }
0x282: {  	v12 =	vld [tilespmem:s23+$0xFFFFFF80]  }
0x283: {  	v17 =	vld.idx.msk [tilespmem:v17+s17+$0x0], $0xffff;
	v20 =	vmul.f32 v20, v21;
	[tilespmem:s9+$0xFFFFFFE0] =	vst v15;
	v15 =	vmul.f32 v16, v0;
	v0 =	vmov v2  }
0x284: {  	v2 =	vmovc v5;
	v5 =	vmov v14;
	v16 =	vld [tilespmem:s16+$0xFFFFFFF0];
	v18 =	vmul.f32 v18, v8;
	v8 =	vmov v13  }
0x285: {  	v13 =	vld [tilespmem:s12+$0x0];
	v14 =	vmul.f32 v20, v6;
	[tilespmem:s2+$0x70] =	vst v15;
	s2 =	smov.u32 s9;
	s9 =	smov.u32 s10;
	s10 =	smov.u32 s12  }
0x286: {  	v20 =	vld [tilespmem:s23+$0x0];
	v15 =	vmul.f32 v18, v0  }
0x287: {  	v12 =	vmul.f32 v12, v23;
	[tilespmem:s9+$0xFFFFFFB0] =	vst v14;
	v14 =	vld [tilespmem:s9+$0xFFFFFFC0]  }
0x288: {  	v18 =	vld [tilespmem:s26+$0xFFFFFFC0];
	[tilespmem:s2+$0x50] =	vst v15  }
0x289: {  	v12 =	vmul.f32 v12, v17;
	v21 =	vld [tilespmem:s12+$0x10];
	v16 =	vmul.f32 v16, v19  }
0x28a: {  	v15 =	vld [tilespmem:s12+$0x20]  }
0x28b: {  	[tilespmem:s12+$0xFFFFFF80] =	vst v12;
	v12 =	vld [tilespmem:s12+$0xFFFFFF90];
	v13 =	vmul.f32 v20, v13;
	v16 =	vmul.f32 v16, v1;
	v1 =	vmovc v6;
	v6 =	vmov v17  }
0x28c: {  	v17 =	vld [tilespmem:s23+$0xFFFFFF90]  }
0x28d: {  	v13 =	vmul.f32 v13, v5;
	v14 =	vmul.f32 v18, v14;
	v18 =	vld [tilespmem:s26+$0x30];
	[tilespmem:s2+$0xFFFFFFF0] =	vst v16  }
0x28e: {  	v16 =	vld [tilespmem:s12+$0x30]  }
0x28f: {  	[tilespmem:s12+$0x0] =	vst v13;
	v22 =	vld [tilespmem:s12+$0x40];
	v13 =	vmul.f32 v14, v1  }
0x290: {  	v14 =	vld [tilespmem:s23+$0x10]  }
0x291: {  	v12 =	vmul.f32 v17, v12;
	[tilespmem:s9+$0xFFFFFFC0] =	vst v13;
	v17 =	vld [tilespmem:s9+$0xFFFFFFD0]  }
0x292: {  	v19 =	vld [tilespmem:s26+$0xFFFFFFD0];
	v18 =	vmul.f32 v18, v11  }
0x293: {  	v12 =	vmul.f32 v12, v6;
	v13 =	vld [tilespmem:s12+$0x50];
	v11 =	vmov v16  }
0x294: {  	v16 =	vmul.f32 v18, v2;
	v18 =	vld [tilespmem:s16+$0x60]  }
0x295: {  	[tilespmem:s12+$0xFFFFFF90] =	vst v12;
	v23 =	vld [tilespmem:s12+$0xFFFFFFA0];
	v12 =	vmul.f32 v14, v21  }
0x296: {  	v14 =	vld [tilespmem:s23+$0xFFFFFFA0];
	[tilespmem:s9+$0x30] =	vst v16  }
0x297: {  	s15 =	sadd.s32 $0x1, s20;
	v12 =	vmul.f32 v12, v5;
	v16 =	vmul.f32 v19, v17;
	v17 =	vld [tilespmem:s26+$0x40]  }
0x298: {  	v21 =	vmov s15;
	v24 =	vld [tilespmem:s12+$0x60]  }
.Ltmp4:
0x299: {  	[tilespmem:s12+$0x10] =	vst v12;
	v12 =	vld [tilespmem:s12+$0x70];
	v16 =	vmul.f32 v16, v1;
	v18 =	vmul.f32 v18, v7;
	v7 =	vmov v9;
	(pc) =	sbr.rel @p1 .LBB2_7-.Ltmp4, $4  }
0x29a: {  	v20 =	vld [tilespmem:s23+$0x20]  }
0x29b: {  	v25 =	vmul.f32 v14, v23;
	[tilespmem:s9+$0xFFFFFFD0] =	vst v16;
	v16 =	vld [tilespmem:s9+$0xFFFFFFE0];
	v23 =	vmul.f32 v18, v0  }
0x29c: {  	v18 =	vld [tilespmem:s26+$0xFFFFFFE0];
	v19 =	vmul.f32 v17, v10;
	v10 =	vmov v22  }
0x29d: {  	v17 =	vmov s20;
	s20 =	sadd.s32 $0x2, s20;
	v14 =	vld.idx.msk [tilespmem:v21+s17+$0x0], $0xffff;
	v21 =	vmul.f32 v25, v6;
	[tilespmem:s2+$0x60] =	vst v23;
	v9 =	vmov v24  }
0x29e: {  	v17 =	vand.u32 $0xFFFFFFFE, v17  }
0x29f: {  	v17 =	vbroadcast v17, $0x0  }
0x2a0: {  	s20 =	sadd.s32 $0x100, s12  }
0x2a1: {  	s15 =	sadd.s32 $0x100, s23;
	v22 =	vld [tilespmem:s20+$0xFFFFFF80]  }
0x2a2: {  	v23 =	vld [tilespmem:s15+$0xFFFFFF80]  }
0x2a3: {  	v24 =	vld [tilespmem:s20+$0x0]  }
0x2a4: {  	v25 =	vld [tilespmem:s15+$0x0]  }
0x2a5: {  	v17 =	vld.idx.msk [tilespmem:v17+s17+$0x0], $0xffff;
	_ =	sdelay $0x2  }
0x2a6: {  	v22 =	vmul.f32 v23, v22  }
0x2a7: {  	v23 =	vmul.f32 v25, v24  }
0x2a8: {  	v22 =	vmul.f32 v22, v17  }
0x2a9: {  	v55 =	vld [tilespmem:s20+$0x10];
	v23 =	vmul.f32 v23, v14  }
0x2aa: {  	[tilespmem:s20+$0xFFFFFF80] =	vst v22;
	v22 =	vld [tilespmem:s20+$0xFFFFFF90]  }
0x2ab: {  	[tilespmem:s20+$0x0] =	vst v23;
	v56 =	vld [tilespmem:s15+$0xFFFFFF90]  }
0x2ac: {  	v23 =	vld [tilespmem:s15+$0x10];
	_ =	sdelay $0x3  }
0x2ad: {  	v22 =	vmul.f32 v56, v22  }
0x2ae: {  	v23 =	vmul.f32 v23, v55  }
0x2af: {  	v22 =	vmul.f32 v22, v17  }
0x2b0: {  	v57 =	vld [tilespmem:s20+$0x20];
	v23 =	vmul.f32 v23, v14  }
0x2b1: {  	[tilespmem:s20+$0xFFFFFF90] =	vst v22;
	v22 =	vld [tilespmem:s20+$0xFFFFFFA0]  }
0x2b2: {  	[tilespmem:s20+$0x10] =	vst v23;
	v58 =	vld [tilespmem:s15+$0xFFFFFFA0]  }
0x2b3: {  	v23 =	vld [tilespmem:s15+$0x20]  }
0x2b4: {  	v15 =	vmul.f32 v20, v15  }
0x2b5: {  	[tilespmem:s12+$0xFFFFFFA0] =	vst v21;
	v20 =	vld [tilespmem:s12+$0xFFFFFFB0]  }
0x2b6: {  	v21 =	vld [tilespmem:s23+$0xFFFFFFB0];
	v15 =	vmul.f32 v15, v5  }
0x2b7: {  	v22 =	vmul.f32 v58, v22  }
0x2b8: {  	[tilespmem:s10+$0x20] =	vst v15;
	v15 =	vmul.f32 v23, v57  }
0x2b9: {  	v59 =	vld [tilespmem:s20+$0x30];
	v22 =	vmul.f32 v22, v17  }
0x2ba: {  	v23 =	vld [tilespmem:s23+$0x30];
	v15 =	vmul.f32 v15, v14  }
0x2bb: {  	v20 =	vmul.f32 v21, v20;
	v21 =	vld [tilespmem:s20+$0xFFFFFFB0];
	[tilespmem:s20+$0xFFFFFFA0] =	vst v22  }
0x2bc: {  	[tilespmem:s20+$0x20] =	vst v15;
	v22 =	vld [tilespmem:s15+$0xFFFFFFB0]  }
0x2bd: {  	v15 =	vmul.f32 v20, v6;
	v20 =	vld [tilespmem:s15+$0x30];
	_ =	sdelay $0x1  }
0x2be: {  	v11 =	vmul.f32 v23, v11  }
0x2bf: {  	[tilespmem:s10+$0xFFFFFFB0] =	vst v15;
	v15 =	vld [tilespmem:s10+$0xFFFFFFC0]  }
0x2c0: {  	v23 =	vld [tilespmem:s23+$0xFFFFFFC0];
	v11 =	vmul.f32 v11, v5;
	v21 =	vmul.f32 v22, v21  }
0x2c1: {  	v20 =	vmul.f32 v20, v59  }
0x2c2: {  	[tilespmem:s10+$0x30] =	vst v11;
	v22 =	vld [tilespmem:s20+$0x40];
	v11 =	vmul.f32 v21, v17  }
0x2c3: {  	v20 =	vmul.f32 v20, v14;
	v21 =	vld [tilespmem:s23+$0x40]  }
0x2c4: {  	[tilespmem:s20+$0xFFFFFFB0] =	vst v11;
	v11 =	vld [tilespmem:s20+$0xFFFFFFC0]  }
0x2c5: {  	v15 =	vmul.f32 v23, v15;
	[tilespmem:s20+$0x30] =	vst v20;
	v23 =	vld [tilespmem:s15+$0xFFFFFFC0]  }
0x2c6: {  	v19 =	vmul.f32 v19, v2;
	v20 =	vld [tilespmem:s15+$0x40];
	_ =	sdelay $0x1  }
0x2c7: {  	[tilespmem:s9+$0x40] =	vst v19;
	v15 =	vmul.f32 v15, v6;
	v10 =	vmul.f32 v21, v10  }
0x2c8: {  	v19 =	vld [tilespmem:s26+$0x50]  }
0x2c9: {  	[tilespmem:s10+$0xFFFFFFC0] =	vst v15;
	v15 =	vld [tilespmem:s10+$0xFFFFFFD0];
	v10 =	vmul.f32 v10, v5;
	v11 =	vmul.f32 v23, v11  }
0x2ca: {  	v20 =	vmul.f32 v20, v22;
	v21 =	vld [tilespmem:s23+$0xFFFFFFD0]  }
0x2cb: {  	v22 =	vld [tilespmem:s20+$0x50];
	[tilespmem:s10+$0x40] =	vst v10;
	v10 =	vmul.f32 v11, v17  }
0x2cc: {  	v20 =	vmul.f32 v20, v14;
	v11 =	vld [tilespmem:s23+$0x50]  }
0x2cd: {  	v8 =	vmul.f32 v19, v8;
	[tilespmem:s20+$0xFFFFFFC0] =	vst v10;
	v10 =	vld [tilespmem:s20+$0xFFFFFFD0]  }
0x2ce: {  	[tilespmem:s20+$0x40] =	vst v20;
	v19 =	vld [tilespmem:s15+$0xFFFFFFD0]  }
0x2cf: {  	v8 =	vmul.f32 v8, v2;
	v20 =	vld [tilespmem:s15+$0x50];
	v15 =	vmul.f32 v21, v15;
	_ =	sdelay $0x1  }
0x2d0: {  	[tilespmem:s9+$0x50] =	vst v8;
	v21 =	vld [tilespmem:s9+$0xFFFFFFF0];
	v8 =	vmul.f32 v15, v6;
	v11 =	vmul.f32 v11, v13  }
0x2d1: {  	v13 =	vld [tilespmem:s26+$0x60]  }
0x2d2: {  	v15 =	vld [tilespmem:s20+$0x60];
	[tilespmem:s10+$0xFFFFFFD0] =	vst v8;
	v8 =	vmul.f32 v11, v5;
	v10 =	vmul.f32 v19, v10  }
0x2d3: {  	v11 =	vld [tilespmem:s10+$0xFFFFFFE0];
	v19 =	vmul.f32 v20, v22  }
0x2d4: {  	v20 =	vld [tilespmem:s23+$0xFFFFFFE0];
	[tilespmem:s10+$0x50] =	vst v8;
	v8 =	vmul.f32 v10, v17  }
0x2d5: {  	v10 =	vmul.f32 v18, v16;
	v16 =	vld [tilespmem:s23+$0x60];
	v18 =	vmul.f32 v19, v14  }
0x2d6: {  	v7 =	vmul.f32 v13, v7;
	[tilespmem:s20+$0xFFFFFFD0] =	vst v8;
	v8 =	vld [tilespmem:s20+$0xFFFFFFE0]  }
0x2d7: {  	v10 =	vmul.f32 v10, v1;
	[tilespmem:s20+$0x50] =	vst v18;
	v19 =	vld [tilespmem:s15+$0xFFFFFFE0]  }
0x2d8: {  	v7 =	vmul.f32 v7, v2;
	v13 =	vld [tilespmem:s15+$0x60]  }
0x2d9: {  	v18 =	vld [tilespmem:s16+$0x70];
	[tilespmem:s9+$0xFFFFFFE0] =	vst v10;
	v10 =	vmul.f32 v20, v11  }
0x2da: {  	[tilespmem:s9+$0x60] =	vst v7;
	v7 =	vld [tilespmem:s10+$0xFFFFFFF0]  }
0x2db: {  	v11 =	vld [tilespmem:s26+$0xFFFFFFF0];
	v9 =	vmul.f32 v16, v9;
	v10 =	vmul.f32 v10, v6  }
0x2dc: {  	v16 =	vld [tilespmem:s20+$0x70];
	v8 =	vmul.f32 v19, v8  }
0x2dd: {  	v9 =	vmul.f32 v9, v5;
	v19 =	vld [tilespmem:s26+$0x70];
	[tilespmem:s10+$0xFFFFFFE0] =	vst v10;
	v10 =	vmul.f32 v13, v15  }
0x2de: {  	v15 =	vld [tilespmem:s20+$0xFFFFFFF0];
	v8 =	vmul.f32 v8, v17  }
0x2df: {  	v13 =	vld [tilespmem:s23+$0xFFFFFFF0];
	[tilespmem:s10+$0x60] =	vst v9;
	v10 =	vmul.f32 v10, v14  }
0x2e0: {  	v9 =	vld [tilespmem:s23+$0x70];
	[tilespmem:s20+$0xFFFFFFE0] =	vst v8  }
0x2e1: {  	v3 =	vmul.f32 v18, v3;
	[tilespmem:s20+$0x60] =	vst v10;
	v8 =	vld [tilespmem:s15+$0xFFFFFFF0]  }
0x2e2: {  	v10 =	vmul.f32 v11, v21;
	v11 =	vld [tilespmem:s15+$0x70]  }
0x2e3: {  	v0 =	vmul.f32 v3, v0;
	v3 =	vmul.f32 v19, v4  }
0x2e4: {  	v1 =	vmul.f32 v10, v1;
	v4 =	vmul.f32 v13, v7  }
0x2e5: {  	[tilespmem:s2+$0x70] =	vst v0;
	v0 =	vmul.f32 v3, v2;
	v2 =	vmul.f32 v9, v12  }
0x2e6: {  	[tilespmem:s9+$0xFFFFFFF0] =	vst v1;
	v1 =	vmul.f32 v4, v6;
	v3 =	vmul.f32 v8, v15  }
0x2e7: {  	[tilespmem:s9+$0x70] =	vst v0;
	v0 =	vmul.f32 v2, v5;
	v2 =	vmul.f32 v11, v16  }
0x2e8: {  	[tilespmem:s10+$0xFFFFFFF0] =	vst v1;
	v1 =	vmul.f32 v3, v17  }
0x2e9: {  	[tilespmem:s10+$0x70] =	vst v0;
	v0 =	vmul.f32 v2, v14  }
0x2ea: {  	[tilespmem:s20+$0xFFFFFFF0] =	vst v1  }
0x2eb: {  	s26 =	simm.s32 $0x300;
	[tilespmem:s20+$0x70] =	vst v0  }
0x2ec: {  	[spmem:s1] =	stream.indirect.scatter.add.f32 [tilespmem:s3], [sflag:$0x7], $0x80, s26, s14, $0xb8;
	[tilespmem:$0x1E500] =	vst v63  }
0x2ed: {  	s2 =	smul.u32 @!p0 $0x140, s13;
	_ =	swait.ge [sflag:s29], $0x2800  }
0x2ee: {  	s9 =	rddreg [dreg:$0x11]  }
0x2ef: {  	s2 =	sadd.s32 @!p0 s2, s9  }
0x2f0: {  	s12 =	simm.s32 @!p0 $0x100;
	[sflag:s29] =	ssyncset.done $0x0;
	s2 =	sshrl.u32 @!p0 s2, $0x3  }
0x2f1: {  	s10 =	simm.s32 @!p0 $0x0;
	[sflag:s29] =	ssyncadd.s32 $0xFFFFD800;
	s9 =	sadd.s32 @!p0 s6, s2  }
0x2f2: {  	[tilespmem:s12], [sflag:$0x3] =	stream.linear.gather @!p0 [hbm4b:s9+s10], $0x50, $0x38;
	[tilespmem:$0x1E500] =	vst v63  }
0x2f3: {  	s2 =	sadd.s32 @!p0 s7, s2;
	s9 =	simm.s32 @!p0 $0x300  }
0x2f4: {  	[tilespmem:s9], [sflag:$0x3] =	stream.linear.gather @!p0 [hbm4b:s2+s10], $0x50, $0x38;
	[tilespmem:$0x1E500] =	vst v63  }
0x2f5: {  	s2 =	simm.s32 @!p0 $0x1  }
0x2f6: {  	_ =	swait.ge @!p0 [sflag:s2], $0x50  }
0x2f7: {  	[sflag:s2] =	ssyncset.done @!p0 $0x0  }
0x2f8: {  	[sflag:s2] =	ssyncadd.s32 @!p0 $0xFFFFFFB0  }
0x2f9: {  	_ =	swait.ge @!p0 [sflag:s2], $0x50  }
0x2fa: {  	[sflag:s2] =	ssyncset.done @!p0 $0x0  }
0x2fb: {  	s12 =	smul.u32 @!p0 $0x500, s30;
	[sflag:s2] =	ssyncadd.s32 @!p0 $0xFFFFFFB0  }
0x2fc: {  	s9 =	simm.s32 @!p0 $0x400;
	s2 =	simm.s32 @!p0 $0x50;
	s15 =	rddreg [dreg:$0x0]  }
0x2fd: {  	[tilespmem:s9], [sflag:$0x5] =	stream.indirect.gather @!p0 [hbm4b:s15+s2], $0x80, s10, s2, $0xb8;
	[tilespmem:$0x1E500] =	vst v63  }
0x2fe: {  	s2 =	sadd.s32 @!p0 s22, s12;
	s9 =	simm.s32 @!p0 $0x5400  }
0x2ff: {  	[tilespmem:s9], [sflag:$0x5] =	stream.linear.gather @!p0 [hbm4b:s2+s10], $0x2800, $0x38;
	[tilespmem:$0x1E500] =	vst v63  }
0x300: {  	s0 =	sadd.s32 @!p0 s5, s0;
	s2 =	simm.s32 @!p0 $0xA400  }
0x301: {  	[tilespmem:s2], [sflag:$0x5] =	stream.linear.gather @!p0 [hbm4b:s0+s10], $0x50, $0x38;
	[tilespmem:$0x1E500] =	vst v63  }
0x302: {  	_ =	swait.ge [sflag:s28], $0x2800  }
0x303: {  	[sflag:s28] =	ssyncset.done $0x0  }
0x304: {  	[sflag:s28] =	ssyncadd.s32 $0xFFFFD800  }
0x305: {  	s9 =	simm.s32 $0x0;
	_ =	swait.ge [sflag:s28], $0x2800  }
0x306: {  	v0 =	vmov s9;
	[sflag:s28] =	ssyncset.done $0x0  }
0x307: {  	v0 =	vand.u32 $0xFFFFFFFE, v0;
	[sflag:s28] =	ssyncadd.s32 $0xFFFFD800  }
0x308: {  	v0 =	vbroadcast v0, $0x0;
	_ =	swait.ge [sflag:s28], $0x50  }
0x309: {  	[sflag:s28] =	ssyncset.done $0x0  }
0x30a: {  	s0 =	simm.s32 $0x2C80;
	[sflag:s28] =	ssyncadd.s32 $0xFFFFFFB0  }
0x30b: {  	s9 =	simm.s32 $0x7C80;
	v1 =	vld [tilespmem:s0+$0xFFFFFF80]  }
0x30c: {  	v2 =	vld [tilespmem:s9+$0xFFFFFF80];
	_ =	sdelay $0x1  }
0x30d: {  	v14 =	vld.idx.msk [tilespmem:v0+s21+$0x0], $0xffff;
	_ =	sdelay $0x2  }
0x30e: {  	v0 =	vmul.f32 v2, v1;
	_ =	sdelay $0x1  }
0x30f: {  	v0 =	vmul.f32 v0, v14;
	_ =	sdelay $0x1  }
0x310: {  	s10 =	simm.s32 $0x1;
	[tilespmem:s0+$0xFFFFFF80] =	vst v0;
	v0 =	vld [tilespmem:s0+$0xFFFFFF90]  }
0x311: {  	v2 =	vmov s10;
	v1 =	vld [tilespmem:s9+$0xFFFFFF90];
	_ =	sdelay $0x3  }
0x312: {  	v3 =	vld [tilespmem:s9+$0x0]  }
0x313: {  	v1 =	vmul.f32 v1, v0;
	v0 =	vld.idx.msk [tilespmem:v2+s21+$0x0], $0xffff  }
0x314: {  	v2 =	vld [tilespmem:s0+$0x0];
	_ =	sdelay $0x1  }
0x315: {  	v1 =	vmul.f32 v1, v14;
	_ =	sdelay $0x1  }
0x316: {  	[tilespmem:s0+$0xFFFFFF90] =	vst v1;
	v1 =	vld [tilespmem:s0+$0xFFFFFFA0]  }
0x317: {  	v4 =	vld [tilespmem:s9+$0xFFFFFFA0];
	v2 =	vmul.f32 v3, v2;
	_ =	sdelay $0x1  }
0x318: {  	s12 =	simm.s32 $0x2;
	v5 =	vld [tilespmem:s0+$0x20];
	v2 =	vmul.f32 v2, v0  }
0x319: {  	v6 =	vmov s12;
	v9 =	vld [tilespmem:s0+$0x40]  }
0x31a: {  	v3 =	vld [tilespmem:s0+$0x10];
	[tilespmem:s0+$0x0] =	vst v2;
	v2 =	vand.u32 $0xFFFFFFFE, v6  }
0x31b: {  	v1 =	vmul.f32 v4, v1;
	v6 =	vld [tilespmem:s9+$0x10];
	v2 =	vbroadcast v2, $0x0  }
0x31c: {  	s2 =	simm.s32 $0x2D80;
	v7 =	vld [tilespmem:s0+$0xFFFFFFB0]  }
0x31d: {  	s16 =	simm.s32 $0x7D80;
	v8 =	vld [tilespmem:s2+$0xFFFFFF80];
	v1 =	vmul.f32 v1, v14  }
0x31e: {  	v10 =	vld [tilespmem:s16+$0xFFFFFF80]  }
0x31f: {  	s15 =	simm.s32 $0x3;
	v13 =	vld [tilespmem:s0+$0x50];
	[tilespmem:s0+$0xFFFFFFA0] =	vst v1  }
0x320: {  	v11 =	vmov s15;
	v3 =	vmul.f32 v6, v3;
	v6 =	vld [tilespmem:s9+$0xFFFFFFB0]  }
0x321: {  	v1 =	vld.idx.msk [tilespmem:v2+s21+$0x0], $0xffff  }
0x322: {  	v12 =	vld [tilespmem:s0+$0x60]  }
0x323: {  	v15 =	vld [tilespmem:s0+$0xFFFFFFC0];
	v2 =	vmul.f32 v3, v0  }
0x324: {  	v3 =	vmul.f32 v10, v8;
	v10 =	vld [tilespmem:s16+$0x0]  }
0x325: {  	[tilespmem:s0+$0x10] =	vst v2;
	v2 =	vld.idx.msk [tilespmem:v11+s21+$0x0], $0xffff;
	v6 =	vmul.f32 v6, v7  }
0x326: {  	v8 =	vld [tilespmem:s9+$0x20];
	v3 =	vmul.f32 v3, v1  }
0x327: {  	v7 =	vld [tilespmem:s2+$0x0];
	v6 =	vmul.f32 v6, v14  }
0x328: {  	v11 =	vld [tilespmem:s2+$0xFFFFFF90];
	[tilespmem:s2+$0xFFFFFF80] =	vst v3  }
0x329: {  	[tilespmem:s0+$0xFFFFFFB0] =	vst v6;
	v6 =	vld [tilespmem:s16+$0xFFFFFF90]  }
0x32a: {  	v16 =	vld [tilespmem:s9+$0xFFFFFFC0]  }
0x32b: {  	v19 =	vld [tilespmem:s2+$0x40];
	v5 =	vmul.f32 v8, v5  }
0x32c: {  	v18 =	vld [tilespmem:s2+$0xFFFFFFB0];
	v7 =	vmul.f32 v10, v7  }
0x32d: {  	v20 =	vld [tilespmem:s0+$0xFFFFFFE0];
	v5 =	vmul.f32 v5, v0  }
0x32e: {  	v4 =	vld [tilespmem:s0+$0x30];
	v7 =	vmul.f32 v7, v2;
	v6 =	vmul.f32 v6, v11  }
0x32f: {  	v8 =	vld [tilespmem:s2+$0x10];
	[tilespmem:s0+$0x20] =	vst v5;
	v5 =	vmul.f32 v16, v15  }
0x330: {  	[tilespmem:s2+$0x0] =	vst v7;
	v11 =	vld [tilespmem:s9+$0x30];
	v6 =	vmul.f32 v6, v1  }
0x331: {  	v7 =	vld [tilespmem:s16+$0x10];
	v5 =	vmul.f32 v5, v14  }
0x332: {  	[tilespmem:s2+$0xFFFFFF90] =	vst v6;
	v6 =	vld [tilespmem:s2+$0xFFFFFFA0]  }
0x333: {  	[tilespmem:s0+$0xFFFFFFC0] =	vst v5;
	v5 =	vld [tilespmem:s16+$0xFFFFFFA0]  }
0x334: {  	v15 =	vld [tilespmem:s0+$0xFFFFFFD0]  }
0x335: {  	v17 =	vld [tilespmem:s9+$0xFFFFFFD0]  }
0x336: {  	s12 =	simm.s32 $0x2E80;
	v60 =	vld [tilespmem:s0+$0xFFFFFFF0]  }
0x337: {  	v61 =	vld [tilespmem:s12+$0xFFFFFF90];
	v4 =	vmul.f32 v11, v4  }
0x338: {  	v3 =	vld [tilespmem:s0+$0x70];
	v5 =	vmul.f32 v5, v6  }
0x339: {  	v10 =	vld [tilespmem:s2+$0x20];
	v7 =	vmul.f32 v7, v8;
	v4 =	vmul.f32 v4, v0  }
0x33a: {  	v16 =	vld [tilespmem:s2+$0x30];
	v6 =	vmul.f32 v17, v15;
	v5 =	vmul.f32 v5, v1  }
0x33b: {  	s23 =	simm.s32 $0x4;
	v8 =	vld [tilespmem:s2+$0x50];
	v11 =	vmul.f32 v7, v2;
	[tilespmem:s0+$0x30] =	vst v4  }
0x33c: {  	s20 =	simm.s32 $0x5;
	v7 =	vld [tilespmem:s2+$0x60];
	v6 =	vmul.f32 v6, v14;
	[tilespmem:s2+$0xFFFFFFA0] =	vst v5;
	v5 =	vmov s23  }
0x33d: {  	[tilespmem:s2+$0x10] =	vst v11;
	v11 =	vmov s20;
	v15 =	vld [tilespmem:s9+$0x40];
	v5 =	vand.u32 $0xFFFFFFFE, v5  }
0x33e: {  	[tilespmem:s0+$0xFFFFFFD0] =	vst v6;
	v6 =	vld [tilespmem:s16+$0xFFFFFFB0];
	v21 =	vbroadcast v5, $0x0  }
0x33f: {  	v17 =	vld [tilespmem:s16+$0x20]  }
0x340: {  	s23 =	simm.s32 $0x7E80;
	v22 =	vld [tilespmem:s9+$0xFFFFFFE0]  }
0x341: {  	v23 =	vld [tilespmem:s23+$0xFFFFFF80]  }
0x342: {  	v5 =	vld.idx.msk [tilespmem:v11+s21+$0x0], $0xffff;
	v9 =	vmul.f32 v15, v9  }
0x343: {  	v11 =	vld [tilespmem:s12+$0xFFFFFF80];
	v18 =	vmul.f32 v6, v18  }
0x344: {  	v9 =	vmul.f32 v9, v0;
	v6 =	vld.idx.msk [tilespmem:v21+s21+$0x0], $0xffff  }
0x345: {  	v15 =	vmul.f32 v18, v1;
	v18 =	vmul.f32 v22, v20;
	v20 =	vld [tilespmem:s12+$0x0]  }
0x346: {  	[tilespmem:s0+$0x40] =	vst v9;
	v21 =	vld [tilespmem:s23+$0x0]  }
0x347: {  	v22 =	vld [tilespmem:s9+$0x50]  }
0x348: {  	v11 =	vmul.f32 v23, v11;
	[tilespmem:s2+$0xFFFFFFB0] =	vst v15;
	v15 =	vmul.f32 v18, v14;
	v18 =	vld [tilespmem:s2+$0xFFFFFFC0]  }
0x349: {  	v10 =	vmul.f32 v17, v10;
	v9 =	vld [tilespmem:s16+$0xFFFFFFC0]  }
0x34a: {  	v4 =	vld [tilespmem:s2+$0x70];
	v11 =	vmul.f32 v11, v6  }
0x34b: {  	v17 =	vld [tilespmem:s12+$0x10];
	v10 =	vmul.f32 v10, v2;
	[tilespmem:s0+$0xFFFFFFE0] =	vst v15  }
0x34c: {  	v15 =	vld [tilespmem:s12+$0x20];
	[tilespmem:s12+$0xFFFFFF80] =	vst v11;
	v11 =	vmul.f32 v21, v20  }
0x34d: {  	[tilespmem:s2+$0x20] =	vst v10;
	v10 =	vmul.f32 v22, v13;
	v20 =	vld [tilespmem:s23+$0xFFFFFF90]  }
0x34e: {  	v23 =	vld [tilespmem:s9+$0xFFFFFFF0];
	v9 =	vmul.f32 v9, v18;
	v18 =	vmul.f32 v11, v5  }
0x34f: {  	v21 =	vld [tilespmem:s16+$0x30]  }
0x350: {  	v13 =	vmul.f32 v10, v0;
	v10 =	vld [tilespmem:s12+$0x40];
	v9 =	vmul.f32 v9, v1;
	[tilespmem:s12+$0x0] =	vst v18  }
0x351: {  	v18 =	vld [tilespmem:s23+$0x10]  }
0x352: {  	[tilespmem:s2+$0xFFFFFFC0] =	vst v9;
	v9 =	vmul.f32 v20, v61;
	v20 =	vld [tilespmem:s2+$0xFFFFFFD0]  }
0x353: {  	v22 =	vld [tilespmem:s16+$0xFFFFFFD0]  }
0x354: {  	v11 =	vld [tilespmem:s12+$0x30];
	[tilespmem:s0+$0x50] =	vst v13;
	v16 =	vmul.f32 v21, v16  }
0x355: {  	v21 =	vld [tilespmem:s9+$0x60];
	v9 =	vmul.f32 v9, v6  }
0x356: {  	v13 =	vld [tilespmem:s12+$0x50];
	v16 =	vmul.f32 v16, v2  }
0x357: {  	[tilespmem:s12+$0xFFFFFF90] =	vst v9;
	v9 =	vmul.f32 v18, v17;
	v17 =	vld [tilespmem:s12+$0xFFFFFFA0]  }
0x358: {  	[tilespmem:s2+$0x30] =	vst v16;
	v18 =	vmul.f32 v22, v20;
	v22 =	vld [tilespmem:s23+$0xFFFFFFA0]  }
0x359: {  	s26 =	simm.s32 $0x7;
	v16 =	vmul.f32 v23, v60;
	v23 =	vld [tilespmem:s16+$0x40];
	v20 =	vmul.f32 v9, v5  }
0x35a: {  	v62 =	vmov s26;
	v21 =	vmul.f32 v21, v12;
	v12 =	vld [tilespmem:s12+$0x70]  }
0x35b: {  	v14 =	vmul.f32 v16, v14;
	v16 =	vld [tilespmem:s2+$0xFFFFFFE0];
	v18 =	vmul.f32 v18, v1;
	[tilespmem:s12+$0x10] =	vst v20  }
0x35c: {  	v20 =	vld [tilespmem:s23+$0x20]  }
0x35d: {  	v9 =	vld [tilespmem:s12+$0x60];
	v63 =	vmul.f32 v21, v0;
	[tilespmem:s2+$0xFFFFFFD0] =	vst v18;
	v22 =	vmul.f32 v22, v17  }
0x35e: {  	s30 =	simm.s32 $0x6;
	[tilespmem:s0+$0xFFFFFFF0] =	vst v14;
	v19 =	vmul.f32 v23, v19;
	v18 =	vld [tilespmem:s16+$0xFFFFFFE0]  }
0x35f: {  	s10 =	simm.s32 $0x2E80;
	s20 =	simm.s32 $0x8;
	v14 =	vld.idx.msk [tilespmem:v62+s21+$0x0], $0xffff;
	[tilespmem:s0+$0x60] =	vst v63;
	v17 =	vmov s30;
	v21 =	vmul.f32 v22, v6  }
.LBB2_9:
0x360: {  	p1 =	slt.u32 s20, $0x4E;
	v17 =	vand.u32 $0xFFFFFFFE, v17;
	v19 =	vmul.f32 v19, v2;
	v22 =	vld [tilespmem:s9+$0x70];
	s9 =	smov.u32 s16;
	s16 =	smov.u32 s23  }
0x361: {  	v17 =	vbroadcast v17, $0x0;
	[tilespmem:s12+$0xFFFFFFA0] =	vst v21;
	v21 =	vld [tilespmem:s12+$0xFFFFFFB0];
	v15 =	vmul.f32 v20, v15  }
0x362: {  	v20 =	vld [tilespmem:s23+$0xFFFFFFB0];
	[tilespmem:s2+$0x40] =	vst v19  }
0x363: {  	v15 =	vmul.f32 v15, v5;
	v16 =	vmul.f32 v18, v16;
	v18 =	vld [tilespmem:s9+$0x50]  }
0x364: {  	s12 =	sadd.s32 $0x100, s12;
	v19 =	vld [tilespmem:s2+$0xFFFFFFF0]  }
0x365: {  	s23 =	sadd.s32 $0x100, s23;
	v23 =	vld [tilespmem:s12+$0xFFFFFF80];
	[tilespmem:s10+$0x20] =	vst v15;
	v15 =	vmul.f32 v16, v1;
	v16 =	vmul.f32 v22, v3;
	v3 =	vmovc v4;
	v4 =	vmov v12  }
0x366: {  	v12 =	vld [tilespmem:s23+$0xFFFFFF80]  }
0x367: {  	v17 =	vld.idx.msk [tilespmem:v17+s21+$0x0], $0xffff;
	v20 =	vmul.f32 v20, v21;
	[tilespmem:s2+$0xFFFFFFE0] =	vst v15;
	v15 =	vmul.f32 v16, v0;
	v0 =	vmov v2  }
0x368: {  	v2 =	vmovc v5;
	v5 =	vmov v14;
	v16 =	vld [tilespmem:s9+$0xFFFFFFF0];
	v18 =	vmul.f32 v18, v8;
	v8 =	vmov v13  }
0x369: {  	v13 =	vld [tilespmem:s12+$0x0];
	v14 =	vmul.f32 v20, v6;
	[tilespmem:s0+$0x70] =	vst v15;
	s0 =	smov.u32 s2;
	s2 =	smov.u32 s10;
	s10 =	smov.u32 s12  }
0x36a: {  	v20 =	vld [tilespmem:s23+$0x0];
	v15 =	vmul.f32 v18, v0  }
0x36b: {  	v12 =	vmul.f32 v12, v23;
	[tilespmem:s2+$0xFFFFFFB0] =	vst v14;
	v14 =	vld [tilespmem:s2+$0xFFFFFFC0]  }
0x36c: {  	v18 =	vld [tilespmem:s16+$0xFFFFFFC0];
	[tilespmem:s0+$0x50] =	vst v15  }
0x36d: {  	v12 =	vmul.f32 v12, v17;
	v21 =	vld [tilespmem:s12+$0x10];
	v16 =	vmul.f32 v16, v19  }
0x36e: {  	v15 =	vld [tilespmem:s12+$0x20]  }
0x36f: {  	[tilespmem:s12+$0xFFFFFF80] =	vst v12;
	v12 =	vld [tilespmem:s12+$0xFFFFFF90];
	v13 =	vmul.f32 v20, v13;
	v16 =	vmul.f32 v16, v1;
	v1 =	vmovc v6;
	v6 =	vmov v17  }
0x370: {  	v17 =	vld [tilespmem:s23+$0xFFFFFF90]  }
0x371: {  	v13 =	vmul.f32 v13, v5;
	v14 =	vmul.f32 v18, v14;
	v18 =	vld [tilespmem:s16+$0x30];
	[tilespmem:s0+$0xFFFFFFF0] =	vst v16  }
0x372: {  	v16 =	vld [tilespmem:s12+$0x30]  }
0x373: {  	[tilespmem:s12+$0x0] =	vst v13;
	v22 =	vld [tilespmem:s12+$0x40];
	v13 =	vmul.f32 v14, v1  }
0x374: {  	v14 =	vld [tilespmem:s23+$0x10]  }
0x375: {  	v12 =	vmul.f32 v17, v12;
	[tilespmem:s2+$0xFFFFFFC0] =	vst v13;
	v17 =	vld [tilespmem:s2+$0xFFFFFFD0]  }
0x376: {  	v19 =	vld [tilespmem:s16+$0xFFFFFFD0];
	v18 =	vmul.f32 v18, v11  }
0x377: {  	v12 =	vmul.f32 v12, v6;
	v13 =	vld [tilespmem:s12+$0x50];
	v11 =	vmov v16  }
0x378: {  	v16 =	vmul.f32 v18, v2;
	v18 =	vld [tilespmem:s9+$0x60]  }
0x379: {  	[tilespmem:s12+$0xFFFFFF90] =	vst v12;
	v23 =	vld [tilespmem:s12+$0xFFFFFFA0];
	v12 =	vmul.f32 v14, v21  }
0x37a: {  	v14 =	vld [tilespmem:s23+$0xFFFFFFA0];
	[tilespmem:s2+$0x30] =	vst v16  }
0x37b: {  	s15 =	sadd.s32 $0x1, s20;
	v12 =	vmul.f32 v12, v5;
	v16 =	vmul.f32 v19, v17;
	v17 =	vld [tilespmem:s16+$0x40]  }
0x37c: {  	v21 =	vmov s15;
	v24 =	vld [tilespmem:s12+$0x60]  }
.Ltmp5:
0x37d: {  	[tilespmem:s12+$0x10] =	vst v12;
	v12 =	vld [tilespmem:s12+$0x70];
	v16 =	vmul.f32 v16, v1;
	v18 =	vmul.f32 v18, v7;
	v7 =	vmov v9;
	(pc) =	sbr.rel @p1 .LBB2_9-.Ltmp5, $4  }
0x37e: {  	v20 =	vld [tilespmem:s23+$0x20]  }
0x37f: {  	v25 =	vmul.f32 v14, v23;
	[tilespmem:s2+$0xFFFFFFD0] =	vst v16;
	v16 =	vld [tilespmem:s2+$0xFFFFFFE0];
	v23 =	vmul.f32 v18, v0  }
0x380: {  	v18 =	vld [tilespmem:s16+$0xFFFFFFE0];
	v19 =	vmul.f32 v17, v10;
	v10 =	vmov v22  }
0x381: {  	v17 =	vmov s20;
	s20 =	sadd.s32 $0x2, s20;
	v14 =	vld.idx.msk [tilespmem:v21+s21+$0x0], $0xffff;
	v21 =	vmul.f32 v25, v6;
	[tilespmem:s0+$0x60] =	vst v23;
	v9 =	vmov v24  }
0x382: {  	v17 =	vand.u32 $0xFFFFFFFE, v17  }
0x383: {  	s20 =	sadd.s32 $0x100, s12;
	v17 =	vbroadcast v17, $0x0  }
0x384: {  	v22 =	vld [tilespmem:s20+$0xFFFFFF80]  }
0x385: {  	s15 =	sadd.s32 $0x100, s23;
	v24 =	vld [tilespmem:s20+$0x0]  }
0x386: {  	v25 =	vld [tilespmem:s15+$0x0]  }
0x387: {  	v23 =	vld [tilespmem:s15+$0xFFFFFF80];
	_ =	sdelay $0x1  }
0x388: {  	v17 =	vld.idx.msk [tilespmem:v17+s21+$0x0], $0xffff;
	_ =	sdelay $0x1  }
0x389: {  	v39 =	vmul.f32 v25, v24  }
0x38a: {  	v22 =	vmul.f32 v23, v22  }
0x38b: {  	v23 =	vmul.f32 v39, v14  }
0x38c: {  	v40 =	vld [tilespmem:s20+$0x10];
	v22 =	vmul.f32 v22, v17  }
0x38d: {  	v41 =	vld [tilespmem:s20+$0xFFFFFF90];
	[tilespmem:s20+$0x0] =	vst v23  }
0x38e: {  	v23 =	vld [tilespmem:s15+$0x10];
	[tilespmem:s20+$0xFFFFFF80] =	vst v22  }
0x38f: {  	v42 =	vld [tilespmem:s15+$0xFFFFFF90];
	_ =	sdelay $0x3  }
0x390: {  	v23 =	vmul.f32 v23, v40  }
0x391: {  	v22 =	vmul.f32 v42, v41  }
0x392: {  	v23 =	vmul.f32 v23, v14  }
0x393: {  	v43 =	vld [tilespmem:s20+$0x20];
	v22 =	vmul.f32 v22, v17  }
0x394: {  	v44 =	vld [tilespmem:s20+$0xFFFFFFA0];
	[tilespmem:s20+$0x10] =	vst v23  }
0x395: {  	v23 =	vld [tilespmem:s15+$0x20];
	[tilespmem:s20+$0xFFFFFF90] =	vst v22  }
0x396: {  	v45 =	vld [tilespmem:s15+$0xFFFFFFA0];
	_ =	sdelay $0x1  }
0x397: {  	v15 =	vmul.f32 v20, v15;
	_ =	sdelay $0x1  }
0x398: {  	v46 =	vld [tilespmem:s12+$0xFFFFFFB0];
	v15 =	vmul.f32 v15, v5;
	v47 =	vmul.f32 v23, v43  }
0x399: {  	[tilespmem:s12+$0xFFFFFFA0] =	vst v21;
	v49 =	vld [tilespmem:s20+$0x30];
	v22 =	vmul.f32 v45, v44  }
0x39a: {  	v50 =	vld [tilespmem:s20+$0xFFFFFFB0];
	[tilespmem:s10+$0x20] =	vst v15;
	v15 =	vmul.f32 v47, v14  }
0x39b: {  	v21 =	vld [tilespmem:s23+$0xFFFFFFB0];
	v22 =	vmul.f32 v22, v17  }
0x39c: {  	v48 =	vld [tilespmem:s23+$0x30];
	[tilespmem:s20+$0x20] =	vst v15  }
0x39d: {  	v52 =	vld [tilespmem:s15+$0x30];
	[tilespmem:s20+$0xFFFFFFA0] =	vst v22  }
0x39e: {  	v22 =	vld [tilespmem:s15+$0xFFFFFFB0];
	_ =	sdelay $0x1  }
0x39f: {  	v20 =	vmul.f32 v21, v46  }
0x3a0: {  	v11 =	vmul.f32 v48, v11  }
0x3a1: {  	v55 =	vld [tilespmem:s20+$0x40];
	v51 =	vmul.f32 v20, v6;
	v20 =	vmul.f32 v52, v49  }
0x3a2: {  	v58 =	vld [tilespmem:s20+$0xFFFFFFC0];
	v11 =	vmul.f32 v11, v5;
	v21 =	vmul.f32 v22, v50  }
0x3a3: {  	v53 =	vld [tilespmem:s10+$0xFFFFFFC0];
	[tilespmem:s10+$0xFFFFFFB0] =	vst v51;
	v20 =	vmul.f32 v20, v14  }
0x3a4: {  	v54 =	vld [tilespmem:s23+$0xFFFFFFC0];
	[tilespmem:s10+$0x30] =	vst v11;
	v56 =	vmul.f32 v21, v17  }
0x3a5: {  	v57 =	vld [tilespmem:s23+$0x40];
	[tilespmem:s20+$0x30] =	vst v20  }
0x3a6: {  	v20 =	vld [tilespmem:s15+$0x40];
	[tilespmem:s20+$0xFFFFFFB0] =	vst v56  }
0x3a7: {  	v19 =	vmul.f32 v19, v2;
	v59 =	vld [tilespmem:s15+$0xFFFFFFC0];
	_ =	sdelay $0x1  }
0x3a8: {  	[tilespmem:s2+$0x40] =	vst v19;
	v15 =	vmul.f32 v54, v53  }
0x3a9: {  	v19 =	vld [tilespmem:s16+$0x50];
	v10 =	vmul.f32 v57, v10  }
0x3aa: {  	v62 =	vld [tilespmem:s20+$0x50];
	v15 =	vmul.f32 v15, v6;
	v20 =	vmul.f32 v20, v55  }
0x3ab: {  	v60 =	vld [tilespmem:s10+$0xFFFFFFD0];
	v10 =	vmul.f32 v10, v5;
	v11 =	vmul.f32 v59, v58  }
0x3ac: {  	v25 =	vld [tilespmem:s20+$0xFFFFFFD0];
	[tilespmem:s10+$0xFFFFFFC0] =	vst v15;
	v20 =	vmul.f32 v20, v14  }
0x3ad: {  	[tilespmem:s10+$0x40] =	vst v10;
	v61 =	vld [tilespmem:s23+$0xFFFFFFD0];
	v63 =	vmul.f32 v11, v17  }
0x3ae: {  	v8 =	vmul.f32 v19, v8;
	v24 =	vld [tilespmem:s23+$0x50];
	[tilespmem:s20+$0x40] =	vst v20  }
0x3af: {  	v20 =	vld [tilespmem:s15+$0x50];
	[tilespmem:s20+$0xFFFFFFC0] =	vst v63  }
0x3b0: {  	v8 =	vmul.f32 v8, v2;
	v26 =	vld [tilespmem:s15+$0xFFFFFFD0];
	_ =	sdelay $0x1  }
0x3b1: {  	v27 =	vld [tilespmem:s2+$0xFFFFFFF0];
	[tilespmem:s2+$0x50] =	vst v8;
	v15 =	vmul.f32 v61, v60  }
0x3b2: {  	v29 =	vld [tilespmem:s16+$0x60];
	v11 =	vmul.f32 v24, v13  }
0x3b3: {  	v30 =	vld [tilespmem:s20+$0x60];
	v28 =	vmul.f32 v15, v6;
	v33 =	vmul.f32 v20, v62  }
0x3b4: {  	v32 =	vld [tilespmem:s10+$0xFFFFFFE0];
	v31 =	vmul.f32 v11, v5;
	v10 =	vmul.f32 v26, v25  }
0x3b5: {  	v39 =	vld [tilespmem:s20+$0xFFFFFFE0];
	[tilespmem:s10+$0xFFFFFFD0] =	vst v28;
	v38 =	vmul.f32 v33, v14  }
0x3b6: {  	v34 =	vld [tilespmem:s23+$0xFFFFFFE0];
	[tilespmem:s10+$0x50] =	vst v31;
	v35 =	vmul.f32 v10, v17  }
0x3b7: {  	v7 =	vmul.f32 v29, v7;
	v37 =	vld [tilespmem:s23+$0x60];
	[tilespmem:s20+$0x50] =	vst v38  }
0x3b8: {  	v41 =	vld [tilespmem:s15+$0x60];
	[tilespmem:s20+$0xFFFFFFD0] =	vst v35  }
0x3b9: {  	v36 =	vmul.f32 v18, v16;
	v7 =	vmul.f32 v7, v2;
	v40 =	vld [tilespmem:s15+$0xFFFFFFE0]  }
0x3ba: {  	v46 =	vld [tilespmem:s10+$0xFFFFFFF0]  }
0x3bb: {  	v42 =	vld [tilespmem:s9+$0x70];
	[tilespmem:s2+$0x60] =	vst v7;
	v43 =	vmul.f32 v34, v32;
	v10 =	vmul.f32 v36, v1  }
0x3bc: {  	v47 =	vld [tilespmem:s16+$0x70];
	v9 =	vmul.f32 v37, v9  }
0x3bd: {  	v45 =	vld [tilespmem:s20+$0x70];
	[tilespmem:s2+$0xFFFFFFE0] =	vst v10;
	v10 =	vmul.f32 v43, v6;
	v48 =	vmul.f32 v41, v30  }
0x3be: {  	v50 =	vld [tilespmem:s20+$0xFFFFFFF0];
	v9 =	vmul.f32 v9, v5;
	v8 =	vmul.f32 v40, v39  }
0x3bf: {  	v44 =	vld [tilespmem:s16+$0xFFFFFFF0];
	[tilespmem:s10+$0xFFFFFFE0] =	vst v10;
	v10 =	vmul.f32 v48, v14  }
0x3c0: {  	[tilespmem:s10+$0x60] =	vst v9;
	v49 =	vld [tilespmem:s23+$0xFFFFFFF0];
	v8 =	vmul.f32 v8, v17  }
0x3c1: {  	v9 =	vld [tilespmem:s23+$0x70];
	[tilespmem:s20+$0x60] =	vst v10  }
0x3c2: {  	v3 =	vmul.f32 v42, v3;
	v52 =	vld [tilespmem:s15+$0x70];
	[tilespmem:s20+$0xFFFFFFE0] =	vst v8  }
0x3c3: {  	v53 =	vmul.f32 v47, v4;
	v8 =	vld [tilespmem:s15+$0xFFFFFFF0]  }
0x3c4: {  	v0 =	vmul.f32 v3, v0;
	v51 =	vmul.f32 v44, v27  }
0x3c5: {  	v56 =	vmul.f32 v53, v2;
	v55 =	vmul.f32 v49, v46  }
0x3c6: {  	[tilespmem:s0+$0x70] =	vst v0;
	v54 =	vmul.f32 v51, v1;
	v57 =	vmul.f32 v9, v12  }
0x3c7: {  	[tilespmem:s2+$0x70] =	vst v56;
	v58 =	vmul.f32 v55, v6;
	v61 =	vmul.f32 v52, v45  }
0x3c8: {  	[tilespmem:s2+$0xFFFFFFF0] =	vst v54;
	v60 =	vmul.f32 v57, v5;
	v59 =	vmul.f32 v8, v50  }
0x3c9: {  	[tilespmem:s10+$0xFFFFFFF0] =	vst v58;
	v63 =	vmul.f32 v61, v14  }
0x3ca: {  	[tilespmem:s10+$0x70] =	vst v60;
	v62 =	vmul.f32 v59, v17  }
0x3cb: {  	[tilespmem:s20+$0x70] =	vst v63  }
.Ltmp6:
0x3cc: {  	s10 =	simm.s32 $0x380;
	[tilespmem:s20+$0xFFFFFFF0] =	vst v62;
	(pc) =	sbr.rel @p0 .LBB2_12-.Ltmp6, $4  }
0x3cd: {  	[spmem:s1] =	stream.indirect.scatter.add.f32 [tilespmem:s19], [sflag:$0x7], $0x80, s10, s14, $0xb8;
	[tilespmem:$0x1E500] =	vst v63  }
0x3ce: {  	_ =	swait.ge [sflag:s29], $0x2800  }
0x3cf: {  	[sflag:s29] =	ssyncset.done $0x0  }
0x3d0: {  	[sflag:s29] =	ssyncadd.s32 $0xFFFFD800  }
0x3d1: {  	s0 =	smul.u32 $0x140, s13  }
0x3d2: {  	s2 =	rddreg [dreg:$0x14]  }
0x3d3: {  	s0 =	sadd.s32 s0, s2  }
0x3d4: {  	s0 =	sshrl.u32 s0, $0x3  }
0x3d5: {  	s9 =	simm.s32 $0x180;
	s16 =	sadd.s32 s6, s0  }
0x3d6: {  	[tilespmem:s9], [sflag:$0x4] =	stream.linear.gather [hbm4b:s16+s4], $0x50, $0x38;
	[tilespmem:$0x1E500] =	vst v63  }
0x3d7: {  	s0 =	sadd.s32 s7, s0  }
0x3d8: {  	[tilespmem:s10], [sflag:$0x4] =	stream.linear.gather [hbm4b:s0+s4], $0x50, $0x38;
	[tilespmem:$0x1E500] =	vst v63  }
0x3d9: {  	_ =	swait.ge [sflag:s18], $0x50  }
0x3da: {  	[sflag:s18] =	ssyncset.done $0x0  }
0x3db: {  	[sflag:s18] =	ssyncadd.s32 $0xFFFFFFB0  }
0x3dc: {  	_ =	swait.ge [sflag:s18], $0x50  }
0x3dd: {  	[sflag:s18] =	ssyncset.done $0x0  }
0x3de: {  	s20 =	smul.u32 $0x500, s31;
	s23 =	simm.s32 $0x80;
	[sflag:s18] =	ssyncadd.s32 $0xFFFFFFB0  }
0x3df: {  	s26 =	smul.u32 $0x50, s31;
	s30 =	simm.s32 $0x7C00;
	s3 =	rddreg [dreg:$0x0]  }
0x3e0: {  	[tilespmem:s19], [sflag:$0x6] =	stream.indirect.gather [hbm4b:s3+s14], $0x80, s23, s14, $0xb8;
	[tilespmem:$0x1E500] =	vst v63  }
.Ltmp7:
0x3e1: {  	s31 =	sadd.s32 s8, s26;
	s0 =	sadd.s32 s22, s20;
	(pc) =	sbr.rel .LBB2_2-.Ltmp7, $4  }
0x3e2: {  	[tilespmem:s30], [sflag:$0x6] =	stream.linear.gather [hbm4b:s0+s4], $0x2800, $0x38;
	[tilespmem:$0x1E500] =	vst v63  }
0x3e3: {  	s0 =	sshrl.u32 s31, $0x3  }
0x3e4: {  	s13 =	sadd.s32 $0x1, s13;
	s0 =	sadd.s32 s5, s0  }
0x3e5: {  	[tilespmem:s21], [sflag:$0x6] =	stream.linear.gather [hbm4b:s0+s4], $0x50, $0x38;
	[tilespmem:$0x1E500] =	vst v63  }
.LBB2_13:
0x3e6: {  	_ =	sfence.sel $0x180000  }
0x3e7: {  	[bflag:$0x0] =	sbarrier.arrive $0xFFFF  }
0x3e8: {  	_ =	strace $0x90000047  }
0x3e9: {  	s0 =	stileid.u32;
	[bflag:$0x2] =	sbarrier.arrive $0xFFFF  }
0x3ea: {  	p0 =	sne.s32 s0, $0x0;
	s0 =	rddreg [dreg:$0x3]  }
0x3eb: {  	s0 =	sadd.s32 @!p0 $0x100000, s0  }
0x3ec: {  	[sflag:s0] =	ssyncadd.tile.s32 @!p0 $0x1;
	_ =	shalt  }
.Lfunc_end2:
_tile_overlayer_lowered:
.L_overlay_start_2:
0x3ed: {  	(tag) =	ssettag $0x2  }
0x3ee: {  	s0 =	rddreg [dreg:$0x0];
	s2 =	stileid.u32  }
0x3ef: {  	s1 =	rddreg [dreg:$0x1];
	p0 =	sne.s32 s2, $0x0  }
0x3f0: {  	s3 =	rddreg [dreg:$0x2];
	[bflag:$0x3] =	sbarrier.arrive $0xFFFF;
	s2 =	simm.s32 @!p0 $0x1C07  }
0x3f1: {  	[timem:s3], [sflag:s2] =	dma.local @!p0 [hbm:s0], s1  }
0x3f2: {  	s0 =	simm.s32 @!p0 $0x7  }
0x3f3: {  	_ =	swait.ge @!p0 [sflag:s0], s1  }
0x3f4: {  	s1 =	ssub.s32 @!p0 $0x0, s1;
	[sflag:s0] =	ssyncset.done @!p0 $0x0  }
0x3f5: {  	[sflag:s0] =	ssyncadd.s32 @!p0 s1  }
0x3f6: {  	[bflag:$0x3] =	sbarrier.arrive $0xFFFF  }
0x3f7: {  	_ =	shalt  }

</sc_bundles>
